<compile_context>
chip_gen: v7x
topology: tpu7x:2x2x1
jax: 0.10.2.dev20260603
libtpu: 0.0.44.dev20260713+nightly
codegen_flags: <defaults>
</compile_context>

<pallas_src>
import functools

import jax
import jax.numpy as jnp
from jax import lax
from jax.experimental import pallas as pl
from jax.experimental.pallas import tpu as pltpu
from jax.experimental.pallas import tpu_sc as plsc

N = 10000
E = 320000
D_IN = 128
H = 64

NW = 32
EB = 125
NJ = 80
EPT = NJ * EB
NACC = N
RPS = N // 16
ZB = 125
DEGW = 16

_mesh = plsc.VectorSubcoreMesh(core_axis_name="c", subcore_axis_name="s")


def _fill_rows(buf, nrows, width, val):
    def body(i, _):
        for k in range(width // 16):
            buf[i, pl.ds(k * 16, 16)] = jnp.full((16,), val, jnp.float32)
        return 0
    lax.fori_loop(0, nrows, body, 0)



@functools.partial(
    pl.kernel,
    out_type=jax.ShapeDtypeStruct((2, N, 128), jnp.float32),
    mesh=_mesh,
    compiler_params=pltpu.CompilerParams(use_tc_tiling_on_sc=False),
    scratch_types=[
        pltpu.VMEM_SHARED((NACC, DEGW), jnp.float32),
        pltpu.VMEM((NJ, EB), jnp.int32),
        pltpu.VMEM((EB, DEGW), jnp.float32),
    ],
)
def _sc_degree(ei_hbm, out_hbm, acc, idx_d, buf):
    cid = lax.axis_index("c")
    sid = lax.axis_index("s")
    wid = sid * 2 + cid

    _fill_rows(buf, EB, DEGW, 0.0)
    for k in range(RPS // ZB):
        pltpu.sync_copy(buf.at[pl.ds(0, ZB)],
                        acc.at[pl.ds(sid * RPS + k * ZB, ZB)])
    plsc.subcore_barrier()

    pltpu.sync_copy(ei_hbm.at[1, wid], idx_d)
    _fill_rows(buf, EB, DEGW, 1.0)

    def body(j, _):
        pltpu.sync_copy(buf, acc.at[idx_d.at[j]], add=True)
        return 0
    lax.fori_loop(0, NJ, body, 0)
    plsc.subcore_barrier()

    pltpu.sync_copy(acc.at[pl.ds(sid * RPS, RPS)],
                    out_hbm.at[cid, pl.ds(sid * RPS, RPS), pl.ds(0, DEGW)])



@functools.partial(
    pl.kernel,
    out_type=jax.ShapeDtypeStruct((2, N, 128), jnp.float32),
    mesh=_mesh,
    compiler_params=pltpu.CompilerParams(use_tc_tiling_on_sc=False),
    scratch_types=[
        pltpu.VMEM_SHARED((NACC, H), jnp.float32),
        pltpu.VMEM((NJ, EB), jnp.int32),
        pltpu.VMEM((NJ, EB), jnp.int32),
        pltpu.VMEM((4, EB, H), jnp.float32),
        pltpu.VMEM((ZB, H), jnp.float32),
        pltpu.SemaphoreType.DMA((4,)),
    ],
)
def _sc_aggregate(g_hbm, ei_hbm, out_hbm,
                  acc, idx_s, idx_d, rows, zbuf, sem):
    cid = lax.axis_index("c")
    sid = lax.axis_index("s")
    wid = sid * 2 + cid

    _fill_rows(zbuf, ZB, H, 0.0)
    for k in range(RPS // ZB):
        pltpu.sync_copy(zbuf, acc.at[pl.ds(sid * RPS + k * ZB, ZB)])
    plsc.subcore_barrier()

    pltpu.sync_copy(ei_hbm.at[0, wid], idx_s)
    pltpu.sync_copy(ei_hbm.at[1, wid], idx_d)

    for b in range(3):
        pltpu.async_copy(g_hbm.at[idx_s.at[b]], rows.at[b], sem.at[b])

    def body(i, _):
        for b in range(4):
            j = i * 4 + b
            pltpu.make_async_copy(
                g_hbm.at[idx_s.at[0]], rows.at[b], sem.at[b]).wait()
            jn = jnp.minimum(j + 3, NJ - 1)
            bn = (b + 3) % 4
            pltpu.async_copy(g_hbm.at[idx_s.at[jn]], rows.at[bn], sem.at[bn])
            pltpu.sync_copy(rows.at[b], acc.at[idx_d.at[j]], add=True)
        return 0
    lax.fori_loop(0, NJ // 4, body, 0)
    for b in range(3):
        pltpu.make_async_copy(
            g_hbm.at[idx_s.at[0]], rows.at[b], sem.at[b]).wait()
    plsc.subcore_barrier()

    pltpu.sync_copy(acc.at[pl.ds(sid * RPS, RPS)],
                    out_hbm.at[cid, pl.ds(sid * RPS, RPS), pl.ds(0, H)])



_RB = 2000
_GRID = N // _RB


def _tc0_body(x_ref, w1_ref, u_ref):
    u_ref[...] = jnp.dot(x_ref[...], w1_ref[...],
                         preferred_element_type=jnp.float32)


def _tc1_body(u_ref, dp_ref, g1_ref):
    deg = dp_ref[0, :, 0:1] + dp_ref[1, :, 0:1] + 1.0
    dinv = lax.rsqrt(deg)
    g1_ref[...] = jnp.concatenate(
        [u_ref[...] * dinv, jnp.broadcast_to(dinv, (_RB, H))], axis=1)


def _tc2_body(p_ref, g_ref, w_ref, b_ref, g2_ref):
    gb = g_ref[...]
    g = gb[:, :H]
    dinv = gb[:, H:H + 1]
    h = dinv * (p_ref[0, :, :H] + p_ref[1, :, :H] + g) + b_ref[...]
    g2 = jnp.dot(h, w_ref[...], preferred_element_type=jnp.float32) * dinv
    g2_ref[...] = jnp.concatenate(
        [g2, jnp.broadcast_to(dinv, (_RB, H))], axis=1)


def _tc3_body(p_ref, g_ref, b2_ref,
              l1w_ref, l1b_ref, l2w_ref, l2b_ref, l3w_ref, l3b_ref, out_ref):
    gb = g_ref[...]
    dinv = gb[:, H:H + 1]
    h = dinv * (p_ref[0, :, :H] + p_ref[1, :, :H] + gb[:, :H]) + b2_ref[...]
    a = jnp.maximum(
        jnp.dot(h, l1w_ref[...], preferred_element_type=jnp.float32)
        + l1b_ref[...], 0.0)
    a = jnp.maximum(
        jnp.dot(a, l2w_ref[...], preferred_element_type=jnp.float32)
        + l2b_ref[...], 0.0)
    out_ref[...] = (jnp.dot(a, l3w_ref[...], preferred_element_type=jnp.float32)
                    + l3b_ref[...])


def _row_spec(w):
    return pl.BlockSpec((_RB, w), lambda i: (i, 0))


def _par_spec(w):
    return pl.BlockSpec((2, _RB, w), lambda i: (0, i, 0))


def _full_spec(shape):
    return pl.BlockSpec(shape, lambda i: tuple(0 for _ in shape))


def kernel(x, edge_index, W1, b1, W2, b2,
           lin1_W, lin1_b, lin2_W, lin2_b, lin3_W, lin3_b):
    ei = jnp.concatenate(
        [edge_index[0:1] * 2, edge_index[1:2]],
        axis=0).astype(jnp.int32).reshape(2, NW, NJ, EB)

    deg_par = _sc_degree(ei)

    u1 = pl.pallas_call(
        _tc0_body,
        grid=(_GRID,),
        in_specs=[_row_spec(D_IN), _full_spec((D_IN, H))],
        out_specs=_row_spec(H),
        out_shape=jax.ShapeDtypeStruct((N, H), jnp.float32),
    )(x, W1)

    g1 = pl.pallas_call(
        _tc1_body,
        grid=(_GRID,),
        in_specs=[_row_spec(H), _par_spec(128)],
        out_specs=_row_spec(128),
        out_shape=jax.ShapeDtypeStruct((N, 128), jnp.float32),
    )(u1, deg_par)

    p1 = _sc_aggregate(g1.reshape(2 * N, H), ei)

    g2 = pl.pallas_call(
        _tc2_body,
        grid=(_GRID,),
        in_specs=[_par_spec(128), _row_spec(128),
                  _full_spec((H, H)), _full_spec((1, H))],
        out_specs=_row_spec(128),
        out_shape=jax.ShapeDtypeStruct((N, 128), jnp.float32),
    )(p1, g1, W2, b1.reshape(1, H))

    p2 = _sc_aggregate(g2.reshape(2 * N, H), ei)

    out = pl.pallas_call(
        _tc3_body,
        grid=(_GRID,),
        in_specs=[_par_spec(128), _row_spec(128),
                  _full_spec((1, H)),
                  _full_spec((H, 64)), _full_spec((1, 64)),
                  _full_spec((64, 32)), _full_spec((1, 32)),
                  _full_spec((32, 1)), _full_spec((1, 1))],
        out_specs=_row_spec(1),
        out_shape=jax.ShapeDtypeStruct((N, 1), jnp.float32),
    )(p2, g2, b2.reshape(1, H),
      lin1_W, lin1_b.reshape(1, 64),
      lin2_W, lin2_b.reshape(1, 32),
      lin3_W, lin3_b.reshape(1, 1))

    return out

# --- scband reference (transcript-rebuilt; emitter-appended) ---
"""Pipeline reference for scband-base-model-13752485281942 (READ-ONLY COPY).

The authoritative reference and input builder live on the scoring server;
editing this copy changes nothing except your own understanding.
"""

import jax, jax.numpy as jnp
import numpy as np

N = 10000
E = 320000
D_IN = 128
D_HID = 64


def gcn_layer(x, edge_index, W, b):
    n = x.shape[0]
    src = edge_index[0]
    dst = edge_index[1]
    loop = jnp.arange(n, dtype=src.dtype)
    src = jnp.concatenate([src, loop])
    dst = jnp.concatenate([dst, loop])
    deg = jnp.zeros((n,), x.dtype).at[dst].add(1.0)
    dinv = jnp.where(deg > 0, jax.lax.rsqrt(deg), 0.0)
    norm = dinv[src] * dinv[dst]
    h = x @ W
    msg = h[src] * norm[:, None]
    out = jnp.zeros((n, W.shape[1]), x.dtype).at[dst].add(msg)
    return out + b


def setup_inputs(seed: int = 0) -> dict:
    key = jax.random.key(seed)
    ks = [jax.random.fold_in(key, i) for i in range(16)]
    x = jax.random.normal(ks[0], (N, D_IN), dtype=jnp.float32)
    edge_index = jax.random.randint(ks[1], (2, E), 0, N, dtype=jnp.int64)
    W1 = jax.random.normal(ks[2], (D_IN, D_HID), dtype=jnp.float32) * (1.0 / np.sqrt(D_IN))
    b1 = jnp.zeros((D_HID,), jnp.float32)
    W2 = jax.random.normal(ks[3], (D_HID, D_HID), dtype=jnp.float32) * (1.0 / np.sqrt(D_HID))
    b2 = jnp.zeros((D_HID,), jnp.float32)
    lin1_W = jax.random.normal(ks[4], (D_HID, 64), dtype=jnp.float32) * (1.0 / np.sqrt(D_HID))
    lin1_b = jnp.zeros((64,), jnp.float32)
    lin2_W = jax.random.normal(ks[5], (64, 32), dtype=jnp.float32) * (1.0 / np.sqrt(64))
    lin2_b = jnp.zeros((32,), jnp.float32)
    lin3_W = jax.random.normal(ks[6], (32, 1), dtype=jnp.float32) * (1.0 / np.sqrt(32))
    lin3_b = jnp.zeros((1,), jnp.float32)
    return {"x": x, "edge_index": edge_index, "W1": W1, "b1": b1, "W2": W2, "b2": b2,
            "lin1_W": lin1_W, "lin1_b": lin1_b, "lin2_W": lin2_W, "lin2_b": lin2_b,
            "lin3_W": lin3_W, "lin3_b": lin3_b}


def reference(x, edge_index, W1, b1, W2, b2, lin1_W, lin1_b, lin2_W, lin2_b, lin3_W, lin3_b):
    h = gcn_layer(x.astype(jnp.float32), edge_index, W1, b1)
    h = gcn_layer(h, edge_index, W2, b2)
    h = jax.nn.relu(h @ lin1_W + lin1_b)
    h = jax.nn.relu(h @ lin2_W + lin2_b)
    return h @ lin3_W + lin3_b

if __name__ == "__main__":
    import jax
    _d = setup_inputs()
    print(jax.jit(kernel)(*tuple(_d.values())))

</pallas_src>

<mosaic_0001>
#map = affine_map<(d0, d1) -> (0, 0)>
#map1 = affine_map<(d0, d1) -> (0, 0, 0, 0)>
#map2 = affine_map<(d0, d1) -> (0, 0, 0)>
module attributes {stable_mosaic.version = 14 : i64} {
  func.func @_sc_aggregate(%arg0: i32, %arg1: i32, %arg2: memref<20000x64xf32, #tpu.memory_space<hbm>>, %arg3: memref<2x32x80x125xi32, #tpu.memory_space<hbm>>, %arg4: memref<2x10000x128xf32, #tpu.memory_space<hbm>>, %arg5: memref<10000x64xf32, #tpu.memory_space<vmem_shared>>, %arg6: memref<80x125xi32, #tpu.memory_space<vmem>>, %arg7: memref<80x125xi32, #tpu.memory_space<vmem>>, %arg8: memref<4x125x64xf32, #tpu.memory_space<vmem>>, %arg9: memref<125x64xf32, #tpu.memory_space<vmem>>, %arg10: memref<4x!tpu.dma_semaphore, #tpu.memory_space<semaphore_mem>>) attributes {dimension_semantics = [#tpu.dimension_semantics<core_parallel>, #tpu.dimension_semantics<subcore_parallel>], iteration_bounds = array<i64: 2, 16>, scalar_prefetch = 0 : i64, scratch_operands = 6 : i64, tpu.core_type = #tpu.core_type<sc_vector_subcore>, window_params = [{transform_indices = #map}, {transform_indices = #map1}, {transform_indices = #map2}]} {
    %mul3A = arith.constant 2 : i32
    %mul3A_0 = arith.muli %arg1, %mul3A : i32
    %add3A = arith.addi %mul3A_0, %arg0 : i32
    %scan3A = arith.constant 0 : i32
    %scan3A_1 = arith.constant 0 : i32
    %scan3A_2 = arith.constant 125 : i32
    %scan3A_3 = arith.addi %scan3A_1, %scan3A_2 : i32
    %scan3A_4 = arith.constant 1 : i32
    %scan3A_5 = scf.for %scan3A_128 = %scan3A_1 to %scan3A_3 step %scan3A_4 iter_args(%scan3A_129 = %scan3A) -> (i32)  : i32 {
      %broadcast_in_dim3A = arith.constant 0.000000e+00 : f32
      %broadcast_in_dim3A_130 = vector.broadcast %broadcast_in_dim3A : f32 to vector<16xf32>
      %swap3A = arith.index_cast %scan3A_128 : i32 to index
      %swap3A_131 = arith.constant 0 : index
      %swap3A_132 = tpu.vector_load %arg9[%swap3A, %swap3A_131] {strides = array<i32>} : memref<125x64xf32, #tpu.memory_space<vmem>>, vector<1x16xf32>,
      %swap3A_133 = vector.shape_cast %swap3A_132 : vector<1x16xf32> to vector<16xf32>
      %swap3A_134 = vector.shape_cast %broadcast_in_dim3A_130 : vector<16xf32> to vector<1x16xf32>
      tpu.vector_store %arg9[%swap3A, %swap3A_131], %swap3A_134 {strides = array<i32>} : memref<125x64xf32, #tpu.memory_space<vmem>>, vector<1x16xf32>,
      %broadcast_in_dim3A_135 = arith.constant 0.000000e+00 : f32
      %broadcast_in_dim3A_136 = vector.broadcast %broadcast_in_dim3A_135 : f32 to vector<16xf32>
      %swap3A_137 = arith.index_cast %scan3A_128 : i32 to index
      %swap3A_138 = arith.constant 16 : index
      %swap3A_139 = tpu.vector_load %arg9[%swap3A_137, %swap3A_138] {strides = array<i32>} : memref<125x64xf32, #tpu.memory_space<vmem>>, vector<1x16xf32>,
      %swap3A_140 = vector.shape_cast %swap3A_139 : vector<1x16xf32> to vector<16xf32>
      %swap3A_141 = vector.shape_cast %broadcast_in_dim3A_136 : vector<16xf32> to vector<1x16xf32>
      tpu.vector_store %arg9[%swap3A_137, %swap3A_138], %swap3A_141 {strides = array<i32>} : memref<125x64xf32, #tpu.memory_space<vmem>>, vector<1x16xf32>,
      %broadcast_in_dim3A_142 = arith.constant 0.000000e+00 : f32
      %broadcast_in_dim3A_143 = vector.broadcast %broadcast_in_dim3A_142 : f32 to vector<16xf32>
      %swap3A_144 = arith.index_cast %scan3A_128 : i32 to index
      %swap3A_145 = arith.constant 32 : index
      %swap3A_146 = tpu.vector_load %arg9[%swap3A_144, %swap3A_145] {strides = array<i32>} : memref<125x64xf32, #tpu.memory_space<vmem>>, vector<1x16xf32>,
      %swap3A_147 = vector.shape_cast %swap3A_146 : vector<1x16xf32> to vector<16xf32>
      %swap3A_148 = vector.shape_cast %broadcast_in_dim3A_143 : vector<16xf32> to vector<1x16xf32>
      tpu.vector_store %arg9[%swap3A_144, %swap3A_145], %swap3A_148 {strides = array<i32>} : memref<125x64xf32, #tpu.memory_space<vmem>>, vector<1x16xf32>,
      %broadcast_in_dim3A_149 = arith.constant 0.000000e+00 : f32
      %broadcast_in_dim3A_150 = vector.broadcast %broadcast_in_dim3A_149 : f32 to vector<16xf32>
      %swap3A_151 = arith.index_cast %scan3A_128 : i32 to index
      %swap3A_152 = arith.constant 48 : index
      %swap3A_153 = tpu.vector_load %arg9[%swap3A_151, %swap3A_152] {strides = array<i32>} : memref<125x64xf32, #tpu.memory_space<vmem>>, vector<1x16xf32>,
      %swap3A_154 = vector.shape_cast %swap3A_153 : vector<1x16xf32> to vector<16xf32>
      %swap3A_155 = vector.shape_cast %broadcast_in_dim3A_150 : vector<16xf32> to vector<1x16xf32>
      tpu.vector_store %arg9[%swap3A_151, %swap3A_152], %swap3A_155 {strides = array<i32>} : memref<125x64xf32, #tpu.memory_space<vmem>>, vector<1x16xf32>,
      %scan3A_156 = arith.constant 0 : i32
      scf.yield %scan3A_156 : i32
    }
    %scan3A_6 = arith.constant 125 : i32
    %mul3A_7 = arith.constant 625 : i32
    %mul3A_8 = arith.muli %arg1, %mul3A_7 : i32
    %add3A_9 = arith.constant 0 : i32
    %add3A_10 = arith.addi %mul3A_8, %add3A_9 : i32
    "tpu.region"() ({
      %run_scoped3A_128 = tpu.sem_alloc : memref<!tpu.dma_semaphore, #tpu.memory_space<semaphore_mem>>
      %dma_start3A_129 = arith.constant 0 : i32
      %dma_start3A_130 = tpu.memref_slice %arg5[%add3A_10, %dma_start3A_129] : memref<10000x64xf32, #tpu.memory_space<vmem_shared>> -> memref<125x64xf32, #tpu.memory_space<vmem_shared>>
      %dma_start3A_131 = arith.constant 0 : i32
      %dma_start3A_132 = tpu.memref_slice %arg5[%add3A_10, %dma_start3A_131] : memref<10000x64xf32, #tpu.memory_space<vmem_shared>> -> memref<125x64xf32, #tpu.memory_space<vmem_shared>>
      tpu.enqueue_dma source(%arg9 : memref<125x64xf32, #tpu.memory_space<vmem>>) target(%dma_start3A_132 : memref<125x64xf32, #tpu.memory_space<vmem_shared>>) target_semaphore(%run_scoped3A_128 : memref<!tpu.dma_semaphore, #tpu.memory_space<semaphore_mem>>)
      %dma_wait3A_133 = arith.constant 0 : i32
      %dma_wait3A_134 = tpu.memref_slice %arg5[%add3A_10, %dma_wait3A_133] : memref<10000x64xf32, #tpu.memory_space<vmem_shared>> -> memref<125x64xf32, #tpu.memory_space<vmem_shared>>
      %dma_wait3A_135 = arith.constant 0 : i32
      %dma_wait3A_136 = tpu.memref_slice %arg5[%add3A_10, %dma_wait3A_135] : memref<10000x64xf32, #tpu.memory_space<vmem_shared>> -> memref<125x64xf32, #tpu.memory_space<vmem_shared>>
      tpu.wait_dma2 semaphore(%run_scoped3A_128 : memref<!tpu.dma_semaphore, #tpu.memory_space<semaphore_mem>>) src(%arg9 : memref<125x64xf32, #tpu.memory_space<vmem>>) dst(%dma_wait3A_136 : memref<125x64xf32, #tpu.memory_space<vmem_shared>>)
      tpu.yield
    }) : () -> ()
    %mul3A_11 = arith.constant 625 : i32
    %mul3A_12 = arith.muli %arg1, %mul3A_11 : i32
    %add3A_13 = arith.constant 125 : i32
    %add3A_14 = arith.addi %mul3A_12, %add3A_13 : i32
    "tpu.region"() ({
      %run_scoped3A_128 = tpu.sem_alloc : memref<!tpu.dma_semaphore, #tpu.memory_space<semaphore_mem>>
      %dma_start3A_129 = arith.constant 0 : i32
      %dma_start3A_130 = tpu.memref_slice %arg5[%add3A_14, %dma_start3A_129] : memref<10000x64xf32, #tpu.memory_space<vmem_shared>> -> memref<125x64xf32, #tpu.memory_space<vmem_shared>>
      %dma_start3A_131 = arith.constant 0 : i32
      %dma_start3A_132 = tpu.memref_slice %arg5[%add3A_14, %dma_start3A_131] : memref<10000x64xf32, #tpu.memory_space<vmem_shared>> -> memref<125x64xf32, #tpu.memory_space<vmem_shared>>
      tpu.enqueue_dma source(%arg9 : memref<125x64xf32, #tpu.memory_space<vmem>>) target(%dma_start3A_132 : memref<125x64xf32, #tpu.memory_space<vmem_shared>>) target_semaphore(%run_scoped3A_128 : memref<!tpu.dma_semaphore, #tpu.memory_space<semaphore_mem>>)
      %dma_wait3A_133 = arith.constant 0 : i32
      %dma_wait3A_134 = tpu.memref_slice %arg5[%add3A_14, %dma_wait3A_133] : memref<10000x64xf32, #tpu.memory_space<vmem_shared>> -> memref<125x64xf32, #tpu.memory_space<vmem_shared>>
      %dma_wait3A_135 = arith.constant 0 : i32
      %dma_wait3A_136 = tpu.memref_slice %arg5[%add3A_14, %dma_wait3A_135] : memref<10000x64xf32, #tpu.memory_space<vmem_shared>> -> memref<125x64xf32, #tpu.memory_space<vmem_shared>>
      tpu.wait_dma2 semaphore(%run_scoped3A_128 : memref<!tpu.dma_semaphore, #tpu.memory_space<semaphore_mem>>) src(%arg9 : memref<125x64xf32, #tpu.memory_space<vmem>>) dst(%dma_wait3A_136 : memref<125x64xf32, #tpu.memory_space<vmem_shared>>)
      tpu.yield
    }) : () -> ()
    %mul3A_15 = arith.constant 625 : i32
    %mul3A_16 = arith.muli %arg1, %mul3A_15 : i32
    %add3A_17 = arith.constant 250 : i32
    %add3A_18 = arith.addi %mul3A_16, %add3A_17 : i32
    "tpu.region"() ({
      %run_scoped3A_128 = tpu.sem_alloc : memref<!tpu.dma_semaphore, #tpu.memory_space<semaphore_mem>>
      %dma_start3A_129 = arith.constant 0 : i32
      %dma_start3A_130 = tpu.memref_slice %arg5[%add3A_18, %dma_start3A_129] : memref<10000x64xf32, #tpu.memory_space<vmem_shared>> -> memref<125x64xf32, #tpu.memory_space<vmem_shared>>
      %dma_start3A_131 = arith.constant 0 : i32
      %dma_start3A_132 = tpu.memref_slice %arg5[%add3A_18, %dma_start3A_131] : memref<10000x64xf32, #tpu.memory_space<vmem_shared>> -> memref<125x64xf32, #tpu.memory_space<vmem_shared>>
      tpu.enqueue_dma source(%arg9 : memref<125x64xf32, #tpu.memory_space<vmem>>) target(%dma_start3A_132 : memref<125x64xf32, #tpu.memory_space<vmem_shared>>) target_semaphore(%run_scoped3A_128 : memref<!tpu.dma_semaphore, #tpu.memory_space<semaphore_mem>>)
      %dma_wait3A_133 = arith.constant 0 : i32
      %dma_wait3A_134 = tpu.memref_slice %arg5[%add3A_18, %dma_wait3A_133] : memref<10000x64xf32, #tpu.memory_space<vmem_shared>> -> memref<125x64xf32, #tpu.memory_space<vmem_shared>>
      %dma_wait3A_135 = arith.constant 0 : i32
      %dma_wait3A_136 = tpu.memref_slice %arg5[%add3A_18, %dma_wait3A_135] : memref<10000x64xf32, #tpu.memory_space<vmem_shared>> -> memref<125x64xf32, #tpu.memory_space<vmem_shared>>
      tpu.wait_dma2 semaphore(%run_scoped3A_128 : memref<!tpu.dma_semaphore, #tpu.memory_space<semaphore_mem>>) src(%arg9 : memref<125x64xf32, #tpu.memory_space<vmem>>) dst(%dma_wait3A_136 : memref<125x64xf32, #tpu.memory_space<vmem_shared>>)
      tpu.yield
    }) : () -> ()
    %mul3A_19 = arith.constant 625 : i32
    %mul3A_20 = arith.muli %arg1, %mul3A_19 : i32
    %add3A_21 = arith.constant 375 : i32
    %add3A_22 = arith.addi %mul3A_20, %add3A_21 : i32
    "tpu.region"() ({
      %run_scoped3A_128 = tpu.sem_alloc : memref<!tpu.dma_semaphore, #tpu.memory_space<semaphore_mem>>
      %dma_start3A_129 = arith.constant 0 : i32
      %dma_start3A_130 = tpu.memref_slice %arg5[%add3A_22, %dma_start3A_129] : memref<10000x64xf32, #tpu.memory_space<vmem_shared>> -> memref<125x64xf32, #tpu.memory_space<vmem_shared>>
      %dma_start3A_131 = arith.constant 0 : i32
      %dma_start3A_132 = tpu.memref_slice %arg5[%add3A_22, %dma_start3A_131] : memref<10000x64xf32, #tpu.memory_space<vmem_shared>> -> memref<125x64xf32, #tpu.memory_space<vmem_shared>>
      tpu.enqueue_dma source(%arg9 : memref<125x64xf32, #tpu.memory_space<vmem>>) target(%dma_start3A_132 : memref<125x64xf32, #tpu.memory_space<vmem_shared>>) target_semaphore(%run_scoped3A_128 : memref<!tpu.dma_semaphore, #tpu.memory_space<semaphore_mem>>)
      %dma_wait3A_133 = arith.constant 0 : i32
      %dma_wait3A_134 = tpu.memref_slice %arg5[%add3A_22, %dma_wait3A_133] : memref<10000x64xf32, #tpu.memory_space<vmem_shared>> -> memref<125x64xf32, #tpu.memory_space<vmem_shared>>
      %dma_wait3A_135 = arith.constant 0 : i32
      %dma_wait3A_136 = tpu.memref_slice %arg5[%add3A_22, %dma_wait3A_135] : memref<10000x64xf32, #tpu.memory_space<vmem_shared>> -> memref<125x64xf32, #tpu.memory_space<vmem_shared>>
      tpu.wait_dma2 semaphore(%run_scoped3A_128 : memref<!tpu.dma_semaphore, #tpu.memory_space<semaphore_mem>>) src(%arg9 : memref<125x64xf32, #tpu.memory_space<vmem>>) dst(%dma_wait3A_136 : memref<125x64xf32, #tpu.memory_space<vmem_shared>>)
      tpu.yield
    }) : () -> ()
    %mul3A_23 = arith.constant 625 : i32
    %mul3A_24 = arith.muli %arg1, %mul3A_23 : i32
    %add3A_25 = arith.constant 500 : i32
    %add3A_26 = arith.addi %mul3A_24, %add3A_25 : i32
    "tpu.region"() ({
      %run_scoped3A_128 = tpu.sem_alloc : memref<!tpu.dma_semaphore, #tpu.memory_space<semaphore_mem>>
      %dma_start3A_129 = arith.constant 0 : i32
      %dma_start3A_130 = tpu.memref_slice %arg5[%add3A_26, %dma_start3A_129] : memref<10000x64xf32, #tpu.memory_space<vmem_shared>> -> memref<125x64xf32, #tpu.memory_space<vmem_shared>>
      %dma_start3A_131 = arith.constant 0 : i32
      %dma_start3A_132 = tpu.memref_slice %arg5[%add3A_26, %dma_start3A_131] : memref<10000x64xf32, #tpu.memory_space<vmem_shared>> -> memref<125x64xf32, #tpu.memory_space<vmem_shared>>
      tpu.enqueue_dma source(%arg9 : memref<125x64xf32, #tpu.memory_space<vmem>>) target(%dma_start3A_132 : memref<125x64xf32, #tpu.memory_space<vmem_shared>>) target_semaphore(%run_scoped3A_128 : memref<!tpu.dma_semaphore, #tpu.memory_space<semaphore_mem>>)
      %dma_wait3A_133 = arith.constant 0 : i32
      %dma_wait3A_134 = tpu.memref_slice %arg5[%add3A_26, %dma_wait3A_133] : memref<10000x64xf32, #tpu.memory_space<vmem_shared>> -> memref<125x64xf32, #tpu.memory_space<vmem_shared>>
      %dma_wait3A_135 = arith.constant 0 : i32
      %dma_wait3A_136 = tpu.memref_slice %arg5[%add3A_26, %dma_wait3A_135] : memref<10000x64xf32, #tpu.memory_space<vmem_shared>> -> memref<125x64xf32, #tpu.memory_space<vmem_shared>>
      tpu.wait_dma2 semaphore(%run_scoped3A_128 : memref<!tpu.dma_semaphore, #tpu.memory_space<semaphore_mem>>) src(%arg9 : memref<125x64xf32, #tpu.memory_space<vmem>>) dst(%dma_wait3A_136 : memref<125x64xf32, #tpu.memory_space<vmem_shared>>)
      tpu.yield
    }) : () -> ()
    %barrier3A = arith.constant 0 : index
    tpu.barrier barrier_id(%barrier3A)
    %run_scoped3A = arith.constant 0 : i32
    "tpu.region"() ({
      %run_scoped3A_128 = tpu.sem_alloc : memref<!tpu.dma_semaphore, #tpu.memory_space<semaphore_mem>>
      %dma_start3A_129 = arith.constant 0 : i32
      %dma_start3A_130 = arith.constant 0 : i32
      %dma_start3A_131 = tpu.memref_slice %arg3[%run_scoped3A, %add3A, %dma_start3A_129, %dma_start3A_130] : memref<2x32x80x125xi32, #tpu.memory_space<hbm>> -> memref<1x1x80x125xi32, #tpu.memory_space<hbm>>
      %dma_start3A_132 = tpu.memref_squeeze %dma_start3A_131 : memref<1x1x80x125xi32, #tpu.memory_space<hbm>> -> memref<80x125xi32, #tpu.memory_space<hbm>>
      %dma_start3A_133 = arith.constant 0 : i32
      %dma_start3A_134 = arith.constant 0 : i32
      %dma_start3A_135 = tpu.memref_slice %arg3[%run_scoped3A, %add3A, %dma_start3A_133, %dma_start3A_134] : memref<2x32x80x125xi32, #tpu.memory_space<hbm>> -> memref<1x1x80x125xi32, #tpu.memory_space<hbm>>
      %dma_start3A_136 = tpu.memref_squeeze %dma_start3A_135 : memref<1x1x80x125xi32, #tpu.memory_space<hbm>> -> memref<80x125xi32, #tpu.memory_space<hbm>>
      tpu.enqueue_dma source(%dma_start3A_136 : memref<80x125xi32, #tpu.memory_space<hbm>>) target(%arg6 : memref<80x125xi32, #tpu.memory_space<vmem>>) target_semaphore(%run_scoped3A_128 : memref<!tpu.dma_semaphore, #tpu.memory_space<semaphore_mem>>)
      %dma_wait3A_137 = arith.constant 0 : i32
      %dma_wait3A_138 = arith.constant 0 : i32
      %dma_wait3A_139 = tpu.memref_slice %arg3[%run_scoped3A, %add3A, %dma_wait3A_137, %dma_wait3A_138] : memref<2x32x80x125xi32, #tpu.memory_space<hbm>> -> memref<1x1x80x125xi32, #tpu.memory_space<hbm>>
      %dma_wait3A_140 = tpu.memref_squeeze %dma_wait3A_139 : memref<1x1x80x125xi32, #tpu.memory_space<hbm>> -> memref<80x125xi32, #tpu.memory_space<hbm>>
      %dma_wait3A_141 = arith.constant 0 : i32
      %dma_wait3A_142 = arith.constant 0 : i32
      %dma_wait3A_143 = tpu.memref_slice %arg3[%run_scoped3A, %add3A, %dma_wait3A_141, %dma_wait3A_142] : memref<2x32x80x125xi32, #tpu.memory_space<hbm>> -> memref<1x1x80x125xi32, #tpu.memory_space<hbm>>
      %dma_wait3A_144 = tpu.memref_squeeze %dma_wait3A_143 : memref<1x1x80x125xi32, #tpu.memory_space<hbm>> -> memref<80x125xi32, #tpu.memory_space<hbm>>
      tpu.wait_dma2 semaphore(%run_scoped3A_128 : memref<!tpu.dma_semaphore, #tpu.memory_space<semaphore_mem>>) src(%dma_wait3A_144 : memref<80x125xi32, #tpu.memory_space<hbm>>) dst(%arg6 : memref<80x125xi32, #tpu.memory_space<vmem>>)
      tpu.yield
    }) : () -> ()
    %run_scoped3A_27 = arith.constant 1 : i32
    "tpu.region"() ({
      %run_scoped3A_128 = tpu.sem_alloc : memref<!tpu.dma_semaphore, #tpu.memory_space<semaphore_mem>>
      %dma_start3A_129 = arith.constant 0 : i32
      %dma_start3A_130 = arith.constant 0 : i32
      %dma_start3A_131 = tpu.memref_slice %arg3[%run_scoped3A_27, %add3A, %dma_start3A_129, %dma_start3A_130] : memref<2x32x80x125xi32, #tpu.memory_space<hbm>> -> memref<1x1x80x125xi32, #tpu.memory_space<hbm>>
      %dma_start3A_132 = tpu.memref_squeeze %dma_start3A_131 : memref<1x1x80x125xi32, #tpu.memory_space<hbm>> -> memref<80x125xi32, #tpu.memory_space<hbm>>
      %dma_start3A_133 = arith.constant 0 : i32
      %dma_start3A_134 = arith.constant 0 : i32
      %dma_start3A_135 = tpu.memref_slice %arg3[%run_scoped3A_27, %add3A, %dma_start3A_133, %dma_start3A_134] : memref<2x32x80x125xi32, #tpu.memory_space<hbm>> -> memref<1x1x80x125xi32, #tpu.memory_space<hbm>>
      %dma_start3A_136 = tpu.memref_squeeze %dma_start3A_135 : memref<1x1x80x125xi32, #tpu.memory_space<hbm>> -> memref<80x125xi32, #tpu.memory_space<hbm>>
      tpu.enqueue_dma source(%dma_start3A_136 : memref<80x125xi32, #tpu.memory_space<hbm>>) target(%arg7 : memref<80x125xi32, #tpu.memory_space<vmem>>) target_semaphore(%run_scoped3A_128 : memref<!tpu.dma_semaphore, #tpu.memory_space<semaphore_mem>>)
      %dma_wait3A_137 = arith.constant 0 : i32
      %dma_wait3A_138 = arith.constant 0 : i32
      %dma_wait3A_139 = tpu.memref_slice %arg3[%run_scoped3A_27, %add3A, %dma_wait3A_137, %dma_wait3A_138] : memref<2x32x80x125xi32, #tpu.memory_space<hbm>> -> memref<1x1x80x125xi32, #tpu.memory_space<hbm>>
      %dma_wait3A_140 = tpu.memref_squeeze %dma_wait3A_139 : memref<1x1x80x125xi32, #tpu.memory_space<hbm>> -> memref<80x125xi32, #tpu.memory_space<hbm>>
      %dma_wait3A_141 = arith.constant 0 : i32
      %dma_wait3A_142 = arith.constant 0 : i32
      %dma_wait3A_143 = tpu.memref_slice %arg3[%run_scoped3A_27, %add3A, %dma_wait3A_141, %dma_wait3A_142] : memref<2x32x80x125xi32, #tpu.memory_space<hbm>> -> memref<1x1x80x125xi32, #tpu.memory_space<hbm>>
      %dma_wait3A_144 = tpu.memref_squeeze %dma_wait3A_143 : memref<1x1x80x125xi32, #tpu.memory_space<hbm>> -> memref<80x125xi32, #tpu.memory_space<hbm>>
      tpu.wait_dma2 semaphore(%run_scoped3A_128 : memref<!tpu.dma_semaphore, #tpu.memory_space<semaphore_mem>>) src(%dma_wait3A_144 : memref<80x125xi32, #tpu.memory_space<hbm>>) dst(%arg7 : memref<80x125xi32, #tpu.memory_space<vmem>>)
      tpu.yield
    }) : () -> ()
    %dma_start3A = arith.constant 0 : i32
    %dma_start3A_28 = arith.constant 0 : i32
    %dma_start3A_29 = arith.constant 0 : i32
    %dma_start3A_30 = arith.constant 0 : i32
    %dma_start3A_31 = arith.constant 0 : i32
    %dma_start3A_32 = tpu.memref_slice %arg8[%dma_start3A_28, %dma_start3A_30, %dma_start3A_31] : memref<4x125x64xf32, #tpu.memory_space<vmem>> -> memref<1x125x64xf32, #tpu.memory_space<vmem>>
    %dma_start3A_33 = tpu.memref_squeeze %dma_start3A_32 : memref<1x125x64xf32, #tpu.memory_space<vmem>> -> memref<125x64xf32, #tpu.memory_space<vmem>>
    %dma_start3A_34 = arith.constant 0 : i32
    %dma_start3A_35 = tpu.memref_slice %arg6[%dma_start3A, %dma_start3A_34] : memref<80x125xi32, #tpu.memory_space<vmem>> -> memref<1x125xi32, #tpu.memory_space<vmem>>
    %dma_start3A_36 = tpu.memref_squeeze %dma_start3A_35 : memref<1x125xi32, #tpu.memory_space<vmem>> -> memref<125xi32, #tpu.memory_space<vmem>>
    %dma_start3A_37 = arith.constant 0 : i32
    %dma_start3A_38 = arith.constant 0 : i32
    %dma_start3A_39 = tpu.memref_slice %arg2[%dma_start3A_37, %dma_start3A_38] : memref<20000x64xf32, #tpu.memory_space<hbm>> -> memref<20000x64xf32, #tpu.memory_space<hbm>>
    %dma_start3A_40 = tpu.memref_slice %arg10[%dma_start3A_29] : memref<4x!tpu.dma_semaphore, #tpu.memory_space<semaphore_mem>> -> memref<1x!tpu.dma_semaphore, #tpu.memory_space<semaphore_mem>>
    %dma_start3A_41 = tpu.memref_squeeze %dma_start3A_40 : memref<1x!tpu.dma_semaphore, #tpu.memory_space<semaphore_mem>> -> memref<!tpu.dma_semaphore, #tpu.memory_space<semaphore_mem>>
    tpu.enqueue_indirect_dma source(%dma_start3A_39 : memref<20000x64xf32, #tpu.memory_space<hbm>>) target(%dma_start3A_33 : memref<125x64xf32, #tpu.memory_space<vmem>>) offsets(%dma_start3A_36 : memref<125xi32, #tpu.memory_space<vmem>>) semaphore(%dma_start3A_41 : memref<!tpu.dma_semaphore, #tpu.memory_space<semaphore_mem>>)
    %dma_start3A_42 = arith.constant 1 : i32
    %dma_start3A_43 = arith.constant 1 : i32
    %dma_start3A_44 = arith.constant 1 : i32
    %dma_start3A_45 = arith.constant 0 : i32
    %dma_start3A_46 = arith.constant 0 : i32
    %dma_start3A_47 = tpu.memref_slice %arg8[%dma_start3A_43, %dma_start3A_45, %dma_start3A_46] : memref<4x125x64xf32, #tpu.memory_space<vmem>> -> memref<1x125x64xf32, #tpu.memory_space<vmem>>
    %dma_start3A_48 = tpu.memref_squeeze %dma_start3A_47 : memref<1x125x64xf32, #tpu.memory_space<vmem>> -> memref<125x64xf32, #tpu.memory_space<vmem>>
    %dma_start3A_49 = arith.constant 0 : i32
    %dma_start3A_50 = tpu.memref_slice %arg6[%dma_start3A_42, %dma_start3A_49] : memref<80x125xi32, #tpu.memory_space<vmem>> -> memref<1x125xi32, #tpu.memory_space<vmem>>
    %dma_start3A_51 = tpu.memref_squeeze %dma_start3A_50 : memref<1x125xi32, #tpu.memory_space<vmem>> -> memref<125xi32, #tpu.memory_space<vmem>>
    %dma_start3A_52 = arith.constant 0 : i32
    %dma_start3A_53 = arith.constant 0 : i32
    %dma_start3A_54 = tpu.memref_slice %arg2[%dma_start3A_52, %dma_start3A_53] : memref<20000x64xf32, #tpu.memory_space<hbm>> -> memref<20000x64xf32, #tpu.memory_space<hbm>>
    %dma_start3A_55 = tpu.memref_slice %arg10[%dma_start3A_44] : memref<4x!tpu.dma_semaphore, #tpu.memory_space<semaphore_mem>> -> memref<1x!tpu.dma_semaphore, #tpu.memory_space<semaphore_mem>>
    %dma_start3A_56 = tpu.memref_squeeze %dma_start3A_55 : memref<1x!tpu.dma_semaphore, #tpu.memory_space<semaphore_mem>> -> memref<!tpu.dma_semaphore, #tpu.memory_space<semaphore_mem>>
    tpu.enqueue_indirect_dma source(%dma_start3A_54 : memref<20000x64xf32, #tpu.memory_space<hbm>>) target(%dma_start3A_48 : memref<125x64xf32, #tpu.memory_space<vmem>>) offsets(%dma_start3A_51 : memref<125xi32, #tpu.memory_space<vmem>>) semaphore(%dma_start3A_56 : memref<!tpu.dma_semaphore, #tpu.memory_space<semaphore_mem>>)
    %dma_start3A_57 = arith.constant 2 : i32
    %dma_start3A_58 = arith.constant 2 : i32
    %dma_start3A_59 = arith.constant 2 : i32
    %dma_start3A_60 = arith.constant 0 : i32
    %dma_start3A_61 = arith.constant 0 : i32
    %dma_start3A_62 = tpu.memref_slice %arg8[%dma_start3A_58, %dma_start3A_60, %dma_start3A_61] : memref<4x125x64xf32, #tpu.memory_space<vmem>> -> memref<1x125x64xf32, #tpu.memory_space<vmem>>
    %dma_start3A_63 = tpu.memref_squeeze %dma_start3A_62 : memref<1x125x64xf32, #tpu.memory_space<vmem>> -> memref<125x64xf32, #tpu.memory_space<vmem>>
    %dma_start3A_64 = arith.constant 0 : i32
    %dma_start3A_65 = tpu.memref_slice %arg6[%dma_start3A_57, %dma_start3A_64] : memref<80x125xi32, #tpu.memory_space<vmem>> -> memref<1x125xi32, #tpu.memory_space<vmem>>
    %dma_start3A_66 = tpu.memref_squeeze %dma_start3A_65 : memref<1x125xi32, #tpu.memory_space<vmem>> -> memref<125xi32, #tpu.memory_space<vmem>>
    %dma_start3A_67 = arith.constant 0 : i32
    %dma_start3A_68 = arith.constant 0 : i32
    %dma_start3A_69 = tpu.memref_slice %arg2[%dma_start3A_67, %dma_start3A_68] : memref<20000x64xf32, #tpu.memory_space<hbm>> -> memref<20000x64xf32, #tpu.memory_space<hbm>>
    %dma_start3A_70 = tpu.memref_slice %arg10[%dma_start3A_59] : memref<4x!tpu.dma_semaphore, #tpu.memory_space<semaphore_mem>> -> memref<1x!tpu.dma_semaphore, #tpu.memory_space<semaphore_mem>>
    %dma_start3A_71 = tpu.memref_squeeze %dma_start3A_70 : memref<1x!tpu.dma_semaphore, #tpu.memory_space<semaphore_mem>> -> memref<!tpu.dma_semaphore, #tpu.memory_space<semaphore_mem>>
    tpu.enqueue_indirect_dma source(%dma_start3A_69 : memref<20000x64xf32, #tpu.memory_space<hbm>>) target(%dma_start3A_63 : memref<125x64xf32, #tpu.memory_space<vmem>>) offsets(%dma_start3A_66 : memref<125xi32, #tpu.memory_space<vmem>>) semaphore(%dma_start3A_71 : memref<!tpu.dma_semaphore, #tpu.memory_space<semaphore_mem>>)
    %scan3A_72 = arith.constant 0 : i32
    %scan3A_73 = arith.constant 0 : i32
    %scan3A_74 = arith.constant 20 : i32
    %scan3A_75 = arith.addi %scan3A_73, %scan3A_74 : i32
    %scan3A_76 = arith.constant 1 : i32
    %scan3A_77 = scf.for %scan3A_128 = %scan3A_73 to %scan3A_75 step %scan3A_76 iter_args(%scan3A_129 = %scan3A_72) -> (i32)  : i32 {
      %mul3A_130 = arith.constant 4 : i32
      %mul3A_131 = arith.muli %scan3A_128, %mul3A_130 : i32
      %add3A_132 = arith.constant 0 : i32
      %add3A_133 = arith.addi %mul3A_131, %add3A_132 : i32
      %dma_wait3A_134 = arith.constant 0 : i32
      %dma_wait3A_135 = arith.constant 0 : i32
      %dma_wait3A_136 = arith.constant 0 : i32
      %dma_wait3A_137 = arith.constant 0 : i32
      %dma_wait3A_138 = arith.constant 0 : i32
      %dma_wait3A_139 = tpu.memref_slice %arg8[%dma_wait3A_135, %dma_wait3A_137, %dma_wait3A_138] : memref<4x125x64xf32, #tpu.memory_space<vmem>> -> memref<1x125x64xf32, #tpu.memory_space<vmem>>
      %dma_wait3A_140 = tpu.memref_squeeze %dma_wait3A_139 : memref<1x125x64xf32, #tpu.memory_space<vmem>> -> memref<125x64xf32, #tpu.memory_space<vmem>>
      %dma_wait3A_141 = arith.constant 0 : i32
      %dma_wait3A_142 = tpu.memref_slice %arg6[%dma_wait3A_134, %dma_wait3A_141] : memref<80x125xi32, #tpu.memory_space<vmem>> -> memref<1x125xi32, #tpu.memory_space<vmem>>
      %dma_wait3A_143 = tpu.memref_squeeze %dma_wait3A_142 : memref<1x125xi32, #tpu.memory_space<vmem>> -> memref<125xi32, #tpu.memory_space<vmem>>
      %dma_wait3A_144 = arith.constant 0 : i32
      %dma_wait3A_145 = arith.constant 0 : i32
      %dma_wait3A_146 = tpu.memref_slice %arg2[%dma_wait3A_144, %dma_wait3A_145] : memref<20000x64xf32, #tpu.memory_space<hbm>> -> memref<20000x64xf32, #tpu.memory_space<hbm>>
      %dma_wait3A_147 = tpu.memref_slice %arg10[%dma_wait3A_136] : memref<4x!tpu.dma_semaphore, #tpu.memory_space<semaphore_mem>> -> memref<1x!tpu.dma_semaphore, #tpu.memory_space<semaphore_mem>>
      %dma_wait3A_148 = tpu.memref_squeeze %dma_wait3A_147 : memref<1x!tpu.dma_semaphore, #tpu.memory_space<semaphore_mem>> -> memref<!tpu.dma_semaphore, #tpu.memory_space<semaphore_mem>>
      tpu.wait_indirect_dma semaphore(%dma_wait3A_148 : memref<!tpu.dma_semaphore, #tpu.memory_space<semaphore_mem>>) src(%dma_wait3A_146 : memref<20000x64xf32, #tpu.memory_space<hbm>>) dst(%dma_wait3A_140 : memref<125x64xf32, #tpu.memory_space<vmem>>)
      %add3A_149 = arith.constant 3 : i32
      %add3A_150 = arith.addi %add3A_133, %add3A_149 : i32
      %min3A = arith.constant 79 : i32
      %min3A_151 = arith.minsi %add3A_150, %min3A : i32
      %dma_start3A_152 = arith.constant 3 : i32
      %dma_start3A_153 = arith.constant 3 : i32
      %dma_start3A_154 = arith.constant 0 : i32
      %dma_start3A_155 = arith.constant 0 : i32
      %dma_start3A_156 = tpu.memref_slice %arg8[%dma_start3A_152, %dma_start3A_154, %dma_start3A_155] : memref<4x125x64xf32, #tpu.memory_space<vmem>> -> memref<1x125x64xf32, #tpu.memory_space<vmem>>
      %dma_start3A_157 = tpu.memref_squeeze %dma_start3A_156 : memref<1x125x64xf32, #tpu.memory_space<vmem>> -> memref<125x64xf32, #tpu.memory_space<vmem>>
      %dma_start3A_158 = arith.constant 0 : i32
      %dma_start3A_159 = tpu.memref_slice %arg6[%min3A_151, %dma_start3A_158] : memref<80x125xi32, #tpu.memory_space<vmem>> -> memref<1x125xi32, #tpu.memory_space<vmem>>
      %dma_start3A_160 = tpu.memref_squeeze %dma_start3A_159 : memref<1x125xi32, #tpu.memory_space<vmem>> -> memref<125xi32, #tpu.memory_space<vmem>>
      %dma_start3A_161 = arith.constant 0 : i32
      %dma_start3A_162 = arith.constant 0 : i32
      %dma_start3A_163 = tpu.memref_slice %arg2[%dma_start3A_161, %dma_start3A_162] : memref<20000x64xf32, #tpu.memory_space<hbm>> -> memref<20000x64xf32, #tpu.memory_space<hbm>>
      %dma_start3A_164 = tpu.memref_slice %arg10[%dma_start3A_153] : memref<4x!tpu.dma_semaphore, #tpu.memory_space<semaphore_mem>> -> memref<1x!tpu.dma_semaphore, #tpu.memory_space<semaphore_mem>>
      %dma_start3A_165 = tpu.memref_squeeze %dma_start3A_164 : memref<1x!tpu.dma_semaphore, #tpu.memory_space<semaphore_mem>> -> memref<!tpu.dma_semaphore, #tpu.memory_space<semaphore_mem>>
      tpu.enqueue_indirect_dma source(%dma_start3A_163 : memref<20000x64xf32, #tpu.memory_space<hbm>>) target(%dma_start3A_157 : memref<125x64xf32, #tpu.memory_space<vmem>>) offsets(%dma_start3A_160 : memref<125xi32, #tpu.memory_space<vmem>>) semaphore(%dma_start3A_165 : memref<!tpu.dma_semaphore, #tpu.memory_space<semaphore_mem>>)
      %run_scoped3A_166 = arith.constant 0 : i32
      "tpu.region"() ({
        %run_scoped3A_282 = tpu.sem_alloc : memref<!tpu.dma_semaphore, #tpu.memory_space<semaphore_mem>>
        %dma_start3A_283 = arith.constant 0 : i32
        %dma_start3A_284 = arith.constant 0 : i32
        %dma_start3A_285 = tpu.memref_slice %arg8[%run_scoped3A_166, %dma_start3A_283, %dma_start3A_284] : memref<4x125x64xf32, #tpu.memory_space<vmem>> -> memref<1x125x64xf32, #tpu.memory_space<vmem>>
        %dma_start3A_286 = tpu.memref_squeeze %dma_start3A_285 : memref<1x125x64xf32, #tpu.memory_space<vmem>> -> memref<125x64xf32, #tpu.memory_space<vmem>>
        %dma_start3A_287 = arith.constant 0 : i32
        %dma_start3A_288 = tpu.memref_slice %arg7[%add3A_133, %dma_start3A_287] : memref<80x125xi32, #tpu.memory_space<vmem>> -> memref<1x125xi32, #tpu.memory_space<vmem>>
        %dma_start3A_289 = tpu.memref_squeeze %dma_start3A_288 : memref<1x125xi32, #tpu.memory_space<vmem>> -> memref<125xi32, #tpu.memory_space<vmem>>
        %dma_start3A_290 = arith.constant 0 : i32
        %dma_start3A_291 = arith.constant 0 : i32
        %dma_start3A_292 = tpu.memref_slice %arg5[%dma_start3A_290, %dma_start3A_291] : memref<10000x64xf32, #tpu.memory_space<vmem_shared>> -> memref<10000x64xf32, #tpu.memory_space<vmem_shared>>
        tpu.enqueue_indirect_dma source(%dma_start3A_286 : memref<125x64xf32, #tpu.memory_space<vmem>>) target(%dma_start3A_292 : memref<10000x64xf32, #tpu.memory_space<vmem_shared>>) offsets(%dma_start3A_289 : memref<125xi32, #tpu.memory_space<vmem>>) semaphore(%run_scoped3A_282 : memref<!tpu.dma_semaphore, #tpu.memory_space<semaphore_mem>>) {add = true}
        %dma_wait3A_293 = arith.constant 0 : i32
        %dma_wait3A_294 = arith.constant 0 : i32
        %dma_wait3A_295 = tpu.memref_slice %arg8[%run_scoped3A_166, %dma_wait3A_293, %dma_wait3A_294] : memref<4x125x64xf32, #tpu.memory_space<vmem>> -> memref<1x125x64xf32, #tpu.memory_space<vmem>>
        %dma_wait3A_296 = tpu.memref_squeeze %dma_wait3A_295 : memref<1x125x64xf32, #tpu.memory_space<vmem>> -> memref<125x64xf32, #tpu.memory_space<vmem>>
        %dma_wait3A_297 = arith.constant 0 : i32
        %dma_wait3A_298 = tpu.memref_slice %arg7[%add3A_133, %dma_wait3A_297] : memref<80x125xi32, #tpu.memory_space<vmem>> -> memref<1x125xi32, #tpu.memory_space<vmem>>
        %dma_wait3A_299 = tpu.memref_squeeze %dma_wait3A_298 : memref<1x125xi32, #tpu.memory_space<vmem>> -> memref<125xi32, #tpu.memory_space<vmem>>
        %dma_wait3A_300 = arith.constant 0 : i32
        %dma_wait3A_301 = arith.constant 0 : i32
        %dma_wait3A_302 = tpu.memref_slice %arg5[%dma_wait3A_300, %dma_wait3A_301] : memref<10000x64xf32, #tpu.memory_space<vmem_shared>> -> memref<10000x64xf32, #tpu.memory_space<vmem_shared>>
        tpu.wait_indirect_dma semaphore(%run_scoped3A_282 : memref<!tpu.dma_semaphore, #tpu.memory_space<semaphore_mem>>) src(%dma_wait3A_296 : memref<125x64xf32, #tpu.memory_space<vmem>>) dst(%dma_wait3A_302 : memref<10000x64xf32, #tpu.memory_space<vmem_shared>>)
        tpu.yield
      }) : () -> ()
      %mul3A_167 = arith.constant 4 : i32
      %mul3A_168 = arith.muli %scan3A_128, %mul3A_167 : i32
      %add3A_169 = arith.constant 1 : i32
      %add3A_170 = arith.addi %mul3A_168, %add3A_169 : i32
      %dma_wait3A_171 = arith.constant 0 : i32
      %dma_wait3A_172 = arith.constant 1 : i32
      %dma_wait3A_173 = arith.constant 1 : i32
      %dma_wait3A_174 = arith.constant 0 : i32
      %dma_wait3A_175 = arith.constant 0 : i32
      %dma_wait3A_176 = tpu.memref_slice %arg8[%dma_wait3A_172, %dma_wait3A_174, %dma_wait3A_175] : memref<4x125x64xf32, #tpu.memory_space<vmem>> -> memref<1x125x64xf32, #tpu.memory_space<vmem>>
      %dma_wait3A_177 = tpu.memref_squeeze %dma_wait3A_176 : memref<1x125x64xf32, #tpu.memory_space<vmem>> -> memref<125x64xf32, #tpu.memory_space<vmem>>
      %dma_wait3A_178 = arith.constant 0 : i32
      %dma_wait3A_179 = tpu.memref_slice %arg6[%dma_wait3A_171, %dma_wait3A_178] : memref<80x125xi32, #tpu.memory_space<vmem>> -> memref<1x125xi32, #tpu.memory_space<vmem>>
      %dma_wait3A_180 = tpu.memref_squeeze %dma_wait3A_179 : memref<1x125xi32, #tpu.memory_space<vmem>> -> memref<125xi32, #tpu.memory_space<vmem>>
      %dma_wait3A_181 = arith.constant 0 : i32
      %dma_wait3A_182 = arith.constant 0 : i32
      %dma_wait3A_183 = tpu.memref_slice %arg2[%dma_wait3A_181, %dma_wait3A_182] : memref<20000x64xf32, #tpu.memory_space<hbm>> -> memref<20000x64xf32, #tpu.memory_space<hbm>>
      %dma_wait3A_184 = tpu.memref_slice %arg10[%dma_wait3A_173] : memref<4x!tpu.dma_semaphore, #tpu.memory_space<semaphore_mem>> -> memref<1x!tpu.dma_semaphore, #tpu.memory_space<semaphore_mem>>
      %dma_wait3A_185 = tpu.memref_squeeze %dma_wait3A_184 : memref<1x!tpu.dma_semaphore, #tpu.memory_space<semaphore_mem>> -> memref<!tpu.dma_semaphore, #tpu.memory_space<semaphore_mem>>
      tpu.wait_indirect_dma semaphore(%dma_wait3A_185 : memref<!tpu.dma_semaphore, #tpu.memory_space<semaphore_mem>>) src(%dma_wait3A_183 : memref<20000x64xf32, #tpu.memory_space<hbm>>) dst(%dma_wait3A_177 : memref<125x64xf32, #tpu.memory_space<vmem>>)
      %add3A_186 = arith.constant 3 : i32
      %add3A_187 = arith.addi %add3A_170, %add3A_186 : i32
      %min3A_188 = arith.constant 79 : i32
      %min3A_189 = arith.minsi %add3A_187, %min3A_188 : i32
      %dma_start3A_190 = arith.constant 0 : i32
      %dma_start3A_191 = arith.constant 0 : i32
      %dma_start3A_192 = arith.constant 0 : i32
      %dma_start3A_193 = arith.constant 0 : i32
      %dma_start3A_194 = tpu.memref_slice %arg8[%dma_start3A_190, %dma_start3A_192, %dma_start3A_193] : memref<4x125x64xf32, #tpu.memory_space<vmem>> -> memref<1x125x64xf32, #tpu.memory_space<vmem>>
      %dma_start3A_195 = tpu.memref_squeeze %dma_start3A_194 : memref<1x125x64xf32, #tpu.memory_space<vmem>> -> memref<125x64xf32, #tpu.memory_space<vmem>>
      %dma_start3A_196 = arith.constant 0 : i32
      %dma_start3A_197 = tpu.memref_slice %arg6[%min3A_189, %dma_start3A_196] : memref<80x125xi32, #tpu.memory_space<vmem>> -> memref<1x125xi32, #tpu.memory_space<vmem>>
      %dma_start3A_198 = tpu.memref_squeeze %dma_start3A_197 : memref<1x125xi32, #tpu.memory_space<vmem>> -> memref<125xi32, #tpu.memory_space<vmem>>
      %dma_start3A_199 = arith.constant 0 : i32
      %dma_start3A_200 = arith.constant 0 : i32
      %dma_start3A_201 = tpu.memref_slice %arg2[%dma_start3A_199, %dma_start3A_200] : memref<20000x64xf32, #tpu.memory_space<hbm>> -> memref<20000x64xf32, #tpu.memory_space<hbm>>
      %dma_start3A_202 = tpu.memref_slice %arg10[%dma_start3A_191] : memref<4x!tpu.dma_semaphore, #tpu.memory_space<semaphore_mem>> -> memref<1x!tpu.dma_semaphore, #tpu.memory_space<semaphore_mem>>
      %dma_start3A_203 = tpu.memref_squeeze %dma_start3A_202 : memref<1x!tpu.dma_semaphore, #tpu.memory_space<semaphore_mem>> -> memref<!tpu.dma_semaphore, #tpu.memory_space<semaphore_mem>>
      tpu.enqueue_indirect_dma source(%dma_start3A_201 : memref<20000x64xf32, #tpu.memory_space<hbm>>) target(%dma_start3A_195 : memref<125x64xf32, #tpu.memory_space<vmem>>) offsets(%dma_start3A_198 : memref<125xi32, #tpu.memory_space<vmem>>) semaphore(%dma_start3A_203 : memref<!tpu.dma_semaphore, #tpu.memory_space<semaphore_mem>>)
      %run_scoped3A_204 = arith.constant 1 : i32
      "tpu.region"() ({
        %run_scoped3A_282 = tpu.sem_alloc : memref<!tpu.dma_semaphore, #tpu.memory_space<semaphore_mem>>
        %dma_start3A_283 = arith.constant 0 : i32
        %dma_start3A_284 = arith.constant 0 : i32
        %dma_start3A_285 = tpu.memref_slice %arg8[%run_scoped3A_204, %dma_start3A_283, %dma_start3A_284] : memref<4x125x64xf32, #tpu.memory_space<vmem>> -> memref<1x125x64xf32, #tpu.memory_space<vmem>>
        %dma_start3A_286 = tpu.memref_squeeze %dma_start3A_285 : memref<1x125x64xf32, #tpu.memory_space<vmem>> -> memref<125x64xf32, #tpu.memory_space<vmem>>
        %dma_start3A_287 = arith.constant 0 : i32
        %dma_start3A_288 = tpu.memref_slice %arg7[%add3A_170, %dma_start3A_287] : memref<80x125xi32, #tpu.memory_space<vmem>> -> memref<1x125xi32, #tpu.memory_space<vmem>>
        %dma_start3A_289 = tpu.memref_squeeze %dma_start3A_288 : memref<1x125xi32, #tpu.memory_space<vmem>> -> memref<125xi32, #tpu.memory_space<vmem>>
        %dma_start3A_290 = arith.constant 0 : i32
        %dma_start3A_291 = arith.constant 0 : i32
        %dma_start3A_292 = tpu.memref_slice %arg5[%dma_start3A_290, %dma_start3A_291] : memref<10000x64xf32, #tpu.memory_space<vmem_shared>> -> memref<10000x64xf32, #tpu.memory_space<vmem_shared>>
        tpu.enqueue_indirect_dma source(%dma_start3A_286 : memref<125x64xf32, #tpu.memory_space<vmem>>) target(%dma_start3A_292 : memref<10000x64xf32, #tpu.memory_space<vmem_shared>>) offsets(%dma_start3A_289 : memref<125xi32, #tpu.memory_space<vmem>>) semaphore(%run_scoped3A_282 : memref<!tpu.dma_semaphore, #tpu.memory_space<semaphore_mem>>) {add = true}
        %dma_wait3A_293 = arith.constant 0 : i32
        %dma_wait3A_294 = arith.constant 0 : i32
        %dma_wait3A_295 = tpu.memref_slice %arg8[%run_scoped3A_204, %dma_wait3A_293, %dma_wait3A_294] : memref<4x125x64xf32, #tpu.memory_space<vmem>> -> memref<1x125x64xf32, #tpu.memory_space<vmem>>
        %dma_wait3A_296 = tpu.memref_squeeze %dma_wait3A_295 : memref<1x125x64xf32, #tpu.memory_space<vmem>> -> memref<125x64xf32, #tpu.memory_space<vmem>>
        %dma_wait3A_297 = arith.constant 0 : i32
        %dma_wait3A_298 = tpu.memref_slice %arg7[%add3A_170, %dma_wait3A_297] : memref<80x125xi32, #tpu.memory_space<vmem>> -> memref<1x125xi32, #tpu.memory_space<vmem>>
        %dma_wait3A_299 = tpu.memref_squeeze %dma_wait3A_298 : memref<1x125xi32, #tpu.memory_space<vmem>> -> memref<125xi32, #tpu.memory_space<vmem>>
        %dma_wait3A_300 = arith.constant 0 : i32
        %dma_wait3A_301 = arith.constant 0 : i32
        %dma_wait3A_302 = tpu.memref_slice %arg5[%dma_wait3A_300, %dma_wait3A_301] : memref<10000x64xf32, #tpu.memory_space<vmem_shared>> -> memref<10000x64xf32, #tpu.memory_space<vmem_shared>>
        tpu.wait_indirect_dma semaphore(%run_scoped3A_282 : memref<!tpu.dma_semaphore, #tpu.memory_space<semaphore_mem>>) src(%dma_wait3A_296 : memref<125x64xf32, #tpu.memory_space<vmem>>) dst(%dma_wait3A_302 : memref<10000x64xf32, #tpu.memory_space<vmem_shared>>)
        tpu.yield
      }) : () -> ()
      %mul3A_205 = arith.constant 4 : i32
      %mul3A_206 = arith.muli %scan3A_128, %mul3A_205 : i32
      %add3A_207 = arith.constant 2 : i32
      %add3A_208 = arith.addi %mul3A_206, %add3A_207 : i32
      %dma_wait3A_209 = arith.constant 0 : i32
      %dma_wait3A_210 = arith.constant 2 : i32
      %dma_wait3A_211 = arith.constant 2 : i32
      %dma_wait3A_212 = arith.constant 0 : i32
      %dma_wait3A_213 = arith.constant 0 : i32
      %dma_wait3A_214 = tpu.memref_slice %arg8[%dma_wait3A_210, %dma_wait3A_212, %dma_wait3A_213] : memref<4x125x64xf32, #tpu.memory_space<vmem>> -> memref<1x125x64xf32, #tpu.memory_space<vmem>>
      %dma_wait3A_215 = tpu.memref_squeeze %dma_wait3A_214 : memref<1x125x64xf32, #tpu.memory_space<vmem>> -> memref<125x64xf32, #tpu.memory_space<vmem>>
      %dma_wait3A_216 = arith.constant 0 : i32
      %dma_wait3A_217 = tpu.memref_slice %arg6[%dma_wait3A_209, %dma_wait3A_216] : memref<80x125xi32, #tpu.memory_space<vmem>> -> memref<1x125xi32, #tpu.memory_space<vmem>>
      %dma_wait3A_218 = tpu.memref_squeeze %dma_wait3A_217 : memref<1x125xi32, #tpu.memory_space<vmem>> -> memref<125xi32, #tpu.memory_space<vmem>>
      %dma_wait3A_219 = arith.constant 0 : i32
      %dma_wait3A_220 = arith.constant 0 : i32
      %dma_wait3A_221 = tpu.memref_slice %arg2[%dma_wait3A_219, %dma_wait3A_220] : memref<20000x64xf32, #tpu.memory_space<hbm>> -> memref<20000x64xf32, #tpu.memory_space<hbm>>
      %dma_wait3A_222 = tpu.memref_slice %arg10[%dma_wait3A_211] : memref<4x!tpu.dma_semaphore, #tpu.memory_space<semaphore_mem>> -> memref<1x!tpu.dma_semaphore, #tpu.memory_space<semaphore_mem>>
      %dma_wait3A_223 = tpu.memref_squeeze %dma_wait3A_222 : memref<1x!tpu.dma_semaphore, #tpu.memory_space<semaphore_mem>> -> memref<!tpu.dma_semaphore, #tpu.memory_space<semaphore_mem>>
      tpu.wait_indirect_dma semaphore(%dma_wait3A_223 : memref<!tpu.dma_semaphore, #tpu.memory_space<semaphore_mem>>) src(%dma_wait3A_221 : memref<20000x64xf32, #tpu.memory_space<hbm>>) dst(%dma_wait3A_215 : memref<125x64xf32, #tpu.memory_space<vmem>>)
      %add3A_224 = arith.constant 3 : i32
      %add3A_225 = arith.addi %add3A_208, %add3A_224 : i32
      %min3A_226 = arith.constant 79 : i32
      %min3A_227 = arith.minsi %add3A_225, %min3A_226 : i32
      %dma_start3A_228 = arith.constant 1 : i32
      %dma_start3A_229 = arith.constant 1 : i32
      %dma_start3A_230 = arith.constant 0 : i32
      %dma_start3A_231 = arith.constant 0 : i32
      %dma_start3A_232 = tpu.memref_slice %arg8[%dma_start3A_228, %dma_start3A_230, %dma_start3A_231] : memref<4x125x64xf32, #tpu.memory_space<vmem>> -> memref<1x125x64xf32, #tpu.memory_space<vmem>>
      %dma_start3A_233 = tpu.memref_squeeze %dma_start3A_232 : memref<1x125x64xf32, #tpu.memory_space<vmem>> -> memref<125x64xf32, #tpu.memory_space<vmem>>
      %dma_start3A_234 = arith.constant 0 : i32
      %dma_start3A_235 = tpu.memref_slice %arg6[%min3A_227, %dma_start3A_234] : memref<80x125xi32, #tpu.memory_space<vmem>> -> memref<1x125xi32, #tpu.memory_space<vmem>>
      %dma_start3A_236 = tpu.memref_squeeze %dma_start3A_235 : memref<1x125xi32, #tpu.memory_space<vmem>> -> memref<125xi32, #tpu.memory_space<vmem>>
      %dma_start3A_237 = arith.constant 0 : i32
      %dma_start3A_238 = arith.constant 0 : i32
      %dma_start3A_239 = tpu.memref_slice %arg2[%dma_start3A_237, %dma_start3A_238] : memref<20000x64xf32, #tpu.memory_space<hbm>> -> memref<20000x64xf32, #tpu.memory_space<hbm>>
      %dma_start3A_240 = tpu.memref_slice %arg10[%dma_start3A_229] : memref<4x!tpu.dma_semaphore, #tpu.memory_space<semaphore_mem>> -> memref<1x!tpu.dma_semaphore, #tpu.memory_space<semaphore_mem>>
      %dma_start3A_241 = tpu.memref_squeeze %dma_start3A_240 : memref<1x!tpu.dma_semaphore, #tpu.memory_space<semaphore_mem>> -> memref<!tpu.dma_semaphore, #tpu.memory_space<semaphore_mem>>
      tpu.enqueue_indirect_dma source(%dma_start3A_239 : memref<20000x64xf32, #tpu.memory_space<hbm>>) target(%dma_start3A_233 : memref<125x64xf32, #tpu.memory_space<vmem>>) offsets(%dma_start3A_236 : memref<125xi32, #tpu.memory_space<vmem>>) semaphore(%dma_start3A_241 : memref<!tpu.dma_semaphore, #tpu.memory_space<semaphore_mem>>)
      %run_scoped3A_242 = arith.constant 2 : i32
      "tpu.region"() ({
        %run_scoped3A_282 = tpu.sem_alloc : memref<!tpu.dma_semaphore, #tpu.memory_space<semaphore_mem>>
        %dma_start3A_283 = arith.constant 0 : i32
        %dma_start3A_284 = arith.constant 0 : i32
        %dma_start3A_285 = tpu.memref_slice %arg8[%run_scoped3A_242, %dma_start3A_283, %dma_start3A_284] : memref<4x125x64xf32, #tpu.memory_space<vmem>> -> memref<1x125x64xf32, #tpu.memory_space<vmem>>
        %dma_start3A_286 = tpu.memref_squeeze %dma_start3A_285 : memref<1x125x64xf32, #tpu.memory_space<vmem>> -> memref<125x64xf32, #tpu.memory_space<vmem>>
        %dma_start3A_287 = arith.constant 0 : i32
        %dma_start3A_288 = tpu.memref_slice %arg7[%add3A_208, %dma_start3A_287] : memref<80x125xi32, #tpu.memory_space<vmem>> -> memref<1x125xi32, #tpu.memory_space<vmem>>
        %dma_start3A_289 = tpu.memref_squeeze %dma_start3A_288 : memref<1x125xi32, #tpu.memory_space<vmem>> -> memref<125xi32, #tpu.memory_space<vmem>>
        %dma_start3A_290 = arith.constant 0 : i32
        %dma_start3A_291 = arith.constant 0 : i32
        %dma_start3A_292 = tpu.memref_slice %arg5[%dma_start3A_290, %dma_start3A_291] : memref<10000x64xf32, #tpu.memory_space<vmem_shared>> -> memref<10000x64xf32, #tpu.memory_space<vmem_shared>>
        tpu.enqueue_indirect_dma source(%dma_start3A_286 : memref<125x64xf32, #tpu.memory_space<vmem>>) target(%dma_start3A_292 : memref<10000x64xf32, #tpu.memory_space<vmem_shared>>) offsets(%dma_start3A_289 : memref<125xi32, #tpu.memory_space<vmem>>) semaphore(%run_scoped3A_282 : memref<!tpu.dma_semaphore, #tpu.memory_space<semaphore_mem>>) {add = true}
        %dma_wait3A_293 = arith.constant 0 : i32
        %dma_wait3A_294 = arith.constant 0 : i32
        %dma_wait3A_295 = tpu.memref_slice %arg8[%run_scoped3A_242, %dma_wait3A_293, %dma_wait3A_294] : memref<4x125x64xf32, #tpu.memory_space<vmem>> -> memref<1x125x64xf32, #tpu.memory_space<vmem>>
        %dma_wait3A_296 = tpu.memref_squeeze %dma_wait3A_295 : memref<1x125x64xf32, #tpu.memory_space<vmem>> -> memref<125x64xf32, #tpu.memory_space<vmem>>
        %dma_wait3A_297 = arith.constant 0 : i32
        %dma_wait3A_298 = tpu.memref_slice %arg7[%add3A_208, %dma_wait3A_297] : memref<80x125xi32, #tpu.memory_space<vmem>> -> memref<1x125xi32, #tpu.memory_space<vmem>>
        %dma_wait3A_299 = tpu.memref_squeeze %dma_wait3A_298 : memref<1x125xi32, #tpu.memory_space<vmem>> -> memref<125xi32, #tpu.memory_space<vmem>>
        %dma_wait3A_300 = arith.constant 0 : i32
        %dma_wait3A_301 = arith.constant 0 : i32
        %dma_wait3A_302 = tpu.memref_slice %arg5[%dma_wait3A_300, %dma_wait3A_301] : memref<10000x64xf32, #tpu.memory_space<vmem_shared>> -> memref<10000x64xf32, #tpu.memory_space<vmem_shared>>
        tpu.wait_indirect_dma semaphore(%run_scoped3A_282 : memref<!tpu.dma_semaphore, #tpu.memory_space<semaphore_mem>>) src(%dma_wait3A_296 : memref<125x64xf32, #tpu.memory_space<vmem>>) dst(%dma_wait3A_302 : memref<10000x64xf32, #tpu.memory_space<vmem_shared>>)
        tpu.yield
      }) : () -> ()
      %mul3A_243 = arith.constant 4 : i32
      %mul3A_244 = arith.muli %scan3A_128, %mul3A_243 : i32
      %add3A_245 = arith.constant 3 : i32
      %add3A_246 = arith.addi %mul3A_244, %add3A_245 : i32
      %dma_wait3A_247 = arith.constant 0 : i32
      %dma_wait3A_248 = arith.constant 3 : i32
      %dma_wait3A_249 = arith.constant 3 : i32
      %dma_wait3A_250 = arith.constant 0 : i32
      %dma_wait3A_251 = arith.constant 0 : i32
      %dma_wait3A_252 = tpu.memref_slice %arg8[%dma_wait3A_248, %dma_wait3A_250, %dma_wait3A_251] : memref<4x125x64xf32, #tpu.memory_space<vmem>> -> memref<1x125x64xf32, #tpu.memory_space<vmem>>
      %dma_wait3A_253 = tpu.memref_squeeze %dma_wait3A_252 : memref<1x125x64xf32, #tpu.memory_space<vmem>> -> memref<125x64xf32, #tpu.memory_space<vmem>>
      %dma_wait3A_254 = arith.constant 0 : i32
      %dma_wait3A_255 = tpu.memref_slice %arg6[%dma_wait3A_247, %dma_wait3A_254] : memref<80x125xi32, #tpu.memory_space<vmem>> -> memref<1x125xi32, #tpu.memory_space<vmem>>
      %dma_wait3A_256 = tpu.memref_squeeze %dma_wait3A_255 : memref<1x125xi32, #tpu.memory_space<vmem>> -> memref<125xi32, #tpu.memory_space<vmem>>
      %dma_wait3A_257 = arith.constant 0 : i32
      %dma_wait3A_258 = arith.constant 0 : i32
      %dma_wait3A_259 = tpu.memref_slice %arg2[%dma_wait3A_257, %dma_wait3A_258] : memref<20000x64xf32, #tpu.memory_space<hbm>> -> memref<20000x64xf32, #tpu.memory_space<hbm>>
      %dma_wait3A_260 = tpu.memref_slice %arg10[%dma_wait3A_249] : memref<4x!tpu.dma_semaphore, #tpu.memory_space<semaphore_mem>> -> memref<1x!tpu.dma_semaphore, #tpu.memory_space<semaphore_mem>>
      %dma_wait3A_261 = tpu.memref_squeeze %dma_wait3A_260 : memref<1x!tpu.dma_semaphore, #tpu.memory_space<semaphore_mem>> -> memref<!tpu.dma_semaphore, #tpu.memory_space<semaphore_mem>>
      tpu.wait_indirect_dma semaphore(%dma_wait3A_261 : memref<!tpu.dma_semaphore, #tpu.memory_space<semaphore_mem>>) src(%dma_wait3A_259 : memref<20000x64xf32, #tpu.memory_space<hbm>>) dst(%dma_wait3A_253 : memref<125x64xf32, #tpu.memory_space<vmem>>)
      %add3A_262 = arith.constant 3 : i32
      %add3A_263 = arith.addi %add3A_246, %add3A_262 : i32
      %min3A_264 = arith.constant 79 : i32
      %min3A_265 = arith.minsi %add3A_263, %min3A_264 : i32
      %dma_start3A_266 = arith.constant 2 : i32
      %dma_start3A_267 = arith.constant 2 : i32
      %dma_start3A_268 = arith.constant 0 : i32
      %dma_start3A_269 = arith.constant 0 : i32
      %dma_start3A_270 = tpu.memref_slice %arg8[%dma_start3A_266, %dma_start3A_268, %dma_start3A_269] : memref<4x125x64xf32, #tpu.memory_space<vmem>> -> memref<1x125x64xf32, #tpu.memory_space<vmem>>
      %dma_start3A_271 = tpu.memref_squeeze %dma_start3A_270 : memref<1x125x64xf32, #tpu.memory_space<vmem>> -> memref<125x64xf32, #tpu.memory_space<vmem>>
      %dma_start3A_272 = arith.constant 0 : i32
      %dma_start3A_273 = tpu.memref_slice %arg6[%min3A_265, %dma_start3A_272] : memref<80x125xi32, #tpu.memory_space<vmem>> -> memref<1x125xi32, #tpu.memory_space<vmem>>
      %dma_start3A_274 = tpu.memref_squeeze %dma_start3A_273 : memref<1x125xi32, #tpu.memory_space<vmem>> -> memref<125xi32, #tpu.memory_space<vmem>>
      %dma_start3A_275 = arith.constant 0 : i32
      %dma_start3A_276 = arith.constant 0 : i32
      %dma_start3A_277 = tpu.memref_slice %arg2[%dma_start3A_275, %dma_start3A_276] : memref<20000x64xf32, #tpu.memory_space<hbm>> -> memref<20000x64xf32, #tpu.memory_space<hbm>>
      %dma_start3A_278 = tpu.memref_slice %arg10[%dma_start3A_267] : memref<4x!tpu.dma_semaphore, #tpu.memory_space<semaphore_mem>> -> memref<1x!tpu.dma_semaphore, #tpu.memory_space<semaphore_mem>>
      %dma_start3A_279 = tpu.memref_squeeze %dma_start3A_278 : memref<1x!tpu.dma_semaphore, #tpu.memory_space<semaphore_mem>> -> memref<!tpu.dma_semaphore, #tpu.memory_space<semaphore_mem>>
      tpu.enqueue_indirect_dma source(%dma_start3A_277 : memref<20000x64xf32, #tpu.memory_space<hbm>>) target(%dma_start3A_271 : memref<125x64xf32, #tpu.memory_space<vmem>>) offsets(%dma_start3A_274 : memref<125xi32, #tpu.memory_space<vmem>>) semaphore(%dma_start3A_279 : memref<!tpu.dma_semaphore, #tpu.memory_space<semaphore_mem>>)
      %run_scoped3A_280 = arith.constant 3 : i32
      "tpu.region"() ({
        %run_scoped3A_282 = tpu.sem_alloc : memref<!tpu.dma_semaphore, #tpu.memory_space<semaphore_mem>>
        %dma_start3A_283 = arith.constant 0 : i32
        %dma_start3A_284 = arith.constant 0 : i32
        %dma_start3A_285 = tpu.memref_slice %arg8[%run_scoped3A_280, %dma_start3A_283, %dma_start3A_284] : memref<4x125x64xf32, #tpu.memory_space<vmem>> -> memref<1x125x64xf32, #tpu.memory_space<vmem>>
        %dma_start3A_286 = tpu.memref_squeeze %dma_start3A_285 : memref<1x125x64xf32, #tpu.memory_space<vmem>> -> memref<125x64xf32, #tpu.memory_space<vmem>>
        %dma_start3A_287 = arith.constant 0 : i32
        %dma_start3A_288 = tpu.memref_slice %arg7[%add3A_246, %dma_start3A_287] : memref<80x125xi32, #tpu.memory_space<vmem>> -> memref<1x125xi32, #tpu.memory_space<vmem>>
        %dma_start3A_289 = tpu.memref_squeeze %dma_start3A_288 : memref<1x125xi32, #tpu.memory_space<vmem>> -> memref<125xi32, #tpu.memory_space<vmem>>
        %dma_start3A_290 = arith.constant 0 : i32
        %dma_start3A_291 = arith.constant 0 : i32
        %dma_start3A_292 = tpu.memref_slice %arg5[%dma_start3A_290, %dma_start3A_291] : memref<10000x64xf32, #tpu.memory_space<vmem_shared>> -> memref<10000x64xf32, #tpu.memory_space<vmem_shared>>
        tpu.enqueue_indirect_dma source(%dma_start3A_286 : memref<125x64xf32, #tpu.memory_space<vmem>>) target(%dma_start3A_292 : memref<10000x64xf32, #tpu.memory_space<vmem_shared>>) offsets(%dma_start3A_289 : memref<125xi32, #tpu.memory_space<vmem>>) semaphore(%run_scoped3A_282 : memref<!tpu.dma_semaphore, #tpu.memory_space<semaphore_mem>>) {add = true}
        %dma_wait3A_293 = arith.constant 0 : i32
        %dma_wait3A_294 = arith.constant 0 : i32
        %dma_wait3A_295 = tpu.memref_slice %arg8[%run_scoped3A_280, %dma_wait3A_293, %dma_wait3A_294] : memref<4x125x64xf32, #tpu.memory_space<vmem>> -> memref<1x125x64xf32, #tpu.memory_space<vmem>>
        %dma_wait3A_296 = tpu.memref_squeeze %dma_wait3A_295 : memref<1x125x64xf32, #tpu.memory_space<vmem>> -> memref<125x64xf32, #tpu.memory_space<vmem>>
        %dma_wait3A_297 = arith.constant 0 : i32
        %dma_wait3A_298 = tpu.memref_slice %arg7[%add3A_246, %dma_wait3A_297] : memref<80x125xi32, #tpu.memory_space<vmem>> -> memref<1x125xi32, #tpu.memory_space<vmem>>
        %dma_wait3A_299 = tpu.memref_squeeze %dma_wait3A_298 : memref<1x125xi32, #tpu.memory_space<vmem>> -> memref<125xi32, #tpu.memory_space<vmem>>
        %dma_wait3A_300 = arith.constant 0 : i32
        %dma_wait3A_301 = arith.constant 0 : i32
        %dma_wait3A_302 = tpu.memref_slice %arg5[%dma_wait3A_300, %dma_wait3A_301] : memref<10000x64xf32, #tpu.memory_space<vmem_shared>> -> memref<10000x64xf32, #tpu.memory_space<vmem_shared>>
        tpu.wait_indirect_dma semaphore(%run_scoped3A_282 : memref<!tpu.dma_semaphore, #tpu.memory_space<semaphore_mem>>) src(%dma_wait3A_296 : memref<125x64xf32, #tpu.memory_space<vmem>>) dst(%dma_wait3A_302 : memref<10000x64xf32, #tpu.memory_space<vmem_shared>>)
        tpu.yield
      }) : () -> ()
      %scan3A_281 = arith.constant 0 : i32
      scf.yield %scan3A_281 : i32
    }
    %scan3A_78 = arith.constant 20 : i32
    %dma_wait3A = arith.constant 0 : i32
    %dma_wait3A_79 = arith.constant 0 : i32
    %dma_wait3A_80 = arith.constant 0 : i32
    %dma_wait3A_81 = arith.constant 0 : i32
    %dma_wait3A_82 = arith.constant 0 : i32
    %dma_wait3A_83 = tpu.memref_slice %arg8[%dma_wait3A_79, %dma_wait3A_81, %dma_wait3A_82] : memref<4x125x64xf32, #tpu.memory_space<vmem>> -> memref<1x125x64xf32, #tpu.memory_space<vmem>>
    %dma_wait3A_84 = tpu.memref_squeeze %dma_wait3A_83 : memref<1x125x64xf32, #tpu.memory_space<vmem>> -> memref<125x64xf32, #tpu.memory_space<vmem>>
    %dma_wait3A_85 = arith.constant 0 : i32
    %dma_wait3A_86 = tpu.memref_slice %arg6[%dma_wait3A, %dma_wait3A_85] : memref<80x125xi32, #tpu.memory_space<vmem>> -> memref<1x125xi32, #tpu.memory_space<vmem>>
    %dma_wait3A_87 = tpu.memref_squeeze %dma_wait3A_86 : memref<1x125xi32, #tpu.memory_space<vmem>> -> memref<125xi32, #tpu.memory_space<vmem>>
    %dma_wait3A_88 = arith.constant 0 : i32
    %dma_wait3A_89 = arith.constant 0 : i32
    %dma_wait3A_90 = tpu.memref_slice %arg2[%dma_wait3A_88, %dma_wait3A_89] : memref<20000x64xf32, #tpu.memory_space<hbm>> -> memref<20000x64xf32, #tpu.memory_space<hbm>>
    %dma_wait3A_91 = tpu.memref_slice %arg10[%dma_wait3A_80] : memref<4x!tpu.dma_semaphore, #tpu.memory_space<semaphore_mem>> -> memref<1x!tpu.dma_semaphore, #tpu.memory_space<semaphore_mem>>
    %dma_wait3A_92 = tpu.memref_squeeze %dma_wait3A_91 : memref<1x!tpu.dma_semaphore, #tpu.memory_space<semaphore_mem>> -> memref<!tpu.dma_semaphore, #tpu.memory_space<semaphore_mem>>
    tpu.wait_indirect_dma semaphore(%dma_wait3A_92 : memref<!tpu.dma_semaphore, #tpu.memory_space<semaphore_mem>>) src(%dma_wait3A_90 : memref<20000x64xf32, #tpu.memory_space<hbm>>) dst(%dma_wait3A_84 : memref<125x64xf32, #tpu.memory_space<vmem>>)
    %dma_wait3A_93 = arith.constant 0 : i32
    %dma_wait3A_94 = arith.constant 1 : i32
    %dma_wait3A_95 = arith.constant 1 : i32
    %dma_wait3A_96 = arith.constant 0 : i32
    %dma_wait3A_97 = arith.constant 0 : i32
    %dma_wait3A_98 = tpu.memref_slice %arg8[%dma_wait3A_94, %dma_wait3A_96, %dma_wait3A_97] : memref<4x125x64xf32, #tpu.memory_space<vmem>> -> memref<1x125x64xf32, #tpu.memory_space<vmem>>
    %dma_wait3A_99 = tpu.memref_squeeze %dma_wait3A_98 : memref<1x125x64xf32, #tpu.memory_space<vmem>> -> memref<125x64xf32, #tpu.memory_space<vmem>>
    %dma_wait3A_100 = arith.constant 0 : i32
    %dma_wait3A_101 = tpu.memref_slice %arg6[%dma_wait3A_93, %dma_wait3A_100] : memref<80x125xi32, #tpu.memory_space<vmem>> -> memref<1x125xi32, #tpu.memory_space<vmem>>
    %dma_wait3A_102 = tpu.memref_squeeze %dma_wait3A_101 : memref<1x125xi32, #tpu.memory_space<vmem>> -> memref<125xi32, #tpu.memory_space<vmem>>
    %dma_wait3A_103 = arith.constant 0 : i32
    %dma_wait3A_104 = arith.constant 0 : i32
    %dma_wait3A_105 = tpu.memref_slice %arg2[%dma_wait3A_103, %dma_wait3A_104] : memref<20000x64xf32, #tpu.memory_space<hbm>> -> memref<20000x64xf32, #tpu.memory_space<hbm>>
    %dma_wait3A_106 = tpu.memref_slice %arg10[%dma_wait3A_95] : memref<4x!tpu.dma_semaphore, #tpu.memory_space<semaphore_mem>> -> memref<1x!tpu.dma_semaphore, #tpu.memory_space<semaphore_mem>>
    %dma_wait3A_107 = tpu.memref_squeeze %dma_wait3A_106 : memref<1x!tpu.dma_semaphore, #tpu.memory_space<semaphore_mem>> -> memref<!tpu.dma_semaphore, #tpu.memory_space<semaphore_mem>>
    tpu.wait_indirect_dma semaphore(%dma_wait3A_107 : memref<!tpu.dma_semaphore, #tpu.memory_space<semaphore_mem>>) src(%dma_wait3A_105 : memref<20000x64xf32, #tpu.memory_space<hbm>>) dst(%dma_wait3A_99 : memref<125x64xf32, #tpu.memory_space<vmem>>)
    %dma_wait3A_108 = arith.constant 0 : i32
    %dma_wait3A_109 = arith.constant 2 : i32
    %dma_wait3A_110 = arith.constant 2 : i32
    %dma_wait3A_111 = arith.constant 0 : i32
    %dma_wait3A_112 = arith.constant 0 : i32
    %dma_wait3A_113 = tpu.memref_slice %arg8[%dma_wait3A_109, %dma_wait3A_111, %dma_wait3A_112] : memref<4x125x64xf32, #tpu.memory_space<vmem>> -> memref<1x125x64xf32, #tpu.memory_space<vmem>>
    %dma_wait3A_114 = tpu.memref_squeeze %dma_wait3A_113 : memref<1x125x64xf32, #tpu.memory_space<vmem>> -> memref<125x64xf32, #tpu.memory_space<vmem>>
    %dma_wait3A_115 = arith.constant 0 : i32
    %dma_wait3A_116 = tpu.memref_slice %arg6[%dma_wait3A_108, %dma_wait3A_115] : memref<80x125xi32, #tpu.memory_space<vmem>> -> memref<1x125xi32, #tpu.memory_space<vmem>>
    %dma_wait3A_117 = tpu.memref_squeeze %dma_wait3A_116 : memref<1x125xi32, #tpu.memory_space<vmem>> -> memref<125xi32, #tpu.memory_space<vmem>>
    %dma_wait3A_118 = arith.constant 0 : i32
    %dma_wait3A_119 = arith.constant 0 : i32
    %dma_wait3A_120 = tpu.memref_slice %arg2[%dma_wait3A_118, %dma_wait3A_119] : memref<20000x64xf32, #tpu.memory_space<hbm>> -> memref<20000x64xf32, #tpu.memory_space<hbm>>
    %dma_wait3A_121 = tpu.memref_slice %arg10[%dma_wait3A_110] : memref<4x!tpu.dma_semaphore, #tpu.memory_space<semaphore_mem>> -> memref<1x!tpu.dma_semaphore, #tpu.memory_space<semaphore_mem>>
    %dma_wait3A_122 = tpu.memref_squeeze %dma_wait3A_121 : memref<1x!tpu.dma_semaphore, #tpu.memory_space<semaphore_mem>> -> memref<!tpu.dma_semaphore, #tpu.memory_space<semaphore_mem>>
    tpu.wait_indirect_dma semaphore(%dma_wait3A_122 : memref<!tpu.dma_semaphore, #tpu.memory_space<semaphore_mem>>) src(%dma_wait3A_120 : memref<20000x64xf32, #tpu.memory_space<hbm>>) dst(%dma_wait3A_114 : memref<125x64xf32, #tpu.memory_space<vmem>>)
    %barrier3A_123 = arith.constant 0 : index
    tpu.barrier barrier_id(%barrier3A_123)
    %mul3A_124 = arith.constant 625 : i32
    %mul3A_125 = arith.muli %arg1, %mul3A_124 : i32
    %mul3A_126 = arith.constant 625 : i32
    %mul3A_127 = arith.muli %arg1, %mul3A_126 : i32
    "tpu.region"() ({
      %run_scoped3A_128 = tpu.sem_alloc : memref<!tpu.dma_semaphore, #tpu.memory_space<semaphore_mem>>
      %dma_start3A_129 = arith.constant 0 : i32
      %dma_start3A_130 = tpu.memref_slice %arg4[%arg0, %mul3A_127, %dma_start3A_129] : memref<2x10000x128xf32, #tpu.memory_space<hbm>> -> memref<1x625x64xf32, #tpu.memory_space<hbm>>
      %dma_start3A_131 = tpu.memref_squeeze %dma_start3A_130 : memref<1x625x64xf32, #tpu.memory_space<hbm>> -> memref<625x64xf32, #tpu.memory_space<hbm>>
      %dma_start3A_132 = arith.constant 0 : i32
      %dma_start3A_133 = tpu.memref_slice %arg5[%mul3A_125, %dma_start3A_132] : memref<10000x64xf32, #tpu.memory_space<vmem_shared>> -> memref<625x64xf32, #tpu.memory_space<vmem_shared>>
      tpu.enqueue_dma source(%dma_start3A_133 : memref<625x64xf32, #tpu.memory_space<vmem_shared>>) target(%dma_start3A_131 : memref<625x64xf32, #tpu.memory_space<hbm>>) target_semaphore(%run_scoped3A_128 : memref<!tpu.dma_semaphore, #tpu.memory_space<semaphore_mem>>)
      %dma_wait3A_134 = arith.constant 0 : i32
      %dma_wait3A_135 = tpu.memref_slice %arg4[%arg0, %mul3A_127, %dma_wait3A_134] : memref<2x10000x128xf32, #tpu.memory_space<hbm>> -> memref<1x625x64xf32, #tpu.memory_space<hbm>>
      %dma_wait3A_136 = tpu.memref_squeeze %dma_wait3A_135 : memref<1x625x64xf32, #tpu.memory_space<hbm>> -> memref<625x64xf32, #tpu.memory_space<hbm>>
      %dma_wait3A_137 = arith.constant 0 : i32
      %dma_wait3A_138 = tpu.memref_slice %arg5[%mul3A_125, %dma_wait3A_137] : memref<10000x64xf32, #tpu.memory_space<vmem_shared>> -> memref<625x64xf32, #tpu.memory_space<vmem_shared>>
      tpu.wait_dma2 semaphore(%run_scoped3A_128 : memref<!tpu.dma_semaphore, #tpu.memory_space<semaphore_mem>>) src(%dma_wait3A_138 : memref<625x64xf32, #tpu.memory_space<vmem_shared>>) dst(%dma_wait3A_136 : memref<625x64xf32, #tpu.memory_space<hbm>>)
      tpu.yield
    }) : () -> ()
    return
  }
}

#map = affine_map<(d0, d1) -> (0, 0)>
#map1 = affine_map<(d0, d1) -> (0, 0, 0, 0)>
#map2 = affine_map<(d0, d1) -> (0, 0, 0)>
module attributes {stable_mosaic.version = 14 : i64} {
  func.func @_sc_aggregate(%arg0: i32, %arg1: i32, %arg2: memref<20000x64xf32, #tpu.memory_space<hbm>>, %arg3: memref<2x32x80x125xi32, #tpu.memory_space<hbm>>, %arg4: memref<2x10000x128xf32, #tpu.memory_space<hbm>>, %arg5: memref<10000x64xf32, #tpu.memory_space<vmem_shared>>, %arg6: memref<80x125xi32, #tpu.memory_space<vmem>>, %arg7: memref<80x125xi32, #tpu.memory_space<vmem>>, %arg8: memref<4x125x64xf32, #tpu.memory_space<vmem>>, %arg9: memref<125x64xf32, #tpu.memory_space<vmem>>, %arg10: memref<4x!tpu.dma_semaphore, #tpu.memory_space<semaphore_mem>>) attributes {dimension_semantics = [#tpu.dimension_semantics<core_parallel>, #tpu.dimension_semantics<subcore_parallel>], iteration_bounds = array<i64: 2, 16>, scalar_prefetch = 0 : i64, scratch_operands = 6 : i64, tpu.core_type = #tpu.core_type<sc_vector_subcore>, window_params = [{transform_indices = #map}, {transform_indices = #map1}, {transform_indices = #map2}]} {
    %mul3A = arith.constant 2 : i32
    %mul3A_0 = arith.muli %arg1, %mul3A : i32
    %add3A = arith.addi %mul3A_0, %arg0 : i32
    %scan3A = arith.constant 0 : i32
    %scan3A_1 = arith.constant 0 : i32
    %scan3A_2 = arith.constant 125 : i32
    %scan3A_3 = arith.addi %scan3A_1, %scan3A_2 : i32
    %scan3A_4 = arith.constant 1 : i32
    %scan3A_5 = scf.for %scan3A_128 = %scan3A_1 to %scan3A_3 step %scan3A_4 iter_args(%scan3A_129 = %scan3A) -> (i32)  : i32 {
      %broadcast_in_dim3A = arith.constant 0.000000e+00 : f32
      %broadcast_in_dim3A_130 = vector.broadcast %broadcast_in_dim3A : f32 to vector<16xf32>
      %swap3A = arith.index_cast %scan3A_128 : i32 to index
      %swap3A_131 = arith.constant 0 : index
      %swap3A_132 = tpu.vector_load %arg9[%swap3A, %swap3A_131] {strides = array<i32>} : memref<125x64xf32, #tpu.memory_space<vmem>>, vector<1x16xf32>,
      %swap3A_133 = vector.shape_cast %swap3A_132 : vector<1x16xf32> to vector<16xf32>
      %swap3A_134 = vector.shape_cast %broadcast_in_dim3A_130 : vector<16xf32> to vector<1x16xf32>
      tpu.vector_store %arg9[%swap3A, %swap3A_131], %swap3A_134 {strides = array<i32>} : memref<125x64xf32, #tpu.memory_space<vmem>>, vector<1x16xf32>,
      %broadcast_in_dim3A_135 = arith.constant 0.000000e+00 : f32
      %broadcast_in_dim3A_136 = vector.broadcast %broadcast_in_dim3A_135 : f32 to vector<16xf32>
      %swap3A_137 = arith.index_cast %scan3A_128 : i32 to index
      %swap3A_138 = arith.constant 16 : index
      %swap3A_139 = tpu.vector_load %arg9[%swap3A_137, %swap3A_138] {strides = array<i32>} : memref<125x64xf32, #tpu.memory_space<vmem>>, vector<1x16xf32>,
      %swap3A_140 = vector.shape_cast %swap3A_139 : vector<1x16xf32> to vector<16xf32>
      %swap3A_141 = vector.shape_cast %broadcast_in_dim3A_136 : vector<16xf32> to vector<1x16xf32>
      tpu.vector_store %arg9[%swap3A_137, %swap3A_138], %swap3A_141 {strides = array<i32>} : memref<125x64xf32, #tpu.memory_space<vmem>>, vector<1x16xf32>,
      %broadcast_in_dim3A_142 = arith.constant 0.000000e+00 : f32
      %broadcast_in_dim3A_143 = vector.broadcast %broadcast_in_dim3A_142 : f32 to vector<16xf32>
      %swap3A_144 = arith.index_cast %scan3A_128 : i32 to index
      %swap3A_145 = arith.constant 32 : index
      %swap3A_146 = tpu.vector_load %arg9[%swap3A_144, %swap3A_145] {strides = array<i32>} : memref<125x64xf32, #tpu.memory_space<vmem>>, vector<1x16xf32>,
      %swap3A_147 = vector.shape_cast %swap3A_146 : vector<1x16xf32> to vector<16xf32>
      %swap3A_148 = vector.shape_cast %broadcast_in_dim3A_143 : vector<16xf32> to vector<1x16xf32>
      tpu.vector_store %arg9[%swap3A_144, %swap3A_145], %swap3A_148 {strides = array<i32>} : memref<125x64xf32, #tpu.memory_space<vmem>>, vector<1x16xf32>,
      %broadcast_in_dim3A_149 = arith.constant 0.000000e+00 : f32
      %broadcast_in_dim3A_150 = vector.broadcast %broadcast_in_dim3A_149 : f32 to vector<16xf32>
      %swap3A_151 = arith.index_cast %scan3A_128 : i32 to index
      %swap3A_152 = arith.constant 48 : index
      %swap3A_153 = tpu.vector_load %arg9[%swap3A_151, %swap3A_152] {strides = array<i32>} : memref<125x64xf32, #tpu.memory_space<vmem>>, vector<1x16xf32>,
      %swap3A_154 = vector.shape_cast %swap3A_153 : vector<1x16xf32> to vector<16xf32>
      %swap3A_155 = vector.shape_cast %broadcast_in_dim3A_150 : vector<16xf32> to vector<1x16xf32>
      tpu.vector_store %arg9[%swap3A_151, %swap3A_152], %swap3A_155 {strides = array<i32>} : memref<125x64xf32, #tpu.memory_space<vmem>>, vector<1x16xf32>,
      %scan3A_156 = arith.constant 0 : i32
      scf.yield %scan3A_156 : i32
    }
    %scan3A_6 = arith.constant 125 : i32
    %mul3A_7 = arith.constant 625 : i32
    %mul3A_8 = arith.muli %arg1, %mul3A_7 : i32
    %add3A_9 = arith.constant 0 : i32
    %add3A_10 = arith.addi %mul3A_8, %add3A_9 : i32
    "tpu.region"() ({
      %run_scoped3A_128 = tpu.sem_alloc : memref<!tpu.dma_semaphore, #tpu.memory_space<semaphore_mem>>
      %dma_start3A_129 = arith.constant 0 : i32
      %dma_start3A_130 = tpu.memref_slice %arg5[%add3A_10, %dma_start3A_129] : memref<10000x64xf32, #tpu.memory_space<vmem_shared>> -> memref<125x64xf32, #tpu.memory_space<vmem_shared>>
      %dma_start3A_131 = arith.constant 0 : i32
      %dma_start3A_132 = tpu.memref_slice %arg5[%add3A_10, %dma_start3A_131] : memref<10000x64xf32, #tpu.memory_space<vmem_shared>> -> memref<125x64xf32, #tpu.memory_space<vmem_shared>>
      tpu.enqueue_dma source(%arg9 : memref<125x64xf32, #tpu.memory_space<vmem>>) target(%dma_start3A_132 : memref<125x64xf32, #tpu.memory_space<vmem_shared>>) target_semaphore(%run_scoped3A_128 : memref<!tpu.dma_semaphore, #tpu.memory_space<semaphore_mem>>)
      %dma_wait3A_133 = arith.constant 0 : i32
      %dma_wait3A_134 = tpu.memref_slice %arg5[%add3A_10, %dma_wait3A_133] : memref<10000x64xf32, #tpu.memory_space<vmem_shared>> -> memref<125x64xf32, #tpu.memory_space<vmem_shared>>
      %dma_wait3A_135 = arith.constant 0 : i32
      %dma_wait3A_136 = tpu.memref_slice %arg5[%add3A_10, %dma_wait3A_135] : memref<10000x64xf32, #tpu.memory_space<vmem_shared>> -> memref<125x64xf32, #tpu.memory_space<vmem_shared>>
      tpu.wait_dma2 semaphore(%run_scoped3A_128 : memref<!tpu.dma_semaphore, #tpu.memory_space<semaphore_mem>>) src(%arg9 : memref<125x64xf32, #tpu.memory_space<vmem>>) dst(%dma_wait3A_136 : memref<125x64xf32, #tpu.memory_space<vmem_shared>>)
      tpu.yield
    }) : () -> ()
    %mul3A_11 = arith.constant 625 : i32
    %mul3A_12 = arith.muli %arg1, %mul3A_11 : i32
    %add3A_13 = arith.constant 125 : i32
    %add3A_14 = arith.addi %mul3A_12, %add3A_13 : i32
    "tpu.region"() ({
      %run_scoped3A_128 = tpu.sem_alloc : memref<!tpu.dma_semaphore, #tpu.memory_space<semaphore_mem>>
      %dma_start3A_129 = arith.constant 0 : i32
      %dma_start3A_130 = tpu.memref_slice %arg5[%add3A_14, %dma_start3A_129] : memref<10000x64xf32, #tpu.memory_space<vmem_shared>> -> memref<125x64xf32, #tpu.memory_space<vmem_shared>>
      %dma_start3A_131 = arith.constant 0 : i32
      %dma_start3A_132 = tpu.memref_slice %arg5[%add3A_14, %dma_start3A_131] : memref<10000x64xf32, #tpu.memory_space<vmem_shared>> -> memref<125x64xf32, #tpu.memory_space<vmem_shared>>
      tpu.enqueue_dma source(%arg9 : memref<125x64xf32, #tpu.memory_space<vmem>>) target(%dma_start3A_132 : memref<125x64xf32, #tpu.memory_space<vmem_shared>>) target_semaphore(%run_scoped3A_128 : memref<!tpu.dma_semaphore, #tpu.memory_space<semaphore_mem>>)
      %dma_wait3A_133 = arith.constant 0 : i32
      %dma_wait3A_134 = tpu.memref_slice %arg5[%add3A_14, %dma_wait3A_133] : memref<10000x64xf32, #tpu.memory_space<vmem_shared>> -> memref<125x64xf32, #tpu.memory_space<vmem_shared>>
      %dma_wait3A_135 = arith.constant 0 : i32
      %dma_wait3A_136 = tpu.memref_slice %arg5[%add3A_14, %dma_wait3A_135] : memref<10000x64xf32, #tpu.memory_space<vmem_shared>> -> memref<125x64xf32, #tpu.memory_space<vmem_shared>>
      tpu.wait_dma2 semaphore(%run_scoped3A_128 : memref<!tpu.dma_semaphore, #tpu.memory_space<semaphore_mem>>) src(%arg9 : memref<125x64xf32, #tpu.memory_space<vmem>>) dst(%dma_wait3A_136 : memref<125x64xf32, #tpu.memory_space<vmem_shared>>)
      tpu.yield
    }) : () -> ()
    %mul3A_15 = arith.constant 625 : i32
    %mul3A_16 = arith.muli %arg1, %mul3A_15 : i32
    %add3A_17 = arith.constant 250 : i32
    %add3A_18 = arith.addi %mul3A_16, %add3A_17 : i32
    "tpu.region"() ({
      %run_scoped3A_128 = tpu.sem_alloc : memref<!tpu.dma_semaphore, #tpu.memory_space<semaphore_mem>>
      %dma_start3A_129 = arith.constant 0 : i32
      %dma_start3A_130 = tpu.memref_slice %arg5[%add3A_18, %dma_start3A_129] : memref<10000x64xf32, #tpu.memory_space<vmem_shared>> -> memref<125x64xf32, #tpu.memory_space<vmem_shared>>
      %dma_start3A_131 = arith.constant 0 : i32
      %dma_start3A_132 = tpu.memref_slice %arg5[%add3A_18, %dma_start3A_131] : memref<10000x64xf32, #tpu.memory_space<vmem_shared>> -> memref<125x64xf32, #tpu.memory_space<vmem_shared>>
      tpu.enqueue_dma source(%arg9 : memref<125x64xf32, #tpu.memory_space<vmem>>) target(%dma_start3A_132 : memref<125x64xf32, #tpu.memory_space<vmem_shared>>) target_semaphore(%run_scoped3A_128 : memref<!tpu.dma_semaphore, #tpu.memory_space<semaphore_mem>>)
      %dma_wait3A_133 = arith.constant 0 : i32
      %dma_wait3A_134 = tpu.memref_slice %arg5[%add3A_18, %dma_wait3A_133] : memref<10000x64xf32, #tpu.memory_space<vmem_shared>> -> memref<125x64xf32, #tpu.memory_space<vmem_shared>>
      %dma_wait3A_135 = arith.constant 0 : i32
      %dma_wait3A_136 = tpu.memref_slice %arg5[%add3A_18, %dma_wait3A_135] : memref<10000x64xf32, #tpu.memory_space<vmem_shared>> -> memref<125x64xf32, #tpu.memory_space<vmem_shared>>
      tpu.wait_dma2 semaphore(%run_scoped3A_128 : memref<!tpu.dma_semaphore, #tpu.memory_space<semaphore_mem>>) src(%arg9 : memref<125x64xf32, #tpu.memory_space<vmem>>) dst(%dma_wait3A_136 : memref<125x64xf32, #tpu.memory_space<vmem_shared>>)
      tpu.yield
    }) : () -> ()
    %mul3A_19 = arith.constant 625 : i32
    %mul3A_20 = arith.muli %arg1, %mul3A_19 : i32
    %add3A_21 = arith.constant 375 : i32
    %add3A_22 = arith.addi %mul3A_20, %add3A_21 : i32
    "tpu.region"() ({
      %run_scoped3A_128 = tpu.sem_alloc : memref<!tpu.dma_semaphore, #tpu.memory_space<semaphore_mem>>
      %dma_start3A_129 = arith.constant 0 : i32
      %dma_start3A_130 = tpu.memref_slice %arg5[%add3A_22, %dma_start3A_129] : memref<10000x64xf32, #tpu.memory_space<vmem_shared>> -> memref<125x64xf32, #tpu.memory_space<vmem_shared>>
      %dma_start3A_131 = arith.constant 0 : i32
      %dma_start3A_132 = tpu.memref_slice %arg5[%add3A_22, %dma_start3A_131] : memref<10000x64xf32, #tpu.memory_space<vmem_shared>> -> memref<125x64xf32, #tpu.memory_space<vmem_shared>>
      tpu.enqueue_dma source(%arg9 : memref<125x64xf32, #tpu.memory_space<vmem>>) target(%dma_start3A_132 : memref<125x64xf32, #tpu.memory_space<vmem_shared>>) target_semaphore(%run_scoped3A_128 : memref<!tpu.dma_semaphore, #tpu.memory_space<semaphore_mem>>)
      %dma_wait3A_133 = arith.constant 0 : i32
      %dma_wait3A_134 = tpu.memref_slice %arg5[%add3A_22, %dma_wait3A_133] : memref<10000x64xf32, #tpu.memory_space<vmem_shared>> -> memref<125x64xf32, #tpu.memory_space<vmem_shared>>
      %dma_wait3A_135 = arith.constant 0 : i32
      %dma_wait3A_136 = tpu.memref_slice %arg5[%add3A_22, %dma_wait3A_135] : memref<10000x64xf32, #tpu.memory_space<vmem_shared>> -> memref<125x64xf32, #tpu.memory_space<vmem_shared>>
      tpu.wait_dma2 semaphore(%run_scoped3A_128 : memref<!tpu.dma_semaphore, #tpu.memory_space<semaphore_mem>>) src(%arg9 : memref<125x64xf32, #tpu.memory_space<vmem>>) dst(%dma_wait3A_136 : memref<125x64xf32, #tpu.memory_space<vmem_shared>>)
      tpu.yield
    }) : () -> ()
    %mul3A_23 = arith.constant 625 : i32
    %mul3A_24 = arith.muli %arg1, %mul3A_23 : i32
    %add3A_25 = arith.constant 500 : i32
    %add3A_26 = arith.addi %mul3A_24, %add3A_25 : i32
    "tpu.region"() ({
      %run_scoped3A_128 = tpu.sem_alloc : memref<!tpu.dma_semaphore, #tpu.memory_space<semaphore_mem>>
      %dma_start3A_129 = arith.constant 0 : i32
      %dma_start3A_130 = tpu.memref_slice %arg5[%add3A_26, %dma_start3A_129] : memref<10000x64xf32, #tpu.memory_space<vmem_shared>> -> memref<125x64xf32, #tpu.memory_space<vmem_shared>>
      %dma_start3A_131 = arith.constant 0 : i32
      %dma_start3A_132 = tpu.memref_slice %arg5[%add3A_26, %dma_start3A_131] : memref<10000x64xf32, #tpu.memory_space<vmem_shared>> -> memref<125x64xf32, #tpu.memory_space<vmem_shared>>
      tpu.enqueue_dma source(%arg9 : memref<125x64xf32, #tpu.memory_space<vmem>>) target(%dma_start3A_132 : memref<125x64xf32, #tpu.memory_space<vmem_shared>>) target_semaphore(%run_scoped3A_128 : memref<!tpu.dma_semaphore, #tpu.memory_space<semaphore_mem>>)
      %dma_wait3A_133 = arith.constant 0 : i32
      %dma_wait3A_134 = tpu.memref_slice %arg5[%add3A_26, %dma_wait3A_133] : memref<10000x64xf32, #tpu.memory_space<vmem_shared>> -> memref<125x64xf32, #tpu.memory_space<vmem_shared>>
      %dma_wait3A_135 = arith.constant 0 : i32
      %dma_wait3A_136 = tpu.memref_slice %arg5[%add3A_26, %dma_wait3A_135] : memref<10000x64xf32, #tpu.memory_space<vmem_shared>> -> memref<125x64xf32, #tpu.memory_space<vmem_shared>>
      tpu.wait_dma2 semaphore(%run_scoped3A_128 : memref<!tpu.dma_semaphore, #tpu.memory_space<semaphore_mem>>) src(%arg9 : memref<125x64xf32, #tpu.memory_space<vmem>>) dst(%dma_wait3A_136 : memref<125x64xf32, #tpu.memory_space<vmem_shared>>)
      tpu.yield
    }) : () -> ()
    %barrier3A = arith.constant 0 : index
    tpu.barrier barrier_id(%barrier3A)
    %run_scoped3A = arith.constant 0 : i32
    "tpu.region"() ({
      %run_scoped3A_128 = tpu.sem_alloc : memref<!tpu.dma_semaphore, #tpu.memory_space<semaphore_mem>>
      %dma_start3A_129 = arith.constant 0 : i32
      %dma_start3A_130 = arith.constant 0 : i32
      %dma_start3A_131 = tpu.memref_slice %arg3[%run_scoped3A, %add3A, %dma_start3A_129, %dma_start3A_130] : memref<2x32x80x125xi32, #tpu.memory_space<hbm>> -> memref<1x1x80x125xi32, #tpu.memory_space<hbm>>
      %dma_start3A_132 = tpu.memref_squeeze %dma_start3A_131 : memref<1x1x80x125xi32, #tpu.memory_space<hbm>> -> memref<80x125xi32, #tpu.memory_space<hbm>>
      %dma_start3A_133 = arith.constant 0 : i32
      %dma_start3A_134 = arith.constant 0 : i32
      %dma_start3A_135 = tpu.memref_slice %arg3[%run_scoped3A, %add3A, %dma_start3A_133, %dma_start3A_134] : memref<2x32x80x125xi32, #tpu.memory_space<hbm>> -> memref<1x1x80x125xi32, #tpu.memory_space<hbm>>
      %dma_start3A_136 = tpu.memref_squeeze %dma_start3A_135 : memref<1x1x80x125xi32, #tpu.memory_space<hbm>> -> memref<80x125xi32, #tpu.memory_space<hbm>>
      tpu.enqueue_dma source(%dma_start3A_136 : memref<80x125xi32, #tpu.memory_space<hbm>>) target(%arg6 : memref<80x125xi32, #tpu.memory_space<vmem>>) target_semaphore(%run_scoped3A_128 : memref<!tpu.dma_semaphore, #tpu.memory_space<semaphore_mem>>)
      %dma_wait3A_137 = arith.constant 0 : i32
      %dma_wait3A_138 = arith.constant 0 : i32
      %dma_wait3A_139 = tpu.memref_slice %arg3[%run_scoped3A, %add3A, %dma_wait3A_137, %dma_wait3A_138] : memref<2x32x80x125xi32, #tpu.memory_space<hbm>> -> memref<1x1x80x125xi32, #tpu.memory_space<hbm>>
      %dma_wait3A_140 = tpu.memref_squeeze %dma_wait3A_139 : memref<1x1x80x125xi32, #tpu.memory_space<hbm>> -> memref<80x125xi32, #tpu.memory_space<hbm>>
      %dma_wait3A_141 = arith.constant 0 : i32
      %dma_wait3A_142 = arith.constant 0 : i32
      %dma_wait3A_143 = tpu.memref_slice %arg3[%run_scoped3A, %add3A, %dma_wait3A_141, %dma_wait3A_142] : memref<2x32x80x125xi32, #tpu.memory_space<hbm>> -> memref<1x1x80x125xi32, #tpu.memory_space<hbm>>
      %dma_wait3A_144 = tpu.memref_squeeze %dma_wait3A_143 : memref<1x1x80x125xi32, #tpu.memory_space<hbm>> -> memref<80x125xi32, #tpu.memory_space<hbm>>
      tpu.wait_dma2 semaphore(%run_scoped3A_128 : memref<!tpu.dma_semaphore, #tpu.memory_space<semaphore_mem>>) src(%dma_wait3A_144 : memref<80x125xi32, #tpu.memory_space<hbm>>) dst(%arg6 : memref<80x125xi32, #tpu.memory_space<vmem>>)
      tpu.yield
    }) : () -> ()
    %run_scoped3A_27 = arith.constant 1 : i32
    "tpu.region"() ({
      %run_scoped3A_128 = tpu.sem_alloc : memref<!tpu.dma_semaphore, #tpu.memory_space<semaphore_mem>>
      %dma_start3A_129 = arith.constant 0 : i32
      %dma_start3A_130 = arith.constant 0 : i32
      %dma_start3A_131 = tpu.memref_slice %arg3[%run_scoped3A_27, %add3A, %dma_start3A_129, %dma_start3A_130] : memref<2x32x80x125xi32, #tpu.memory_space<hbm>> -> memref<1x1x80x125xi32, #tpu.memory_space<hbm>>
      %dma_start3A_132 = tpu.memref_squeeze %dma_start3A_131 : memref<1x1x80x125xi32, #tpu.memory_space<hbm>> -> memref<80x125xi32, #tpu.memory_space<hbm>>
      %dma_start3A_133 = arith.constant 0 : i32
      %dma_start3A_134 = arith.constant 0 : i32
      %dma_start3A_135 = tpu.memref_slice %arg3[%run_scoped3A_27, %add3A, %dma_start3A_133, %dma_start3A_134] : memref<2x32x80x125xi32, #tpu.memory_space<hbm>> -> memref<1x1x80x125xi32, #tpu.memory_space<hbm>>
      %dma_start3A_136 = tpu.memref_squeeze %dma_start3A_135 : memref<1x1x80x125xi32, #tpu.memory_space<hbm>> -> memref<80x125xi32, #tpu.memory_space<hbm>>
      tpu.enqueue_dma source(%dma_start3A_136 : memref<80x125xi32, #tpu.memory_space<hbm>>) target(%arg7 : memref<80x125xi32, #tpu.memory_space<vmem>>) target_semaphore(%run_scoped3A_128 : memref<!tpu.dma_semaphore, #tpu.memory_space<semaphore_mem>>)
      %dma_wait3A_137 = arith.constant 0 : i32
      %dma_wait3A_138 = arith.constant 0 : i32
      %dma_wait3A_139 = tpu.memref_slice %arg3[%run_scoped3A_27, %add3A, %dma_wait3A_137, %dma_wait3A_138] : memref<2x32x80x125xi32, #tpu.memory_space<hbm>> -> memref<1x1x80x125xi32, #tpu.memory_space<hbm>>
      %dma_wait3A_140 = tpu.memref_squeeze %dma_wait3A_139 : memref<1x1x80x125xi32, #tpu.memory_space<hbm>> -> memref<80x125xi32, #tpu.memory_space<hbm>>
      %dma_wait3A_141 = arith.constant 0 : i32
      %dma_wait3A_142 = arith.constant 0 : i32
      %dma_wait3A_143 = tpu.memref_slice %arg3[%run_scoped3A_27, %add3A, %dma_wait3A_141, %dma_wait3A_142] : memref<2x32x80x125xi32, #tpu.memory_space<hbm>> -> memref<1x1x80x125xi32, #tpu.memory_space<hbm>>
      %dma_wait3A_144 = tpu.memref_squeeze %dma_wait3A_143 : memref<1x1x80x125xi32, #tpu.memory_space<hbm>> -> memref<80x125xi32, #tpu.memory_space<hbm>>
      tpu.wait_dma2 semaphore(%run_scoped3A_128 : memref<!tpu.dma_semaphore, #tpu.memory_space<semaphore_mem>>) src(%dma_wait3A_144 : memref<80x125xi32, #tpu.memory_space<hbm>>) dst(%arg7 : memref<80x125xi32, #tpu.memory_space<vmem>>)
      tpu.yield
    }) : () -> ()
    %dma_start3A = arith.constant 0 : i32
    %dma_start3A_28 = arith.constant 0 : i32
    %dma_start3A_29 = arith.constant 0 : i32
    %dma_start3A_30 = arith.constant 0 : i32
    %dma_start3A_31 = arith.constant 0 : i32
    %dma_start3A_32 = tpu.memref_slice %arg8[%dma_start3A_28, %dma_start3A_30, %dma_start3A_31] : memref<4x125x64xf32, #tpu.memory_space<vmem>> -> memref<1x125x64xf32, #tpu.memory_space<vmem>>
    %dma_start3A_33 = tpu.memref_squeeze %dma_start3A_32 : memref<1x125x64xf32, #tpu.memory_space<vmem>> -> memref<125x64xf32, #tpu.memory_space<vmem>>
    %dma_start3A_34 = arith.constant 0 : i32
    %dma_start3A_35 = tpu.memref_slice %arg6[%dma_start3A, %dma_start3A_34] : memref<80x125xi32, #tpu.memory_space<vmem>> -> memref<1x125xi32, #tpu.memory_space<vmem>>
    %dma_start3A_36 = tpu.memref_squeeze %dma_start3A_35 : memref<1x125xi32, #tpu.memory_space<vmem>> -> memref<125xi32, #tpu.memory_space<vmem>>
    %dma_start3A_37 = arith.constant 0 : i32
    %dma_start3A_38 = arith.constant 0 : i32
    %dma_start3A_39 = tpu.memref_slice %arg2[%dma_start3A_37, %dma_start3A_38] : memref<20000x64xf32, #tpu.memory_space<hbm>> -> memref<20000x64xf32, #tpu.memory_space<hbm>>
    %dma_start3A_40 = tpu.memref_slice %arg10[%dma_start3A_29] : memref<4x!tpu.dma_semaphore, #tpu.memory_space<semaphore_mem>> -> memref<1x!tpu.dma_semaphore, #tpu.memory_space<semaphore_mem>>
    %dma_start3A_41 = tpu.memref_squeeze %dma_start3A_40 : memref<1x!tpu.dma_semaphore, #tpu.memory_space<semaphore_mem>> -> memref<!tpu.dma_semaphore, #tpu.memory_space<semaphore_mem>>
    tpu.enqueue_indirect_dma source(%dma_start3A_39 : memref<20000x64xf32, #tpu.memory_space<hbm>>) target(%dma_start3A_33 : memref<125x64xf32, #tpu.memory_space<vmem>>) offsets(%dma_start3A_36 : memref<125xi32, #tpu.memory_space<vmem>>) semaphore(%dma_start3A_41 : memref<!tpu.dma_semaphore, #tpu.memory_space<semaphore_mem>>)
    %dma_start3A_42 = arith.constant 1 : i32
    %dma_start3A_43 = arith.constant 1 : i32
    %dma_start3A_44 = arith.constant 1 : i32
    %dma_start3A_45 = arith.constant 0 : i32
    %dma_start3A_46 = arith.constant 0 : i32
    %dma_start3A_47 = tpu.memref_slice %arg8[%dma_start3A_43, %dma_start3A_45, %dma_start3A_46] : memref<4x125x64xf32, #tpu.memory_space<vmem>> -> memref<1x125x64xf32, #tpu.memory_space<vmem>>
    %dma_start3A_48 = tpu.memref_squeeze %dma_start3A_47 : memref<1x125x64xf32, #tpu.memory_space<vmem>> -> memref<125x64xf32, #tpu.memory_space<vmem>>
    %dma_start3A_49 = arith.constant 0 : i32
    %dma_start3A_50 = tpu.memref_slice %arg6[%dma_start3A_42, %dma_start3A_49] : memref<80x125xi32, #tpu.memory_space<vmem>> -> memref<1x125xi32, #tpu.memory_space<vmem>>
    %dma_start3A_51 = tpu.memref_squeeze %dma_start3A_50 : memref<1x125xi32, #tpu.memory_space<vmem>> -> memref<125xi32, #tpu.memory_space<vmem>>
    %dma_start3A_52 = arith.constant 0 : i32
    %dma_start3A_53 = arith.constant 0 : i32
    %dma_start3A_54 = tpu.memref_slice %arg2[%dma_start3A_52, %dma_start3A_53] : memref<20000x64xf32, #tpu.memory_space<hbm>> -> memref<20000x64xf32, #tpu.memory_space<hbm>>
    %dma_start3A_55 = tpu.memref_slice %arg10[%dma_start3A_44] : memref<4x!tpu.dma_semaphore, #tpu.memory_space<semaphore_mem>> -> memref<1x!tpu.dma_semaphore, #tpu.memory_space<semaphore_mem>>
    %dma_start3A_56 = tpu.memref_squeeze %dma_start3A_55 : memref<1x!tpu.dma_semaphore, #tpu.memory_space<semaphore_mem>> -> memref<!tpu.dma_semaphore, #tpu.memory_space<semaphore_mem>>
    tpu.enqueue_indirect_dma source(%dma_start3A_54 : memref<20000x64xf32, #tpu.memory_space<hbm>>) target(%dma_start3A_48 : memref<125x64xf32, #tpu.memory_space<vmem>>) offsets(%dma_start3A_51 : memref<125xi32, #tpu.memory_space<vmem>>) semaphore(%dma_start3A_56 : memref<!tpu.dma_semaphore, #tpu.memory_space<semaphore_mem>>)
    %dma_start3A_57 = arith.constant 2 : i32
    %dma_start3A_58 = arith.constant 2 : i32
    %dma_start3A_59 = arith.constant 2 : i32
    %dma_start3A_60 = arith.constant 0 : i32
    %dma_start3A_61 = arith.constant 0 : i32
    %dma_start3A_62 = tpu.memref_slice %arg8[%dma_start3A_58, %dma_start3A_60, %dma_start3A_61] : memref<4x125x64xf32, #tpu.memory_space<vmem>> -> memref<1x125x64xf32, #tpu.memory_space<vmem>>
    %dma_start3A_63 = tpu.memref_squeeze %dma_start3A_62 : memref<1x125x64xf32, #tpu.memory_space<vmem>> -> memref<125x64xf32, #tpu.memory_space<vmem>>
    %dma_start3A_64 = arith.constant 0 : i32
    %dma_start3A_65 = tpu.memref_slice %arg6[%dma_start3A_57, %dma_start3A_64] : memref<80x125xi32, #tpu.memory_space<vmem>> -> memref<1x125xi32, #tpu.memory_space<vmem>>
    %dma_start3A_66 = tpu.memref_squeeze %dma_start3A_65 : memref<1x125xi32, #tpu.memory_space<vmem>> -> memref<125xi32, #tpu.memory_space<vmem>>
    %dma_start3A_67 = arith.constant 0 : i32
    %dma_start3A_68 = arith.constant 0 : i32
    %dma_start3A_69 = tpu.memref_slice %arg2[%dma_start3A_67, %dma_start3A_68] : memref<20000x64xf32, #tpu.memory_space<hbm>> -> memref<20000x64xf32, #tpu.memory_space<hbm>>
    %dma_start3A_70 = tpu.memref_slice %arg10[%dma_start3A_59] : memref<4x!tpu.dma_semaphore, #tpu.memory_space<semaphore_mem>> -> memref<1x!tpu.dma_semaphore, #tpu.memory_space<semaphore_mem>>
    %dma_start3A_71 = tpu.memref_squeeze %dma_start3A_70 : memref<1x!tpu.dma_semaphore, #tpu.memory_space<semaphore_mem>> -> memref<!tpu.dma_semaphore, #tpu.memory_space<semaphore_mem>>
    tpu.enqueue_indirect_dma source(%dma_start3A_69 : memref<20000x64xf32, #tpu.memory_space<hbm>>) target(%dma_start3A_63 : memref<125x64xf32, #tpu.memory_space<vmem>>) offsets(%dma_start3A_66 : memref<125xi32, #tpu.memory_space<vmem>>) semaphore(%dma_start3A_71 : memref<!tpu.dma_semaphore, #tpu.memory_space<semaphore_mem>>)
    %scan3A_72 = arith.constant 0 : i32
    %scan3A_73 = arith.constant 0 : i32
    %scan3A_74 = arith.constant 20 : i32
    %scan3A_75 = arith.addi %scan3A_73, %scan3A_74 : i32
    %scan3A_76 = arith.constant 1 : i32
    %scan3A_77 = scf.for %scan3A_128 = %scan3A_73 to %scan3A_75 step %scan3A_76 iter_args(%scan3A_129 = %scan3A_72) -> (i32)  : i32 {
      %mul3A_130 = arith.constant 4 : i32
      %mul3A_131 = arith.muli %scan3A_128, %mul3A_130 : i32
      %add3A_132 = arith.constant 0 : i32
      %add3A_133 = arith.addi %mul3A_131, %add3A_132 : i32
      %dma_wait3A_134 = arith.constant 0 : i32
      %dma_wait3A_135 = arith.constant 0 : i32
      %dma_wait3A_136 = arith.constant 0 : i32
      %dma_wait3A_137 = arith.constant 0 : i32
      %dma_wait3A_138 = arith.constant 0 : i32
      %dma_wait3A_139 = tpu.memref_slice %arg8[%dma_wait3A_135, %dma_wait3A_137, %dma_wait3A_138] : memref<4x125x64xf32, #tpu.memory_space<vmem>> -> memref<1x125x64xf32, #tpu.memory_space<vmem>>
      %dma_wait3A_140 = tpu.memref_squeeze %dma_wait3A_139 : memref<1x125x64xf32, #tpu.memory_space<vmem>> -> memref<125x64xf32, #tpu.memory_space<vmem>>
      %dma_wait3A_141 = arith.constant 0 : i32
      %dma_wait3A_142 = tpu.memref_slice %arg6[%dma_wait3A_134, %dma_wait3A_141] : memref<80x125xi32, #tpu.memory_space<vmem>> -> memref<1x125xi32, #tpu.memory_space<vmem>>
      %dma_wait3A_143 = tpu.memref_squeeze %dma_wait3A_142 : memref<1x125xi32, #tpu.memory_space<vmem>> -> memref<125xi32, #tpu.memory_space<vmem>>
      %dma_wait3A_144 = arith.constant 0 : i32
      %dma_wait3A_145 = arith.constant 0 : i32
      %dma_wait3A_146 = tpu.memref_slice %arg2[%dma_wait3A_144, %dma_wait3A_145] : memref<20000x64xf32, #tpu.memory_space<hbm>> -> memref<20000x64xf32, #tpu.memory_space<hbm>>
      %dma_wait3A_147 = tpu.memref_slice %arg10[%dma_wait3A_136] : memref<4x!tpu.dma_semaphore, #tpu.memory_space<semaphore_mem>> -> memref<1x!tpu.dma_semaphore, #tpu.memory_space<semaphore_mem>>
      %dma_wait3A_148 = tpu.memref_squeeze %dma_wait3A_147 : memref<1x!tpu.dma_semaphore, #tpu.memory_space<semaphore_mem>> -> memref<!tpu.dma_semaphore, #tpu.memory_space<semaphore_mem>>
      tpu.wait_indirect_dma semaphore(%dma_wait3A_148 : memref<!tpu.dma_semaphore, #tpu.memory_space<semaphore_mem>>) src(%dma_wait3A_146 : memref<20000x64xf32, #tpu.memory_space<hbm>>) dst(%dma_wait3A_140 : memref<125x64xf32, #tpu.memory_space<vmem>>)
      %add3A_149 = arith.constant 3 : i32
      %add3A_150 = arith.addi %add3A_133, %add3A_149 : i32
      %min3A = arith.constant 79 : i32
      %min3A_151 = arith.minsi %add3A_150, %min3A : i32
      %dma_start3A_152 = arith.constant 3 : i32
      %dma_start3A_153 = arith.constant 3 : i32
      %dma_start3A_154 = arith.constant 0 : i32
      %dma_start3A_155 = arith.constant 0 : i32
      %dma_start3A_156 = tpu.memref_slice %arg8[%dma_start3A_152, %dma_start3A_154, %dma_start3A_155] : memref<4x125x64xf32, #tpu.memory_space<vmem>> -> memref<1x125x64xf32, #tpu.memory_space<vmem>>
      %dma_start3A_157 = tpu.memref_squeeze %dma_start3A_156 : memref<1x125x64xf32, #tpu.memory_space<vmem>> -> memref<125x64xf32, #tpu.memory_space<vmem>>
      %dma_start3A_158 = arith.constant 0 : i32
      %dma_start3A_159 = tpu.memref_slice %arg6[%min3A_151, %dma_start3A_158] : memref<80x125xi32, #tpu.memory_space<vmem>> -> memref<1x125xi32, #tpu.memory_space<vmem>>
      %dma_start3A_160 = tpu.memref_squeeze %dma_start3A_159 : memref<1x125xi32, #tpu.memory_space<vmem>> -> memref<125xi32, #tpu.memory_space<vmem>>
      %dma_start3A_161 = arith.constant 0 : i32
      %dma_start3A_162 = arith.constant 0 : i32
      %dma_start3A_163 = tpu.memref_slice %arg2[%dma_start3A_161, %dma_start3A_162] : memref<20000x64xf32, #tpu.memory_space<hbm>> -> memref<20000x64xf32, #tpu.memory_space<hbm>>
      %dma_start3A_164 = tpu.memref_slice %arg10[%dma_start3A_153] : memref<4x!tpu.dma_semaphore, #tpu.memory_space<semaphore_mem>> -> memref<1x!tpu.dma_semaphore, #tpu.memory_space<semaphore_mem>>
      %dma_start3A_165 = tpu.memref_squeeze %dma_start3A_164 : memref<1x!tpu.dma_semaphore, #tpu.memory_space<semaphore_mem>> -> memref<!tpu.dma_semaphore, #tpu.memory_space<semaphore_mem>>
      tpu.enqueue_indirect_dma source(%dma_start3A_163 : memref<20000x64xf32, #tpu.memory_space<hbm>>) target(%dma_start3A_157 : memref<125x64xf32, #tpu.memory_space<vmem>>) offsets(%dma_start3A_160 : memref<125xi32, #tpu.memory_space<vmem>>) semaphore(%dma_start3A_165 : memref<!tpu.dma_semaphore, #tpu.memory_space<semaphore_mem>>)
      %run_scoped3A_166 = arith.constant 0 : i32
      "tpu.region"() ({
        %run_scoped3A_282 = tpu.sem_alloc : memref<!tpu.dma_semaphore, #tpu.memory_space<semaphore_mem>>
        %dma_start3A_283 = arith.constant 0 : i32
        %dma_start3A_284 = arith.constant 0 : i32
        %dma_start3A_285 = tpu.memref_slice %arg8[%run_scoped3A_166, %dma_start3A_283, %dma_start3A_284] : memref<4x125x64xf32, #tpu.memory_space<vmem>> -> memref<1x125x64xf32, #tpu.memory_space<vmem>>
        %dma_start3A_286 = tpu.memref_squeeze %dma_start3A_285 : memref<1x125x64xf32, #tpu.memory_space<vmem>> -> memref<125x64xf32, #tpu.memory_space<vmem>>
        %dma_start3A_287 = arith.constant 0 : i32
        %dma_start3A_288 = tpu.memref_slice %arg7[%add3A_133, %dma_start3A_287] : memref<80x125xi32, #tpu.memory_space<vmem>> -> memref<1x125xi32, #tpu.memory_space<vmem>>
        %dma_start3A_289 = tpu.memref_squeeze %dma_start3A_288 : memref<1x125xi32, #tpu.memory_space<vmem>> -> memref<125xi32, #tpu.memory_space<vmem>>
        %dma_start3A_290 = arith.constant 0 : i32
        %dma_start3A_291 = arith.constant 0 : i32
        %dma_start3A_292 = tpu.memref_slice %arg5[%dma_start3A_290, %dma_start3A_291] : memref<10000x64xf32, #tpu.memory_space<vmem_shared>> -> memref<10000x64xf32, #tpu.memory_space<vmem_shared>>
        tpu.enqueue_indirect_dma source(%dma_start3A_286 : memref<125x64xf32, #tpu.memory_space<vmem>>) target(%dma_start3A_292 : memref<10000x64xf32, #tpu.memory_space<vmem_shared>>) offsets(%dma_start3A_289 : memref<125xi32, #tpu.memory_space<vmem>>) semaphore(%run_scoped3A_282 : memref<!tpu.dma_semaphore, #tpu.memory_space<semaphore_mem>>) {add = true}
        %dma_wait3A_293 = arith.constant 0 : i32
        %dma_wait3A_294 = arith.constant 0 : i32
        %dma_wait3A_295 = tpu.memref_slice %arg8[%run_scoped3A_166, %dma_wait3A_293, %dma_wait3A_294] : memref<4x125x64xf32, #tpu.memory_space<vmem>> -> memref<1x125x64xf32, #tpu.memory_space<vmem>>
        %dma_wait3A_296 = tpu.memref_squeeze %dma_wait3A_295 : memref<1x125x64xf32, #tpu.memory_space<vmem>> -> memref<125x64xf32, #tpu.memory_space<vmem>>
        %dma_wait3A_297 = arith.constant 0 : i32
        %dma_wait3A_298 = tpu.memref_slice %arg7[%add3A_133, %dma_wait3A_297] : memref<80x125xi32, #tpu.memory_space<vmem>> -> memref<1x125xi32, #tpu.memory_space<vmem>>
        %dma_wait3A_299 = tpu.memref_squeeze %dma_wait3A_298 : memref<1x125xi32, #tpu.memory_space<vmem>> -> memref<125xi32, #tpu.memory_space<vmem>>
        %dma_wait3A_300 = arith.constant 0 : i32
        %dma_wait3A_301 = arith.constant 0 : i32
        %dma_wait3A_302 = tpu.memref_slice %arg5[%dma_wait3A_300, %dma_wait3A_301] : memref<10000x64xf32, #tpu.memory_space<vmem_shared>> -> memref<10000x64xf32, #tpu.memory_space<vmem_shared>>
        tpu.wait_indirect_dma semaphore(%run_scoped3A_282 : memref<!tpu.dma_semaphore, #tpu.memory_space<semaphore_mem>>) src(%dma_wait3A_296 : memref<125x64xf32, #tpu.memory_space<vmem>>) dst(%dma_wait3A_302 : memref<10000x64xf32, #tpu.memory_space<vmem_shared>>)
        tpu.yield
      }) : () -> ()
      %mul3A_167 = arith.constant 4 : i32
      %mul3A_168 = arith.muli %scan3A_128, %mul3A_167 : i32
      %add3A_169 = arith.constant 1 : i32
      %add3A_170 = arith.addi %mul3A_168, %add3A_169 : i32
      %dma_wait3A_171 = arith.constant 0 : i32
      %dma_wait3A_172 = arith.constant 1 : i32
      %dma_wait3A_173 = arith.constant 1 : i32
      %dma_wait3A_174 = arith.constant 0 : i32
      %dma_wait3A_175 = arith.constant 0 : i32
      %dma_wait3A_176 = tpu.memref_slice %arg8[%dma_wait3A_172, %dma_wait3A_174, %dma_wait3A_175] : memref<4x125x64xf32, #tpu.memory_space<vmem>> -> memref<1x125x64xf32, #tpu.memory_space<vmem>>
      %dma_wait3A_177 = tpu.memref_squeeze %dma_wait3A_176 : memref<1x125x64xf32, #tpu.memory_space<vmem>> -> memref<125x64xf32, #tpu.memory_space<vmem>>
      %dma_wait3A_178 = arith.constant 0 : i32
      %dma_wait3A_179 = tpu.memref_slice %arg6[%dma_wait3A_171, %dma_wait3A_178] : memref<80x125xi32, #tpu.memory_space<vmem>> -> memref<1x125xi32, #tpu.memory_space<vmem>>
      %dma_wait3A_180 = tpu.memref_squeeze %dma_wait3A_179 : memref<1x125xi32, #tpu.memory_space<vmem>> -> memref<125xi32, #tpu.memory_space<vmem>>
      %dma_wait3A_181 = arith.constant 0 : i32
      %dma_wait3A_182 = arith.constant 0 : i32
      %dma_wait3A_183 = tpu.memref_slice %arg2[%dma_wait3A_181, %dma_wait3A_182] : memref<20000x64xf32, #tpu.memory_space<hbm>> -> memref<20000x64xf32, #tpu.memory_space<hbm>>
      %dma_wait3A_184 = tpu.memref_slice %arg10[%dma_wait3A_173] : memref<4x!tpu.dma_semaphore, #tpu.memory_space<semaphore_mem>> -> memref<1x!tpu.dma_semaphore, #tpu.memory_space<semaphore_mem>>
      %dma_wait3A_185 = tpu.memref_squeeze %dma_wait3A_184 : memref<1x!tpu.dma_semaphore, #tpu.memory_space<semaphore_mem>> -> memref<!tpu.dma_semaphore, #tpu.memory_space<semaphore_mem>>
      tpu.wait_indirect_dma semaphore(%dma_wait3A_185 : memref<!tpu.dma_semaphore, #tpu.memory_space<semaphore_mem>>) src(%dma_wait3A_183 : memref<20000x64xf32, #tpu.memory_space<hbm>>) dst(%dma_wait3A_177 : memref<125x64xf32, #tpu.memory_space<vmem>>)
      %add3A_186 = arith.constant 3 : i32
      %add3A_187 = arith.addi %add3A_170, %add3A_186 : i32
      %min3A_188 = arith.constant 79 : i32
      %min3A_189 = arith.minsi %add3A_187, %min3A_188 : i32
      %dma_start3A_190 = arith.constant 0 : i32
      %dma_start3A_191 = arith.constant 0 : i32
      %dma_start3A_192 = arith.constant 0 : i32
      %dma_start3A_193 = arith.constant 0 : i32
      %dma_start3A_194 = tpu.memref_slice %arg8[%dma_start3A_190, %dma_start3A_192, %dma_start3A_193] : memref<4x125x64xf32, #tpu.memory_space<vmem>> -> memref<1x125x64xf32, #tpu.memory_space<vmem>>
      %dma_start3A_195 = tpu.memref_squeeze %dma_start3A_194 : memref<1x125x64xf32, #tpu.memory_space<vmem>> -> memref<125x64xf32, #tpu.memory_space<vmem>>
      %dma_start3A_196 = arith.constant 0 : i32
      %dma_start3A_197 = tpu.memref_slice %arg6[%min3A_189, %dma_start3A_196] : memref<80x125xi32, #tpu.memory_space<vmem>> -> memref<1x125xi32, #tpu.memory_space<vmem>>
      %dma_start3A_198 = tpu.memref_squeeze %dma_start3A_197 : memref<1x125xi32, #tpu.memory_space<vmem>> -> memref<125xi32, #tpu.memory_space<vmem>>
      %dma_start3A_199 = arith.constant 0 : i32
      %dma_start3A_200 = arith.constant 0 : i32
      %dma_start3A_201 = tpu.memref_slice %arg2[%dma_start3A_199, %dma_start3A_200] : memref<20000x64xf32, #tpu.memory_space<hbm>> -> memref<20000x64xf32, #tpu.memory_space<hbm>>
      %dma_start3A_202 = tpu.memref_slice %arg10[%dma_start3A_191] : memref<4x!tpu.dma_semaphore, #tpu.memory_space<semaphore_mem>> -> memref<1x!tpu.dma_semaphore, #tpu.memory_space<semaphore_mem>>
      %dma_start3A_203 = tpu.memref_squeeze %dma_start3A_202 : memref<1x!tpu.dma_semaphore, #tpu.memory_space<semaphore_mem>> -> memref<!tpu.dma_semaphore, #tpu.memory_space<semaphore_mem>>
      tpu.enqueue_indirect_dma source(%dma_start3A_201 : memref<20000x64xf32, #tpu.memory_space<hbm>>) target(%dma_start3A_195 : memref<125x64xf32, #tpu.memory_space<vmem>>) offsets(%dma_start3A_198 : memref<125xi32, #tpu.memory_space<vmem>>) semaphore(%dma_start3A_203 : memref<!tpu.dma_semaphore, #tpu.memory_space<semaphore_mem>>)
      %run_scoped3A_204 = arith.constant 1 : i32
      "tpu.region"() ({
        %run_scoped3A_282 = tpu.sem_alloc : memref<!tpu.dma_semaphore, #tpu.memory_space<semaphore_mem>>
        %dma_start3A_283 = arith.constant 0 : i32
        %dma_start3A_284 = arith.constant 0 : i32
        %dma_start3A_285 = tpu.memref_slice %arg8[%run_scoped3A_204, %dma_start3A_283, %dma_start3A_284] : memref<4x125x64xf32, #tpu.memory_space<vmem>> -> memref<1x125x64xf32, #tpu.memory_space<vmem>>
        %dma_start3A_286 = tpu.memref_squeeze %dma_start3A_285 : memref<1x125x64xf32, #tpu.memory_space<vmem>> -> memref<125x64xf32, #tpu.memory_space<vmem>>
        %dma_start3A_287 = arith.constant 0 : i32
        %dma_start3A_288 = tpu.memref_slice %arg7[%add3A_170, %dma_start3A_287] : memref<80x125xi32, #tpu.memory_space<vmem>> -> memref<1x125xi32, #tpu.memory_space<vmem>>
        %dma_start3A_289 = tpu.memref_squeeze %dma_start3A_288 : memref<1x125xi32, #tpu.memory_space<vmem>> -> memref<125xi32, #tpu.memory_space<vmem>>
        %dma_start3A_290 = arith.constant 0 : i32
        %dma_start3A_291 = arith.constant 0 : i32
        %dma_start3A_292 = tpu.memref_slice %arg5[%dma_start3A_290, %dma_start3A_291] : memref<10000x64xf32, #tpu.memory_space<vmem_shared>> -> memref<10000x64xf32, #tpu.memory_space<vmem_shared>>
        tpu.enqueue_indirect_dma source(%dma_start3A_286 : memref<125x64xf32, #tpu.memory_space<vmem>>) target(%dma_start3A_292 : memref<10000x64xf32, #tpu.memory_space<vmem_shared>>) offsets(%dma_start3A_289 : memref<125xi32, #tpu.memory_space<vmem>>) semaphore(%run_scoped3A_282 : memref<!tpu.dma_semaphore, #tpu.memory_space<semaphore_mem>>) {add = true}
        %dma_wait3A_293 = arith.constant 0 : i32
        %dma_wait3A_294 = arith.constant 0 : i32
        %dma_wait3A_295 = tpu.memref_slice %arg8[%run_scoped3A_204, %dma_wait3A_293, %dma_wait3A_294] : memref<4x125x64xf32, #tpu.memory_space<vmem>> -> memref<1x125x64xf32, #tpu.memory_space<vmem>>
        %dma_wait3A_296 = tpu.memref_squeeze %dma_wait3A_295 : memref<1x125x64xf32, #tpu.memory_space<vmem>> -> memref<125x64xf32, #tpu.memory_space<vmem>>
        %dma_wait3A_297 = arith.constant 0 : i32
        %dma_wait3A_298 = tpu.memref_slice %arg7[%add3A_170, %dma_wait3A_297] : memref<80x125xi32, #tpu.memory_space<vmem>> -> memref<1x125xi32, #tpu.memory_space<vmem>>
        %dma_wait3A_299 = tpu.memref_squeeze %dma_wait3A_298 : memref<1x125xi32, #tpu.memory_space<vmem>> -> memref<125xi32, #tpu.memory_space<vmem>>
        %dma_wait3A_300 = arith.constant 0 : i32
        %dma_wait3A_301 = arith.constant 0 : i32
        %dma_wait3A_302 = tpu.memref_slice %arg5[%dma_wait3A_300, %dma_wait3A_301] : memref<10000x64xf32, #tpu.memory_space<vmem_shared>> -> memref<10000x64xf32, #tpu.memory_space<vmem_shared>>
        tpu.wait_indirect_dma semaphore(%run_scoped3A_282 : memref<!tpu.dma_semaphore, #tpu.memory_space<semaphore_mem>>) src(%dma_wait3A_296 : memref<125x64xf32, #tpu.memory_space<vmem>>) dst(%dma_wait3A_302 : memref<10000x64xf32, #tpu.memory_space<vmem_shared>>)
        tpu.yield
      }) : () -> ()
      %mul3A_205 = arith.constant 4 : i32
      %mul3A_206 = arith.muli %scan3A_128, %mul3A_205 : i32
      %add3A_207 = arith.constant 2 : i32
      %add3A_208 = arith.addi %mul3A_206, %add3A_207 : i32
      %dma_wait3A_209 = arith.constant 0 : i32
      %dma_wait3A_210 = arith.constant 2 : i32
      %dma_wait3A_211 = arith.constant 2 : i32
      %dma_wait3A_212 = arith.constant 0 : i32
      %dma_wait3A_213 = arith.constant 0 : i32
      %dma_wait3A_214 = tpu.memref_slice %arg8[%dma_wait3A_210, %dma_wait3A_212, %dma_wait3A_213] : memref<4x125x64xf32, #tpu.memory_space<vmem>> -> memref<1x125x64xf32, #tpu.memory_space<vmem>>
      %dma_wait3A_215 = tpu.memref_squeeze %dma_wait3A_214 : memref<1x125x64xf32, #tpu.memory_space<vmem>> -> memref<125x64xf32, #tpu.memory_space<vmem>>
      %dma_wait3A_216 = arith.constant 0 : i32
      %dma_wait3A_217 = tpu.memref_slice %arg6[%dma_wait3A_209, %dma_wait3A_216] : memref<80x125xi32, #tpu.memory_space<vmem>> -> memref<1x125xi32, #tpu.memory_space<vmem>>
      %dma_wait3A_218 = tpu.memref_squeeze %dma_wait3A_217 : memref<1x125xi32, #tpu.memory_space<vmem>> -> memref<125xi32, #tpu.memory_space<vmem>>
      %dma_wait3A_219 = arith.constant 0 : i32
      %dma_wait3A_220 = arith.constant 0 : i32
      %dma_wait3A_221 = tpu.memref_slice %arg2[%dma_wait3A_219, %dma_wait3A_220] : memref<20000x64xf32, #tpu.memory_space<hbm>> -> memref<20000x64xf32, #tpu.memory_space<hbm>>
      %dma_wait3A_222 = tpu.memref_slice %arg10[%dma_wait3A_211] : memref<4x!tpu.dma_semaphore, #tpu.memory_space<semaphore_mem>> -> memref<1x!tpu.dma_semaphore, #tpu.memory_space<semaphore_mem>>
      %dma_wait3A_223 = tpu.memref_squeeze %dma_wait3A_222 : memref<1x!tpu.dma_semaphore, #tpu.memory_space<semaphore_mem>> -> memref<!tpu.dma_semaphore, #tpu.memory_space<semaphore_mem>>
      tpu.wait_indirect_dma semaphore(%dma_wait3A_223 : memref<!tpu.dma_semaphore, #tpu.memory_space<semaphore_mem>>) src(%dma_wait3A_221 : memref<20000x64xf32, #tpu.memory_space<hbm>>) dst(%dma_wait3A_215 : memref<125x64xf32, #tpu.memory_space<vmem>>)
      %add3A_224 = arith.constant 3 : i32
      %add3A_225 = arith.addi %add3A_208, %add3A_224 : i32
      %min3A_226 = arith.constant 79 : i32
      %min3A_227 = arith.minsi %add3A_225, %min3A_226 : i32
      %dma_start3A_228 = arith.constant 1 : i32
      %dma_start3A_229 = arith.constant 1 : i32
      %dma_start3A_230 = arith.constant 0 : i32
      %dma_start3A_231 = arith.constant 0 : i32
      %dma_start3A_232 = tpu.memref_slice %arg8[%dma_start3A_228, %dma_start3A_230, %dma_start3A_231] : memref<4x125x64xf32, #tpu.memory_space<vmem>> -> memref<1x125x64xf32, #tpu.memory_space<vmem>>
      %dma_start3A_233 = tpu.memref_squeeze %dma_start3A_232 : memref<1x125x64xf32, #tpu.memory_space<vmem>> -> memref<125x64xf32, #tpu.memory_space<vmem>>
      %dma_start3A_234 = arith.constant 0 : i32
      %dma_start3A_235 = tpu.memref_slice %arg6[%min3A_227, %dma_start3A_234] : memref<80x125xi32, #tpu.memory_space<vmem>> -> memref<1x125xi32, #tpu.memory_space<vmem>>
      %dma_start3A_236 = tpu.memref_squeeze %dma_start3A_235 : memref<1x125xi32, #tpu.memory_space<vmem>> -> memref<125xi32, #tpu.memory_space<vmem>>
      %dma_start3A_237 = arith.constant 0 : i32
      %dma_start3A_238 = arith.constant 0 : i32
      %dma_start3A_239 = tpu.memref_slice %arg2[%dma_start3A_237, %dma_start3A_238] : memref<20000x64xf32, #tpu.memory_space<hbm>> -> memref<20000x64xf32, #tpu.memory_space<hbm>>
      %dma_start3A_240 = tpu.memref_slice %arg10[%dma_start3A_229] : memref<4x!tpu.dma_semaphore, #tpu.memory_space<semaphore_mem>> -> memref<1x!tpu.dma_semaphore, #tpu.memory_space<semaphore_mem>>
      %dma_start3A_241 = tpu.memref_squeeze %dma_start3A_240 : memref<1x!tpu.dma_semaphore, #tpu.memory_space<semaphore_mem>> -> memref<!tpu.dma_semaphore, #tpu.memory_space<semaphore_mem>>
      tpu.enqueue_indirect_dma source(%dma_start3A_239 : memref<20000x64xf32, #tpu.memory_space<hbm>>) target(%dma_start3A_233 : memref<125x64xf32, #tpu.memory_space<vmem>>) offsets(%dma_start3A_236 : memref<125xi32, #tpu.memory_space<vmem>>) semaphore(%dma_start3A_241 : memref<!tpu.dma_semaphore, #tpu.memory_space<semaphore_mem>>)
      %run_scoped3A_242 = arith.constant 2 : i32
      "tpu.region"() ({
        %run_scoped3A_282 = tpu.sem_alloc : memref<!tpu.dma_semaphore, #tpu.memory_space<semaphore_mem>>
        %dma_start3A_283 = arith.constant 0 : i32
        %dma_start3A_284 = arith.constant 0 : i32
        %dma_start3A_285 = tpu.memref_slice %arg8[%run_scoped3A_242, %dma_start3A_283, %dma_start3A_284] : memref<4x125x64xf32, #tpu.memory_space<vmem>> -> memref<1x125x64xf32, #tpu.memory_space<vmem>>
        %dma_start3A_286 = tpu.memref_squeeze %dma_start3A_285 : memref<1x125x64xf32, #tpu.memory_space<vmem>> -> memref<125x64xf32, #tpu.memory_space<vmem>>
        %dma_start3A_287 = arith.constant 0 : i32
        %dma_start3A_288 = tpu.memref_slice %arg7[%add3A_208, %dma_start3A_287] : memref<80x125xi32, #tpu.memory_space<vmem>> -> memref<1x125xi32, #tpu.memory_space<vmem>>
        %dma_start3A_289 = tpu.memref_squeeze %dma_start3A_288 : memref<1x125xi32, #tpu.memory_space<vmem>> -> memref<125xi32, #tpu.memory_space<vmem>>
        %dma_start3A_290 = arith.constant 0 : i32
        %dma_start3A_291 = arith.constant 0 : i32
        %dma_start3A_292 = tpu.memref_slice %arg5[%dma_start3A_290, %dma_start3A_291] : memref<10000x64xf32, #tpu.memory_space<vmem_shared>> -> memref<10000x64xf32, #tpu.memory_space<vmem_shared>>
        tpu.enqueue_indirect_dma source(%dma_start3A_286 : memref<125x64xf32, #tpu.memory_space<vmem>>) target(%dma_start3A_292 : memref<10000x64xf32, #tpu.memory_space<vmem_shared>>) offsets(%dma_start3A_289 : memref<125xi32, #tpu.memory_space<vmem>>) semaphore(%run_scoped3A_282 : memref<!tpu.dma_semaphore, #tpu.memory_space<semaphore_mem>>) {add = true}
        %dma_wait3A_293 = arith.constant 0 : i32
        %dma_wait3A_294 = arith.constant 0 : i32
        %dma_wait3A_295 = tpu.memref_slice %arg8[%run_scoped3A_242, %dma_wait3A_293, %dma_wait3A_294] : memref<4x125x64xf32, #tpu.memory_space<vmem>> -> memref<1x125x64xf32, #tpu.memory_space<vmem>>
        %dma_wait3A_296 = tpu.memref_squeeze %dma_wait3A_295 : memref<1x125x64xf32, #tpu.memory_space<vmem>> -> memref<125x64xf32, #tpu.memory_space<vmem>>
        %dma_wait3A_297 = arith.constant 0 : i32
        %dma_wait3A_298 = tpu.memref_slice %arg7[%add3A_208, %dma_wait3A_297] : memref<80x125xi32, #tpu.memory_space<vmem>> -> memref<1x125xi32, #tpu.memory_space<vmem>>
        %dma_wait3A_299 = tpu.memref_squeeze %dma_wait3A_298 : memref<1x125xi32, #tpu.memory_space<vmem>> -> memref<125xi32, #tpu.memory_space<vmem>>
        %dma_wait3A_300 = arith.constant 0 : i32
        %dma_wait3A_301 = arith.constant 0 : i32
        %dma_wait3A_302 = tpu.memref_slice %arg5[%dma_wait3A_300, %dma_wait3A_301] : memref<10000x64xf32, #tpu.memory_space<vmem_shared>> -> memref<10000x64xf32, #tpu.memory_space<vmem_shared>>
        tpu.wait_indirect_dma semaphore(%run_scoped3A_282 : memref<!tpu.dma_semaphore, #tpu.memory_space<semaphore_mem>>) src(%dma_wait3A_296 : memref<125x64xf32, #tpu.memory_space<vmem>>) dst(%dma_wait3A_302 : memref<10000x64xf32, #tpu.memory_space<vmem_shared>>)
        tpu.yield
      }) : () -> ()
      %mul3A_243 = arith.constant 4 : i32
      %mul3A_244 = arith.muli %scan3A_128, %mul3A_243 : i32
      %add3A_245 = arith.constant 3 : i32
      %add3A_246 = arith.addi %mul3A_244, %add3A_245 : i32
      %dma_wait3A_247 = arith.constant 0 : i32
      %dma_wait3A_248 = arith.constant 3 : i32
      %dma_wait3A_249 = arith.constant 3 : i32
      %dma_wait3A_250 = arith.constant 0 : i32
      %dma_wait3A_251 = arith.constant 0 : i32
      %dma_wait3A_252 = tpu.memref_slice %arg8[%dma_wait3A_248, %dma_wait3A_250, %dma_wait3A_251] : memref<4x125x64xf32, #tpu.memory_space<vmem>> -> memref<1x125x64xf32, #tpu.memory_space<vmem>>
      %dma_wait3A_253 = tpu.memref_squeeze %dma_wait3A_252 : memref<1x125x64xf32, #tpu.memory_space<vmem>> -> memref<125x64xf32, #tpu.memory_space<vmem>>
      %dma_wait3A_254 = arith.constant 0 : i32
      %dma_wait3A_255 = tpu.memref_slice %arg6[%dma_wait3A_247, %dma_wait3A_254] : memref<80x125xi32, #tpu.memory_space<vmem>> -> memref<1x125xi32, #tpu.memory_space<vmem>>
      %dma_wait3A_256 = tpu.memref_squeeze %dma_wait3A_255 : memref<1x125xi32, #tpu.memory_space<vmem>> -> memref<125xi32, #tpu.memory_space<vmem>>
      %dma_wait3A_257 = arith.constant 0 : i32
      %dma_wait3A_258 = arith.constant 0 : i32
      %dma_wait3A_259 = tpu.memref_slice %arg2[%dma_wait3A_257, %dma_wait3A_258] : memref<20000x64xf32, #tpu.memory_space<hbm>> -> memref<20000x64xf32, #tpu.memory_space<hbm>>
      %dma_wait3A_260 = tpu.memref_slice %arg10[%dma_wait3A_249] : memref<4x!tpu.dma_semaphore, #tpu.memory_space<semaphore_mem>> -> memref<1x!tpu.dma_semaphore, #tpu.memory_space<semaphore_mem>>
      %dma_wait3A_261 = tpu.memref_squeeze %dma_wait3A_260 : memref<1x!tpu.dma_semaphore, #tpu.memory_space<semaphore_mem>> -> memref<!tpu.dma_semaphore, #tpu.memory_space<semaphore_mem>>
      tpu.wait_indirect_dma semaphore(%dma_wait3A_261 : memref<!tpu.dma_semaphore, #tpu.memory_space<semaphore_mem>>) src(%dma_wait3A_259 : memref<20000x64xf32, #tpu.memory_space<hbm>>) dst(%dma_wait3A_253 : memref<125x64xf32, #tpu.memory_space<vmem>>)
      %add3A_262 = arith.constant 3 : i32
      %add3A_263 = arith.addi %add3A_246, %add3A_262 : i32
      %min3A_264 = arith.constant 79 : i32
      %min3A_265 = arith.minsi %add3A_263, %min3A_264 : i32
      %dma_start3A_266 = arith.constant 2 : i32
      %dma_start3A_267 = arith.constant 2 : i32
      %dma_start3A_268 = arith.constant 0 : i32
      %dma_start3A_269 = arith.constant 0 : i32
      %dma_start3A_270 = tpu.memref_slice %arg8[%dma_start3A_266, %dma_start3A_268, %dma_start3A_269] : memref<4x125x64xf32, #tpu.memory_space<vmem>> -> memref<1x125x64xf32, #tpu.memory_space<vmem>>
      %dma_start3A_271 = tpu.memref_squeeze %dma_start3A_270 : memref<1x125x64xf32, #tpu.memory_space<vmem>> -> memref<125x64xf32, #tpu.memory_space<vmem>>
      %dma_start3A_272 = arith.constant 0 : i32
      %dma_start3A_273 = tpu.memref_slice %arg6[%min3A_265, %dma_start3A_272] : memref<80x125xi32, #tpu.memory_space<vmem>> -> memref<1x125xi32, #tpu.memory_space<vmem>>
      %dma_start3A_274 = tpu.memref_squeeze %dma_start3A_273 : memref<1x125xi32, #tpu.memory_space<vmem>> -> memref<125xi32, #tpu.memory_space<vmem>>
      %dma_start3A_275 = arith.constant 0 : i32
      %dma_start3A_276 = arith.constant 0 : i32
      %dma_start3A_277 = tpu.memref_slice %arg2[%dma_start3A_275, %dma_start3A_276] : memref<20000x64xf32, #tpu.memory_space<hbm>> -> memref<20000x64xf32, #tpu.memory_space<hbm>>
      %dma_start3A_278 = tpu.memref_slice %arg10[%dma_start3A_267] : memref<4x!tpu.dma_semaphore, #tpu.memory_space<semaphore_mem>> -> memref<1x!tpu.dma_semaphore, #tpu.memory_space<semaphore_mem>>
      %dma_start3A_279 = tpu.memref_squeeze %dma_start3A_278 : memref<1x!tpu.dma_semaphore, #tpu.memory_space<semaphore_mem>> -> memref<!tpu.dma_semaphore, #tpu.memory_space<semaphore_mem>>
      tpu.enqueue_indirect_dma source(%dma_start3A_277 : memref<20000x64xf32, #tpu.memory_space<hbm>>) target(%dma_start3A_271 : memref<125x64xf32, #tpu.memory_space<vmem>>) offsets(%dma_start3A_274 : memref<125xi32, #tpu.memory_space<vmem>>) semaphore(%dma_start3A_279 : memref<!tpu.dma_semaphore, #tpu.memory_space<semaphore_mem>>)
      %run_scoped3A_280 = arith.constant 3 : i32
      "tpu.region"() ({
        %run_scoped3A_282 = tpu.sem_alloc : memref<!tpu.dma_semaphore, #tpu.memory_space<semaphore_mem>>
        %dma_start3A_283 = arith.constant 0 : i32
        %dma_start3A_284 = arith.constant 0 : i32
        %dma_start3A_285 = tpu.memref_slice %arg8[%run_scoped3A_280, %dma_start3A_283, %dma_start3A_284] : memref<4x125x64xf32, #tpu.memory_space<vmem>> -> memref<1x125x64xf32, #tpu.memory_space<vmem>>
        %dma_start3A_286 = tpu.memref_squeeze %dma_start3A_285 : memref<1x125x64xf32, #tpu.memory_space<vmem>> -> memref<125x64xf32, #tpu.memory_space<vmem>>
        %dma_start3A_287 = arith.constant 0 : i32
        %dma_start3A_288 = tpu.memref_slice %arg7[%add3A_246, %dma_start3A_287] : memref<80x125xi32, #tpu.memory_space<vmem>> -> memref<1x125xi32, #tpu.memory_space<vmem>>
        %dma_start3A_289 = tpu.memref_squeeze %dma_start3A_288 : memref<1x125xi32, #tpu.memory_space<vmem>> -> memref<125xi32, #tpu.memory_space<vmem>>
        %dma_start3A_290 = arith.constant 0 : i32
        %dma_start3A_291 = arith.constant 0 : i32
        %dma_start3A_292 = tpu.memref_slice %arg5[%dma_start3A_290, %dma_start3A_291] : memref<10000x64xf32, #tpu.memory_space<vmem_shared>> -> memref<10000x64xf32, #tpu.memory_space<vmem_shared>>
        tpu.enqueue_indirect_dma source(%dma_start3A_286 : memref<125x64xf32, #tpu.memory_space<vmem>>) target(%dma_start3A_292 : memref<10000x64xf32, #tpu.memory_space<vmem_shared>>) offsets(%dma_start3A_289 : memref<125xi32, #tpu.memory_space<vmem>>) semaphore(%run_scoped3A_282 : memref<!tpu.dma_semaphore, #tpu.memory_space<semaphore_mem>>) {add = true}
        %dma_wait3A_293 = arith.constant 0 : i32
        %dma_wait3A_294 = arith.constant 0 : i32
        %dma_wait3A_295 = tpu.memref_slice %arg8[%run_scoped3A_280, %dma_wait3A_293, %dma_wait3A_294] : memref<4x125x64xf32, #tpu.memory_space<vmem>> -> memref<1x125x64xf32, #tpu.memory_space<vmem>>
        %dma_wait3A_296 = tpu.memref_squeeze %dma_wait3A_295 : memref<1x125x64xf32, #tpu.memory_space<vmem>> -> memref<125x64xf32, #tpu.memory_space<vmem>>
        %dma_wait3A_297 = arith.constant 0 : i32
        %dma_wait3A_298 = tpu.memref_slice %arg7[%add3A_246, %dma_wait3A_297] : memref<80x125xi32, #tpu.memory_space<vmem>> -> memref<1x125xi32, #tpu.memory_space<vmem>>
        %dma_wait3A_299 = tpu.memref_squeeze %dma_wait3A_298 : memref<1x125xi32, #tpu.memory_space<vmem>> -> memref<125xi32, #tpu.memory_space<vmem>>
        %dma_wait3A_300 = arith.constant 0 : i32
        %dma_wait3A_301 = arith.constant 0 : i32
        %dma_wait3A_302 = tpu.memref_slice %arg5[%dma_wait3A_300, %dma_wait3A_301] : memref<10000x64xf32, #tpu.memory_space<vmem_shared>> -> memref<10000x64xf32, #tpu.memory_space<vmem_shared>>
        tpu.wait_indirect_dma semaphore(%run_scoped3A_282 : memref<!tpu.dma_semaphore, #tpu.memory_space<semaphore_mem>>) src(%dma_wait3A_296 : memref<125x64xf32, #tpu.memory_space<vmem>>) dst(%dma_wait3A_302 : memref<10000x64xf32, #tpu.memory_space<vmem_shared>>)
        tpu.yield
      }) : () -> ()
      %scan3A_281 = arith.constant 0 : i32
      scf.yield %scan3A_281 : i32
    }
    %scan3A_78 = arith.constant 20 : i32
    %dma_wait3A = arith.constant 0 : i32
    %dma_wait3A_79 = arith.constant 0 : i32
    %dma_wait3A_80 = arith.constant 0 : i32
    %dma_wait3A_81 = arith.constant 0 : i32
    %dma_wait3A_82 = arith.constant 0 : i32
    %dma_wait3A_83 = tpu.memref_slice %arg8[%dma_wait3A_79, %dma_wait3A_81, %dma_wait3A_82] : memref<4x125x64xf32, #tpu.memory_space<vmem>> -> memref<1x125x64xf32, #tpu.memory_space<vmem>>
    %dma_wait3A_84 = tpu.memref_squeeze %dma_wait3A_83 : memref<1x125x64xf32, #tpu.memory_space<vmem>> -> memref<125x64xf32, #tpu.memory_space<vmem>>
    %dma_wait3A_85 = arith.constant 0 : i32
    %dma_wait3A_86 = tpu.memref_slice %arg6[%dma_wait3A, %dma_wait3A_85] : memref<80x125xi32, #tpu.memory_space<vmem>> -> memref<1x125xi32, #tpu.memory_space<vmem>>
    %dma_wait3A_87 = tpu.memref_squeeze %dma_wait3A_86 : memref<1x125xi32, #tpu.memory_space<vmem>> -> memref<125xi32, #tpu.memory_space<vmem>>
    %dma_wait3A_88 = arith.constant 0 : i32
    %dma_wait3A_89 = arith.constant 0 : i32
    %dma_wait3A_90 = tpu.memref_slice %arg2[%dma_wait3A_88, %dma_wait3A_89] : memref<20000x64xf32, #tpu.memory_space<hbm>> -> memref<20000x64xf32, #tpu.memory_space<hbm>>
    %dma_wait3A_91 = tpu.memref_slice %arg10[%dma_wait3A_80] : memref<4x!tpu.dma_semaphore, #tpu.memory_space<semaphore_mem>> -> memref<1x!tpu.dma_semaphore, #tpu.memory_space<semaphore_mem>>
    %dma_wait3A_92 = tpu.memref_squeeze %dma_wait3A_91 : memref<1x!tpu.dma_semaphore, #tpu.memory_space<semaphore_mem>> -> memref<!tpu.dma_semaphore, #tpu.memory_space<semaphore_mem>>
    tpu.wait_indirect_dma semaphore(%dma_wait3A_92 : memref<!tpu.dma_semaphore, #tpu.memory_space<semaphore_mem>>) src(%dma_wait3A_90 : memref<20000x64xf32, #tpu.memory_space<hbm>>) dst(%dma_wait3A_84 : memref<125x64xf32, #tpu.memory_space<vmem>>)
    %dma_wait3A_93 = arith.constant 0 : i32
    %dma_wait3A_94 = arith.constant 1 : i32
    %dma_wait3A_95 = arith.constant 1 : i32
    %dma_wait3A_96 = arith.constant 0 : i32
    %dma_wait3A_97 = arith.constant 0 : i32
    %dma_wait3A_98 = tpu.memref_slice %arg8[%dma_wait3A_94, %dma_wait3A_96, %dma_wait3A_97] : memref<4x125x64xf32, #tpu.memory_space<vmem>> -> memref<1x125x64xf32, #tpu.memory_space<vmem>>
    %dma_wait3A_99 = tpu.memref_squeeze %dma_wait3A_98 : memref<1x125x64xf32, #tpu.memory_space<vmem>> -> memref<125x64xf32, #tpu.memory_space<vmem>>
    %dma_wait3A_100 = arith.constant 0 : i32
    %dma_wait3A_101 = tpu.memref_slice %arg6[%dma_wait3A_93, %dma_wait3A_100] : memref<80x125xi32, #tpu.memory_space<vmem>> -> memref<1x125xi32, #tpu.memory_space<vmem>>
    %dma_wait3A_102 = tpu.memref_squeeze %dma_wait3A_101 : memref<1x125xi32, #tpu.memory_space<vmem>> -> memref<125xi32, #tpu.memory_space<vmem>>
    %dma_wait3A_103 = arith.constant 0 : i32
    %dma_wait3A_104 = arith.constant 0 : i32
    %dma_wait3A_105 = tpu.memref_slice %arg2[%dma_wait3A_103, %dma_wait3A_104] : memref<20000x64xf32, #tpu.memory_space<hbm>> -> memref<20000x64xf32, #tpu.memory_space<hbm>>
    %dma_wait3A_106 = tpu.memref_slice %arg10[%dma_wait3A_95] : memref<4x!tpu.dma_semaphore, #tpu.memory_space<semaphore_mem>> -> memref<1x!tpu.dma_semaphore, #tpu.memory_space<semaphore_mem>>
    %dma_wait3A_107 = tpu.memref_squeeze %dma_wait3A_106 : memref<1x!tpu.dma_semaphore, #tpu.memory_space<semaphore_mem>> -> memref<!tpu.dma_semaphore, #tpu.memory_space<semaphore_mem>>
    tpu.wait_indirect_dma semaphore(%dma_wait3A_107 : memref<!tpu.dma_semaphore, #tpu.memory_space<semaphore_mem>>) src(%dma_wait3A_105 : memref<20000x64xf32, #tpu.memory_space<hbm>>) dst(%dma_wait3A_99 : memref<125x64xf32, #tpu.memory_space<vmem>>)
    %dma_wait3A_108 = arith.constant 0 : i32
    %dma_wait3A_109 = arith.constant 2 : i32
    %dma_wait3A_110 = arith.constant 2 : i32
    %dma_wait3A_111 = arith.constant 0 : i32
    %dma_wait3A_112 = arith.constant 0 : i32
    %dma_wait3A_113 = tpu.memref_slice %arg8[%dma_wait3A_109, %dma_wait3A_111, %dma_wait3A_112] : memref<4x125x64xf32, #tpu.memory_space<vmem>> -> memref<1x125x64xf32, #tpu.memory_space<vmem>>
    %dma_wait3A_114 = tpu.memref_squeeze %dma_wait3A_113 : memref<1x125x64xf32, #tpu.memory_space<vmem>> -> memref<125x64xf32, #tpu.memory_space<vmem>>
    %dma_wait3A_115 = arith.constant 0 : i32
    %dma_wait3A_116 = tpu.memref_slice %arg6[%dma_wait3A_108, %dma_wait3A_115] : memref<80x125xi32, #tpu.memory_space<vmem>> -> memref<1x125xi32, #tpu.memory_space<vmem>>
    %dma_wait3A_117 = tpu.memref_squeeze %dma_wait3A_116 : memref<1x125xi32, #tpu.memory_space<vmem>> -> memref<125xi32, #tpu.memory_space<vmem>>
    %dma_wait3A_118 = arith.constant 0 : i32
    %dma_wait3A_119 = arith.constant 0 : i32
    %dma_wait3A_120 = tpu.memref_slice %arg2[%dma_wait3A_118, %dma_wait3A_119] : memref<20000x64xf32, #tpu.memory_space<hbm>> -> memref<20000x64xf32, #tpu.memory_space<hbm>>
    %dma_wait3A_121 = tpu.memref_slice %arg10[%dma_wait3A_110] : memref<4x!tpu.dma_semaphore, #tpu.memory_space<semaphore_mem>> -> memref<1x!tpu.dma_semaphore, #tpu.memory_space<semaphore_mem>>
    %dma_wait3A_122 = tpu.memref_squeeze %dma_wait3A_121 : memref<1x!tpu.dma_semaphore, #tpu.memory_space<semaphore_mem>> -> memref<!tpu.dma_semaphore, #tpu.memory_space<semaphore_mem>>
    tpu.wait_indirect_dma semaphore(%dma_wait3A_122 : memref<!tpu.dma_semaphore, #tpu.memory_space<semaphore_mem>>) src(%dma_wait3A_120 : memref<20000x64xf32, #tpu.memory_space<hbm>>) dst(%dma_wait3A_114 : memref<125x64xf32, #tpu.memory_space<vmem>>)
    %barrier3A_123 = arith.constant 0 : index
    tpu.barrier barrier_id(%barrier3A_123)
    %mul3A_124 = arith.constant 625 : i32
    %mul3A_125 = arith.muli %arg1, %mul3A_124 : i32
    %mul3A_126 = arith.constant 625 : i32
    %mul3A_127 = arith.muli %arg1, %mul3A_126 : i32
    "tpu.region"() ({
      %run_scoped3A_128 = tpu.sem_alloc : memref<!tpu.dma_semaphore, #tpu.memory_space<semaphore_mem>>
      %dma_start3A_129 = arith.constant 0 : i32
      %dma_start3A_130 = tpu.memref_slice %arg4[%arg0, %mul3A_127, %dma_start3A_129] : memref<2x10000x128xf32, #tpu.memory_space<hbm>> -> memref<1x625x64xf32, #tpu.memory_space<hbm>>
      %dma_start3A_131 = tpu.memref_squeeze %dma_start3A_130 : memref<1x625x64xf32, #tpu.memory_space<hbm>> -> memref<625x64xf32, #tpu.memory_space<hbm>>
      %dma_start3A_132 = arith.constant 0 : i32
      %dma_start3A_133 = tpu.memref_slice %arg5[%mul3A_125, %dma_start3A_132] : memref<10000x64xf32, #tpu.memory_space<vmem_shared>> -> memref<625x64xf32, #tpu.memory_space<vmem_shared>>
      tpu.enqueue_dma source(%dma_start3A_133 : memref<625x64xf32, #tpu.memory_space<vmem_shared>>) target(%dma_start3A_131 : memref<625x64xf32, #tpu.memory_space<hbm>>) target_semaphore(%run_scoped3A_128 : memref<!tpu.dma_semaphore, #tpu.memory_space<semaphore_mem>>)
      %dma_wait3A_134 = arith.constant 0 : i32
      %dma_wait3A_135 = tpu.memref_slice %arg4[%arg0, %mul3A_127, %dma_wait3A_134] : memref<2x10000x128xf32, #tpu.memory_space<hbm>> -> memref<1x625x64xf32, #tpu.memory_space<hbm>>
      %dma_wait3A_136 = tpu.memref_squeeze %dma_wait3A_135 : memref<1x625x64xf32, #tpu.memory_space<hbm>> -> memref<625x64xf32, #tpu.memory_space<hbm>>
      %dma_wait3A_137 = arith.constant 0 : i32
      %dma_wait3A_138 = tpu.memref_slice %arg5[%mul3A_125, %dma_wait3A_137] : memref<10000x64xf32, #tpu.memory_space<vmem_shared>> -> memref<625x64xf32, #tpu.memory_space<vmem_shared>>
      tpu.wait_dma2 semaphore(%run_scoped3A_128 : memref<!tpu.dma_semaphore, #tpu.memory_space<semaphore_mem>>) src(%dma_wait3A_138 : memref<625x64xf32, #tpu.memory_space<vmem_shared>>) dst(%dma_wait3A_136 : memref<625x64xf32, #tpu.memory_space<hbm>>)
      tpu.yield
    }) : () -> ()
    return
  }
}

#map = affine_map<(d0, d1) -> (0, 0, 0, 0)>
#map1 = affine_map<(d0, d1) -> (0, 0, 0)>
module attributes {stable_mosaic.version = 14 : i64} {
  func.func @_sc_degree(%arg0: i32, %arg1: i32, %arg2: memref<2x32x80x125xi32, #tpu.memory_space<hbm>>, %arg3: memref<2x10000x128xf32, #tpu.memory_space<hbm>>, %arg4: memref<10000x16xf32, #tpu.memory_space<vmem_shared>>, %arg5: memref<80x125xi32, #tpu.memory_space<vmem>>, %arg6: memref<125x16xf32, #tpu.memory_space<vmem>>) attributes {dimension_semantics = [#tpu.dimension_semantics<core_parallel>, #tpu.dimension_semantics<subcore_parallel>], iteration_bounds = array<i64: 2, 16>, scalar_prefetch = 0 : i64, scratch_operands = 3 : i64, tpu.core_type = #tpu.core_type<sc_vector_subcore>, window_params = [{transform_indices = #map}, {transform_indices = #map1}]} {
    %mul3A = arith.constant 2 : i32
    %mul3A_0 = arith.muli %arg1, %mul3A : i32
    %add3A = arith.addi %mul3A_0, %arg0 : i32
    %scan3A = arith.constant 0 : i32
    %scan3A_1 = arith.constant 0 : i32
    %scan3A_2 = arith.constant 125 : i32
    %scan3A_3 = arith.addi %scan3A_1, %scan3A_2 : i32
    %scan3A_4 = arith.constant 1 : i32
    %scan3A_5 = scf.for %scan3A_46 = %scan3A_1 to %scan3A_3 step %scan3A_4 iter_args(%scan3A_47 = %scan3A) -> (i32)  : i32 {
      %broadcast_in_dim3A = arith.constant 0.000000e+00 : f32
      %broadcast_in_dim3A_48 = vector.broadcast %broadcast_in_dim3A : f32 to vector<16xf32>
      %swap3A = arith.index_cast %scan3A_46 : i32 to index
      %swap3A_49 = arith.constant 0 : index
      %swap3A_50 = tpu.vector_load %arg6[%swap3A, %swap3A_49] {strides = array<i32>} : memref<125x16xf32, #tpu.memory_space<vmem>>, vector<1x16xf32>,
      %swap3A_51 = vector.shape_cast %swap3A_50 : vector<1x16xf32> to vector<16xf32>
      %swap3A_52 = vector.shape_cast %broadcast_in_dim3A_48 : vector<16xf32> to vector<1x16xf32>
      tpu.vector_store %arg6[%swap3A, %swap3A_49], %swap3A_52 {strides = array<i32>} : memref<125x16xf32, #tpu.memory_space<vmem>>, vector<1x16xf32>,
      %scan3A_53 = arith.constant 0 : i32
      scf.yield %scan3A_53 : i32
    }
    %scan3A_6 = arith.constant 125 : i32
    %mul3A_7 = arith.constant 625 : i32
    %mul3A_8 = arith.muli %arg1, %mul3A_7 : i32
    %add3A_9 = arith.constant 0 : i32
    %add3A_10 = arith.addi %mul3A_8, %add3A_9 : i32
    "tpu.region"() ({
      %run_scoped3A_46 = tpu.sem_alloc : memref<!tpu.dma_semaphore, #tpu.memory_space<semaphore_mem>>
      %dma_start3A = arith.constant 0 : i32
      %dma_start3A_47 = arith.constant 0 : i32
      %dma_start3A_48 = tpu.memref_slice %arg6[%dma_start3A, %dma_start3A_47] : memref<125x16xf32, #tpu.memory_space<vmem>> -> memref<125x16xf32, #tpu.memory_space<vmem>>
      %dma_start3A_49 = arith.constant 0 : i32
      %dma_start3A_50 = tpu.memref_slice %arg4[%add3A_10, %dma_start3A_49] : memref<10000x16xf32, #tpu.memory_space<vmem_shared>> -> memref<125x16xf32, #tpu.memory_space<vmem_shared>>
      %dma_start3A_51 = arith.constant 0 : i32
      %dma_start3A_52 = tpu.memref_slice %arg4[%add3A_10, %dma_start3A_51] : memref<10000x16xf32, #tpu.memory_space<vmem_shared>> -> memref<125x16xf32, #tpu.memory_space<vmem_shared>>
      %dma_start3A_53 = arith.constant 0 : i32
      %dma_start3A_54 = arith.constant 0 : i32
      %dma_start3A_55 = tpu.memref_slice %arg6[%dma_start3A_53, %dma_start3A_54] : memref<125x16xf32, #tpu.memory_space<vmem>> -> memref<125x16xf32, #tpu.memory_space<vmem>>
      tpu.enqueue_dma source(%dma_start3A_55 : memref<125x16xf32, #tpu.memory_space<vmem>>) target(%dma_start3A_52 : memref<125x16xf32, #tpu.memory_space<vmem_shared>>) target_semaphore(%run_scoped3A_46 : memref<!tpu.dma_semaphore, #tpu.memory_space<semaphore_mem>>)
      %dma_wait3A = arith.constant 0 : i32
      %dma_wait3A_56 = arith.constant 0 : i32
      %dma_wait3A_57 = tpu.memref_slice %arg6[%dma_wait3A, %dma_wait3A_56] : memref<125x16xf32, #tpu.memory_space<vmem>> -> memref<125x16xf32, #tpu.memory_space<vmem>>
      %dma_wait3A_58 = arith.constant 0 : i32
      %dma_wait3A_59 = tpu.memref_slice %arg4[%add3A_10, %dma_wait3A_58] : memref<10000x16xf32, #tpu.memory_space<vmem_shared>> -> memref<125x16xf32, #tpu.memory_space<vmem_shared>>
      %dma_wait3A_60 = arith.constant 0 : i32
      %dma_wait3A_61 = tpu.memref_slice %arg4[%add3A_10, %dma_wait3A_60] : memref<10000x16xf32, #tpu.memory_space<vmem_shared>> -> memref<125x16xf32, #tpu.memory_space<vmem_shared>>
      %dma_wait3A_62 = arith.constant 0 : i32
      %dma_wait3A_63 = arith.constant 0 : i32
      %dma_wait3A_64 = tpu.memref_slice %arg6[%dma_wait3A_62, %dma_wait3A_63] : memref<125x16xf32, #tpu.memory_space<vmem>> -> memref<125x16xf32, #tpu.memory_space<vmem>>
      tpu.wait_dma2 semaphore(%run_scoped3A_46 : memref<!tpu.dma_semaphore, #tpu.memory_space<semaphore_mem>>) src(%dma_wait3A_64 : memref<125x16xf32, #tpu.memory_space<vmem>>) dst(%dma_wait3A_61 : memref<125x16xf32, #tpu.memory_space<vmem_shared>>)
      tpu.yield
    }) : () -> ()
    %mul3A_11 = arith.constant 625 : i32
    %mul3A_12 = arith.muli %arg1, %mul3A_11 : i32
    %add3A_13 = arith.constant 125 : i32
    %add3A_14 = arith.addi %mul3A_12, %add3A_13 : i32
    "tpu.region"() ({
      %run_scoped3A_46 = tpu.sem_alloc : memref<!tpu.dma_semaphore, #tpu.memory_space<semaphore_mem>>
      %dma_start3A = arith.constant 0 : i32
      %dma_start3A_47 = arith.constant 0 : i32
      %dma_start3A_48 = tpu.memref_slice %arg6[%dma_start3A, %dma_start3A_47] : memref<125x16xf32, #tpu.memory_space<vmem>> -> memref<125x16xf32, #tpu.memory_space<vmem>>
      %dma_start3A_49 = arith.constant 0 : i32
      %dma_start3A_50 = tpu.memref_slice %arg4[%add3A_14, %dma_start3A_49] : memref<10000x16xf32, #tpu.memory_space<vmem_shared>> -> memref<125x16xf32, #tpu.memory_space<vmem_shared>>
      %dma_start3A_51 = arith.constant 0 : i32
      %dma_start3A_52 = tpu.memref_slice %arg4[%add3A_14, %dma_start3A_51] : memref<10000x16xf32, #tpu.memory_space<vmem_shared>> -> memref<125x16xf32, #tpu.memory_space<vmem_shared>>
      %dma_start3A_53 = arith.constant 0 : i32
      %dma_start3A_54 = arith.constant 0 : i32
      %dma_start3A_55 = tpu.memref_slice %arg6[%dma_start3A_53, %dma_start3A_54] : memref<125x16xf32, #tpu.memory_space<vmem>> -> memref<125x16xf32, #tpu.memory_space<vmem>>
      tpu.enqueue_dma source(%dma_start3A_55 : memref<125x16xf32, #tpu.memory_space<vmem>>) target(%dma_start3A_52 : memref<125x16xf32, #tpu.memory_space<vmem_shared>>) target_semaphore(%run_scoped3A_46 : memref<!tpu.dma_semaphore, #tpu.memory_space<semaphore_mem>>)
      %dma_wait3A = arith.constant 0 : i32
      %dma_wait3A_56 = arith.constant 0 : i32
      %dma_wait3A_57 = tpu.memref_slice %arg6[%dma_wait3A, %dma_wait3A_56] : memref<125x16xf32, #tpu.memory_space<vmem>> -> memref<125x16xf32, #tpu.memory_space<vmem>>
      %dma_wait3A_58 = arith.constant 0 : i32
      %dma_wait3A_59 = tpu.memref_slice %arg4[%add3A_14, %dma_wait3A_58] : memref<10000x16xf32, #tpu.memory_space<vmem_shared>> -> memref<125x16xf32, #tpu.memory_space<vmem_shared>>
      %dma_wait3A_60 = arith.constant 0 : i32
      %dma_wait3A_61 = tpu.memref_slice %arg4[%add3A_14, %dma_wait3A_60] : memref<10000x16xf32, #tpu.memory_space<vmem_shared>> -> memref<125x16xf32, #tpu.memory_space<vmem_shared>>
      %dma_wait3A_62 = arith.constant 0 : i32
      %dma_wait3A_63 = arith.constant 0 : i32
      %dma_wait3A_64 = tpu.memref_slice %arg6[%dma_wait3A_62, %dma_wait3A_63] : memref<125x16xf32, #tpu.memory_space<vmem>> -> memref<125x16xf32, #tpu.memory_space<vmem>>
      tpu.wait_dma2 semaphore(%run_scoped3A_46 : memref<!tpu.dma_semaphore, #tpu.memory_space<semaphore_mem>>) src(%dma_wait3A_64 : memref<125x16xf32, #tpu.memory_space<vmem>>) dst(%dma_wait3A_61 : memref<125x16xf32, #tpu.memory_space<vmem_shared>>)
      tpu.yield
    }) : () -> ()
    %mul3A_15 = arith.constant 625 : i32
    %mul3A_16 = arith.muli %arg1, %mul3A_15 : i32
    %add3A_17 = arith.constant 250 : i32
    %add3A_18 = arith.addi %mul3A_16, %add3A_17 : i32
    "tpu.region"() ({
      %run_scoped3A_46 = tpu.sem_alloc : memref<!tpu.dma_semaphore, #tpu.memory_space<semaphore_mem>>
      %dma_start3A = arith.constant 0 : i32
      %dma_start3A_47 = arith.constant 0 : i32
      %dma_start3A_48 = tpu.memref_slice %arg6[%dma_start3A, %dma_start3A_47] : memref<125x16xf32, #tpu.memory_space<vmem>> -> memref<125x16xf32, #tpu.memory_space<vmem>>
      %dma_start3A_49 = arith.constant 0 : i32
      %dma_start3A_50 = tpu.memref_slice %arg4[%add3A_18, %dma_start3A_49] : memref<10000x16xf32, #tpu.memory_space<vmem_shared>> -> memref<125x16xf32, #tpu.memory_space<vmem_shared>>
      %dma_start3A_51 = arith.constant 0 : i32
      %dma_start3A_52 = tpu.memref_slice %arg4[%add3A_18, %dma_start3A_51] : memref<10000x16xf32, #tpu.memory_space<vmem_shared>> -> memref<125x16xf32, #tpu.memory_space<vmem_shared>>
      %dma_start3A_53 = arith.constant 0 : i32
      %dma_start3A_54 = arith.constant 0 : i32
      %dma_start3A_55 = tpu.memref_slice %arg6[%dma_start3A_53, %dma_start3A_54] : memref<125x16xf32, #tpu.memory_space<vmem>> -> memref<125x16xf32, #tpu.memory_space<vmem>>
      tpu.enqueue_dma source(%dma_start3A_55 : memref<125x16xf32, #tpu.memory_space<vmem>>) target(%dma_start3A_52 : memref<125x16xf32, #tpu.memory_space<vmem_shared>>) target_semaphore(%run_scoped3A_46 : memref<!tpu.dma_semaphore, #tpu.memory_space<semaphore_mem>>)
      %dma_wait3A = arith.constant 0 : i32
      %dma_wait3A_56 = arith.constant 0 : i32
      %dma_wait3A_57 = tpu.memref_slice %arg6[%dma_wait3A, %dma_wait3A_56] : memref<125x16xf32, #tpu.memory_space<vmem>> -> memref<125x16xf32, #tpu.memory_space<vmem>>
      %dma_wait3A_58 = arith.constant 0 : i32
      %dma_wait3A_59 = tpu.memref_slice %arg4[%add3A_18, %dma_wait3A_58] : memref<10000x16xf32, #tpu.memory_space<vmem_shared>> -> memref<125x16xf32, #tpu.memory_space<vmem_shared>>
      %dma_wait3A_60 = arith.constant 0 : i32
      %dma_wait3A_61 = tpu.memref_slice %arg4[%add3A_18, %dma_wait3A_60] : memref<10000x16xf32, #tpu.memory_space<vmem_shared>> -> memref<125x16xf32, #tpu.memory_space<vmem_shared>>
      %dma_wait3A_62 = arith.constant 0 : i32
      %dma_wait3A_63 = arith.constant 0 : i32
      %dma_wait3A_64 = tpu.memref_slice %arg6[%dma_wait3A_62, %dma_wait3A_63] : memref<125x16xf32, #tpu.memory_space<vmem>> -> memref<125x16xf32, #tpu.memory_space<vmem>>
      tpu.wait_dma2 semaphore(%run_scoped3A_46 : memref<!tpu.dma_semaphore, #tpu.memory_space<semaphore_mem>>) src(%dma_wait3A_64 : memref<125x16xf32, #tpu.memory_space<vmem>>) dst(%dma_wait3A_61 : memref<125x16xf32, #tpu.memory_space<vmem_shared>>)
      tpu.yield
    }) : () -> ()
    %mul3A_19 = arith.constant 625 : i32
    %mul3A_20 = arith.muli %arg1, %mul3A_19 : i32
    %add3A_21 = arith.constant 375 : i32
    %add3A_22 = arith.addi %mul3A_20, %add3A_21 : i32
    "tpu.region"() ({
      %run_scoped3A_46 = tpu.sem_alloc : memref<!tpu.dma_semaphore, #tpu.memory_space<semaphore_mem>>
      %dma_start3A = arith.constant 0 : i32
      %dma_start3A_47 = arith.constant 0 : i32
      %dma_start3A_48 = tpu.memref_slice %arg6[%dma_start3A, %dma_start3A_47] : memref<125x16xf32, #tpu.memory_space<vmem>> -> memref<125x16xf32, #tpu.memory_space<vmem>>
      %dma_start3A_49 = arith.constant 0 : i32
      %dma_start3A_50 = tpu.memref_slice %arg4[%add3A_22, %dma_start3A_49] : memref<10000x16xf32, #tpu.memory_space<vmem_shared>> -> memref<125x16xf32, #tpu.memory_space<vmem_shared>>
      %dma_start3A_51 = arith.constant 0 : i32
      %dma_start3A_52 = tpu.memref_slice %arg4[%add3A_22, %dma_start3A_51] : memref<10000x16xf32, #tpu.memory_space<vmem_shared>> -> memref<125x16xf32, #tpu.memory_space<vmem_shared>>
      %dma_start3A_53 = arith.constant 0 : i32
      %dma_start3A_54 = arith.constant 0 : i32
      %dma_start3A_55 = tpu.memref_slice %arg6[%dma_start3A_53, %dma_start3A_54] : memref<125x16xf32, #tpu.memory_space<vmem>> -> memref<125x16xf32, #tpu.memory_space<vmem>>
      tpu.enqueue_dma source(%dma_start3A_55 : memref<125x16xf32, #tpu.memory_space<vmem>>) target(%dma_start3A_52 : memref<125x16xf32, #tpu.memory_space<vmem_shared>>) target_semaphore(%run_scoped3A_46 : memref<!tpu.dma_semaphore, #tpu.memory_space<semaphore_mem>>)
      %dma_wait3A = arith.constant 0 : i32
      %dma_wait3A_56 = arith.constant 0 : i32
      %dma_wait3A_57 = tpu.memref_slice %arg6[%dma_wait3A, %dma_wait3A_56] : memref<125x16xf32, #tpu.memory_space<vmem>> -> memref<125x16xf32, #tpu.memory_space<vmem>>
      %dma_wait3A_58 = arith.constant 0 : i32
      %dma_wait3A_59 = tpu.memref_slice %arg4[%add3A_22, %dma_wait3A_58] : memref<10000x16xf32, #tpu.memory_space<vmem_shared>> -> memref<125x16xf32, #tpu.memory_space<vmem_shared>>
      %dma_wait3A_60 = arith.constant 0 : i32
      %dma_wait3A_61 = tpu.memref_slice %arg4[%add3A_22, %dma_wait3A_60] : memref<10000x16xf32, #tpu.memory_space<vmem_shared>> -> memref<125x16xf32, #tpu.memory_space<vmem_shared>>
      %dma_wait3A_62 = arith.constant 0 : i32
      %dma_wait3A_63 = arith.constant 0 : i32
      %dma_wait3A_64 = tpu.memref_slice %arg6[%dma_wait3A_62, %dma_wait3A_63] : memref<125x16xf32, #tpu.memory_space<vmem>> -> memref<125x16xf32, #tpu.memory_space<vmem>>
      tpu.wait_dma2 semaphore(%run_scoped3A_46 : memref<!tpu.dma_semaphore, #tpu.memory_space<semaphore_mem>>) src(%dma_wait3A_64 : memref<125x16xf32, #tpu.memory_space<vmem>>) dst(%dma_wait3A_61 : memref<125x16xf32, #tpu.memory_space<vmem_shared>>)
      tpu.yield
    }) : () -> ()
    %mul3A_23 = arith.constant 625 : i32
    %mul3A_24 = arith.muli %arg1, %mul3A_23 : i32
    %add3A_25 = arith.constant 500 : i32
    %add3A_26 = arith.addi %mul3A_24, %add3A_25 : i32
    "tpu.region"() ({
      %run_scoped3A_46 = tpu.sem_alloc : memref<!tpu.dma_semaphore, #tpu.memory_space<semaphore_mem>>
      %dma_start3A = arith.constant 0 : i32
      %dma_start3A_47 = arith.constant 0 : i32
      %dma_start3A_48 = tpu.memref_slice %arg6[%dma_start3A, %dma_start3A_47] : memref<125x16xf32, #tpu.memory_space<vmem>> -> memref<125x16xf32, #tpu.memory_space<vmem>>
      %dma_start3A_49 = arith.constant 0 : i32
      %dma_start3A_50 = tpu.memref_slice %arg4[%add3A_26, %dma_start3A_49] : memref<10000x16xf32, #tpu.memory_space<vmem_shared>> -> memref<125x16xf32, #tpu.memory_space<vmem_shared>>
      %dma_start3A_51 = arith.constant 0 : i32
      %dma_start3A_52 = tpu.memref_slice %arg4[%add3A_26, %dma_start3A_51] : memref<10000x16xf32, #tpu.memory_space<vmem_shared>> -> memref<125x16xf32, #tpu.memory_space<vmem_shared>>
      %dma_start3A_53 = arith.constant 0 : i32
      %dma_start3A_54 = arith.constant 0 : i32
      %dma_start3A_55 = tpu.memref_slice %arg6[%dma_start3A_53, %dma_start3A_54] : memref<125x16xf32, #tpu.memory_space<vmem>> -> memref<125x16xf32, #tpu.memory_space<vmem>>
      tpu.enqueue_dma source(%dma_start3A_55 : memref<125x16xf32, #tpu.memory_space<vmem>>) target(%dma_start3A_52 : memref<125x16xf32, #tpu.memory_space<vmem_shared>>) target_semaphore(%run_scoped3A_46 : memref<!tpu.dma_semaphore, #tpu.memory_space<semaphore_mem>>)
      %dma_wait3A = arith.constant 0 : i32
      %dma_wait3A_56 = arith.constant 0 : i32
      %dma_wait3A_57 = tpu.memref_slice %arg6[%dma_wait3A, %dma_wait3A_56] : memref<125x16xf32, #tpu.memory_space<vmem>> -> memref<125x16xf32, #tpu.memory_space<vmem>>
      %dma_wait3A_58 = arith.constant 0 : i32
      %dma_wait3A_59 = tpu.memref_slice %arg4[%add3A_26, %dma_wait3A_58] : memref<10000x16xf32, #tpu.memory_space<vmem_shared>> -> memref<125x16xf32, #tpu.memory_space<vmem_shared>>
      %dma_wait3A_60 = arith.constant 0 : i32
      %dma_wait3A_61 = tpu.memref_slice %arg4[%add3A_26, %dma_wait3A_60] : memref<10000x16xf32, #tpu.memory_space<vmem_shared>> -> memref<125x16xf32, #tpu.memory_space<vmem_shared>>
      %dma_wait3A_62 = arith.constant 0 : i32
      %dma_wait3A_63 = arith.constant 0 : i32
      %dma_wait3A_64 = tpu.memref_slice %arg6[%dma_wait3A_62, %dma_wait3A_63] : memref<125x16xf32, #tpu.memory_space<vmem>> -> memref<125x16xf32, #tpu.memory_space<vmem>>
      tpu.wait_dma2 semaphore(%run_scoped3A_46 : memref<!tpu.dma_semaphore, #tpu.memory_space<semaphore_mem>>) src(%dma_wait3A_64 : memref<125x16xf32, #tpu.memory_space<vmem>>) dst(%dma_wait3A_61 : memref<125x16xf32, #tpu.memory_space<vmem_shared>>)
      tpu.yield
    }) : () -> ()
    %barrier3A = arith.constant 0 : index
    tpu.barrier barrier_id(%barrier3A)
    %run_scoped3A = arith.constant 1 : i32
    "tpu.region"() ({
      %run_scoped3A_46 = tpu.sem_alloc : memref<!tpu.dma_semaphore, #tpu.memory_space<semaphore_mem>>
      %dma_start3A = arith.constant 0 : i32
      %dma_start3A_47 = arith.constant 0 : i32
      %dma_start3A_48 = tpu.memref_slice %arg2[%run_scoped3A, %add3A, %dma_start3A, %dma_start3A_47] : memref<2x32x80x125xi32, #tpu.memory_space<hbm>> -> memref<1x1x80x125xi32, #tpu.memory_space<hbm>>
      %dma_start3A_49 = tpu.memref_squeeze %dma_start3A_48 : memref<1x1x80x125xi32, #tpu.memory_space<hbm>> -> memref<80x125xi32, #tpu.memory_space<hbm>>
      %dma_start3A_50 = arith.constant 0 : i32
      %dma_start3A_51 = arith.constant 0 : i32
      %dma_start3A_52 = tpu.memref_slice %arg2[%run_scoped3A, %add3A, %dma_start3A_50, %dma_start3A_51] : memref<2x32x80x125xi32, #tpu.memory_space<hbm>> -> memref<1x1x80x125xi32, #tpu.memory_space<hbm>>
      %dma_start3A_53 = tpu.memref_squeeze %dma_start3A_52 : memref<1x1x80x125xi32, #tpu.memory_space<hbm>> -> memref<80x125xi32, #tpu.memory_space<hbm>>
      tpu.enqueue_dma source(%dma_start3A_53 : memref<80x125xi32, #tpu.memory_space<hbm>>) target(%arg5 : memref<80x125xi32, #tpu.memory_space<vmem>>) target_semaphore(%run_scoped3A_46 : memref<!tpu.dma_semaphore, #tpu.memory_space<semaphore_mem>>)
      %dma_wait3A = arith.constant 0 : i32
      %dma_wait3A_54 = arith.constant 0 : i32
      %dma_wait3A_55 = tpu.memref_slice %arg2[%run_scoped3A, %add3A, %dma_wait3A, %dma_wait3A_54] : memref<2x32x80x125xi32, #tpu.memory_space<hbm>> -> memref<1x1x80x125xi32, #tpu.memory_space<hbm>>
      %dma_wait3A_56 = tpu.memref_squeeze %dma_wait3A_55 : memref<1x1x80x125xi32, #tpu.memory_space<hbm>> -> memref<80x125xi32, #tpu.memory_space<hbm>>
      %dma_wait3A_57 = arith.constant 0 : i32
      %dma_wait3A_58 = arith.constant 0 : i32
      %dma_wait3A_59 = tpu.memref_slice %arg2[%run_scoped3A, %add3A, %dma_wait3A_57, %dma_wait3A_58] : memref<2x32x80x125xi32, #tpu.memory_space<hbm>> -> memref<1x1x80x125xi32, #tpu.memory_space<hbm>>
      %dma_wait3A_60 = tpu.memref_squeeze %dma_wait3A_59 : memref<1x1x80x125xi32, #tpu.memory_space<hbm>> -> memref<80x125xi32, #tpu.memory_space<hbm>>
      tpu.wait_dma2 semaphore(%run_scoped3A_46 : memref<!tpu.dma_semaphore, #tpu.memory_space<semaphore_mem>>) src(%dma_wait3A_60 : memref<80x125xi32, #tpu.memory_space<hbm>>) dst(%arg5 : memref<80x125xi32, #tpu.memory_space<vmem>>)
      tpu.yield
    }) : () -> ()
    %scan3A_27 = arith.constant 0 : i32
    %scan3A_28 = arith.constant 0 : i32
    %scan3A_29 = arith.constant 125 : i32
    %scan3A_30 = arith.addi %scan3A_28, %scan3A_29 : i32
    %scan3A_31 = arith.constant 1 : i32
    %scan3A_32 = scf.for %scan3A_46 = %scan3A_28 to %scan3A_30 step %scan3A_31 iter_args(%scan3A_47 = %scan3A_27) -> (i32)  : i32 {
      %broadcast_in_dim3A = arith.constant 1.000000e+00 : f32
      %broadcast_in_dim3A_48 = vector.broadcast %broadcast_in_dim3A : f32 to vector<16xf32>
      %swap3A = arith.index_cast %scan3A_46 : i32 to index
      %swap3A_49 = arith.constant 0 : index
      %swap3A_50 = tpu.vector_load %arg6[%swap3A, %swap3A_49] {strides = array<i32>} : memref<125x16xf32, #tpu.memory_space<vmem>>, vector<1x16xf32>,
      %swap3A_51 = vector.shape_cast %swap3A_50 : vector<1x16xf32> to vector<16xf32>
      %swap3A_52 = vector.shape_cast %broadcast_in_dim3A_48 : vector<16xf32> to vector<1x16xf32>
      tpu.vector_store %arg6[%swap3A, %swap3A_49], %swap3A_52 {strides = array<i32>} : memref<125x16xf32, #tpu.memory_space<vmem>>, vector<1x16xf32>,
      %scan3A_53 = arith.constant 0 : i32
      scf.yield %scan3A_53 : i32
    }
    %scan3A_33 = arith.constant 125 : i32
    %scan3A_34 = arith.constant 0 : i32
    %scan3A_35 = arith.constant 0 : i32
    %scan3A_36 = arith.constant 80 : i32
    %scan3A_37 = arith.addi %scan3A_35, %scan3A_36 : i32
    %scan3A_38 = arith.constant 1 : i32
    %scan3A_39 = scf.for %scan3A_46 = %scan3A_35 to %scan3A_37 step %scan3A_38 iter_args(%scan3A_47 = %scan3A_34) -> (i32)  : i32 {
      "tpu.region"() ({
        %run_scoped3A_49 = tpu.sem_alloc : memref<!tpu.dma_semaphore, #tpu.memory_space<semaphore_mem>>
        %dma_start3A = arith.constant 0 : i32
        %dma_start3A_50 = tpu.memref_slice %arg5[%scan3A_46, %dma_start3A] : memref<80x125xi32, #tpu.memory_space<vmem>> -> memref<1x125xi32, #tpu.memory_space<vmem>>
        %dma_start3A_51 = tpu.memref_squeeze %dma_start3A_50 : memref<1x125xi32, #tpu.memory_space<vmem>> -> memref<125xi32, #tpu.memory_space<vmem>>
        %dma_start3A_52 = arith.constant 0 : i32
        %dma_start3A_53 = arith.constant 0 : i32
        %dma_start3A_54 = tpu.memref_slice %arg4[%dma_start3A_52, %dma_start3A_53] : memref<10000x16xf32, #tpu.memory_space<vmem_shared>> -> memref<10000x16xf32, #tpu.memory_space<vmem_shared>>
        tpu.enqueue_indirect_dma source(%arg6 : memref<125x16xf32, #tpu.memory_space<vmem>>) target(%dma_start3A_54 : memref<10000x16xf32, #tpu.memory_space<vmem_shared>>) offsets(%dma_start3A_51 : memref<125xi32, #tpu.memory_space<vmem>>) semaphore(%run_scoped3A_49 : memref<!tpu.dma_semaphore, #tpu.memory_space<semaphore_mem>>) {add = true}
        %dma_wait3A = arith.constant 0 : i32
        %dma_wait3A_55 = tpu.memref_slice %arg5[%scan3A_46, %dma_wait3A] : memref<80x125xi32, #tpu.memory_space<vmem>> -> memref<1x125xi32, #tpu.memory_space<vmem>>
        %dma_wait3A_56 = tpu.memref_squeeze %dma_wait3A_55 : memref<1x125xi32, #tpu.memory_space<vmem>> -> memref<125xi32, #tpu.memory_space<vmem>>
        %dma_wait3A_57 = arith.constant 0 : i32
        %dma_wait3A_58 = arith.constant 0 : i32
        %dma_wait3A_59 = tpu.memref_slice %arg4[%dma_wait3A_57, %dma_wait3A_58] : memref<10000x16xf32, #tpu.memory_space<vmem_shared>> -> memref<10000x16xf32, #tpu.memory_space<vmem_shared>>
        tpu.wait_indirect_dma semaphore(%run_scoped3A_49 : memref<!tpu.dma_semaphore, #tpu.memory_space<semaphore_mem>>) src(%arg6 : memref<125x16xf32, #tpu.memory_space<vmem>>) dst(%dma_wait3A_59 : memref<10000x16xf32, #tpu.memory_space<vmem_shared>>)
        tpu.yield
      }) : () -> ()
      %scan3A_48 = arith.constant 0 : i32
      scf.yield %scan3A_48 : i32
    }
    %scan3A_40 = arith.constant 80 : i32
    %barrier3A_41 = arith.constant 0 : index
    tpu.barrier barrier_id(%barrier3A_41)
    %mul3A_42 = arith.constant 625 : i32
    %mul3A_43 = arith.muli %arg1, %mul3A_42 : i32
    %mul3A_44 = arith.constant 625 : i32
    %mul3A_45 = arith.muli %arg1, %mul3A_44 : i32
    "tpu.region"() ({
      %run_scoped3A_46 = tpu.sem_alloc : memref<!tpu.dma_semaphore, #tpu.memory_space<semaphore_mem>>
      %dma_start3A = arith.constant 0 : i32
      %dma_start3A_47 = tpu.memref_slice %arg3[%arg0, %mul3A_45, %dma_start3A] : memref<2x10000x128xf32, #tpu.memory_space<hbm>> -> memref<1x625x16xf32, #tpu.memory_space<hbm>>
      %dma_start3A_48 = tpu.memref_squeeze %dma_start3A_47 : memref<1x625x16xf32, #tpu.memory_space<hbm>> -> memref<625x16xf32, #tpu.memory_space<hbm>>
      %dma_start3A_49 = arith.constant 0 : i32
      %dma_start3A_50 = tpu.memref_slice %arg4[%mul3A_43, %dma_start3A_49] : memref<10000x16xf32, #tpu.memory_space<vmem_shared>> -> memref<625x16xf32, #tpu.memory_space<vmem_shared>>
      tpu.enqueue_dma source(%dma_start3A_50 : memref<625x16xf32, #tpu.memory_space<vmem_shared>>) target(%dma_start3A_48 : memref<625x16xf32, #tpu.memory_space<hbm>>) target_semaphore(%run_scoped3A_46 : memref<!tpu.dma_semaphore, #tpu.memory_space<semaphore_mem>>)
      %dma_wait3A = arith.constant 0 : i32
      %dma_wait3A_51 = tpu.memref_slice %arg3[%arg0, %mul3A_45, %dma_wait3A] : memref<2x10000x128xf32, #tpu.memory_space<hbm>> -> memref<1x625x16xf32, #tpu.memory_space<hbm>>
      %dma_wait3A_52 = tpu.memref_squeeze %dma_wait3A_51 : memref<1x625x16xf32, #tpu.memory_space<hbm>> -> memref<625x16xf32, #tpu.memory_space<hbm>>
      %dma_wait3A_53 = arith.constant 0 : i32
      %dma_wait3A_54 = tpu.memref_slice %arg4[%mul3A_43, %dma_wait3A_53] : memref<10000x16xf32, #tpu.memory_space<vmem_shared>> -> memref<625x16xf32, #tpu.memory_space<vmem_shared>>
      tpu.wait_dma2 semaphore(%run_scoped3A_46 : memref<!tpu.dma_semaphore, #tpu.memory_space<semaphore_mem>>) src(%dma_wait3A_54 : memref<625x16xf32, #tpu.memory_space<vmem_shared>>) dst(%dma_wait3A_52 : memref<625x16xf32, #tpu.memory_space<hbm>>)
      tpu.yield
    }) : () -> ()
    return
  }
}

module attributes {stable_mosaic.version = 14 : i64} {
  func.func @_tc0_body(%arg0: i32, %arg1: memref<2000x128xf32, #tpu.memory_space<vmem>>, %arg2: memref<128x64xf32, #tpu.memory_space<vmem>>, %arg3: memref<2000x64xf32, #tpu.memory_space<vmem>>) attributes {dimension_semantics = [#tpu.dimension_semantics<arbitrary>], iteration_bounds = array<i64: 5>, scalar_prefetch = 0 : i64, scratch_operands = 0 : i64, tpu.core_type = #tpu.core_type<tc>, window_params = [{transform_indices = @transform_0, window_bounds = array<i64: 2000, 128>}, {pipeline_mode = #tpu.pipeline_mode<synchronous>, transform_indices = @transform_1, window_bounds = array<i64: 128, 64>}, {transform_indices = @transform_2, window_bounds = array<i64: 2000, 64>}]} {
    %get3A = arith.constant 0 : index
    %get3A_0 = arith.constant 0 : index
    %get3A_1 = vector.load %arg1[%get3A, %get3A_0] : memref<2000x128xf32, #tpu.memory_space<vmem>>, vector<2000x128xf32>
    %get3A_2 = arith.constant 0 : index
    %get3A_3 = arith.constant 0 : index
    %get3A_4 = vector.load %arg2[%get3A_2, %get3A_3] : memref<128x64xf32, #tpu.memory_space<vmem>>, vector<128x64xf32>
    %dot_general3A = arith.constant dense<0.000000e+00> : vector<2000x64xf32>
    %dot_general3A_5 = tpu.matmul %get3A_1, %get3A_4, %dot_general3A {dimension_numbers = #tpu.dot_dimension_numbers<[1], [0], [0], [1], [0, 0, 1, 1], [], []>, transpose_lhs_hint = false} : vector<2000x128xf32>, vector<128x64xf32>, vector<2000x64xf32> -> vector<2000x64xf32>
    %swap3A = arith.constant 0 : index
    %swap3A_6 = arith.constant 0 : index
    %swap3A_7 = vector.load %arg3[%swap3A, %swap3A_6] : memref<2000x64xf32, #tpu.memory_space<vmem>>, vector<2000x64xf32>
    tpu.vector_store %arg3[%swap3A, %swap3A_6], %dot_general3A_5 {strides = array<i32>} : memref<2000x64xf32, #tpu.memory_space<vmem>>, vector<2000x64xf32>,
    return
  }
  func.func @transform_0(%arg0: i32) -> (i32, i32) {
    %c0_i32 = arith.constant 0 : i32
    %c0_i32_0 = arith.constant 0 : i32
    return %arg0, %c0_i32 : i32, i32
  }
  func.func @transform_1(%arg0: i32) -> (i32, i32) {
    %c0_i32 = arith.constant 0 : i32
    %c0_i32_0 = arith.constant 0 : i32
    %c0_i32_1 = arith.constant 0 : i32
    return %c0_i32, %c0_i32_0 : i32, i32
  }
  func.func @transform_2(%arg0: i32) -> (i32, i32) {
    %c0_i32 = arith.constant 0 : i32
    %c0_i32_0 = arith.constant 0 : i32
    return %arg0, %c0_i32 : i32, i32
  }
}

module attributes {stable_mosaic.version = 14 : i64} {
  func.func @_tc1_body(%arg0: i32, %arg1: memref<2000x64xf32, #tpu.memory_space<vmem>>, %arg2: memref<2x2000x128xf32, #tpu.memory_space<vmem>>, %arg3: memref<2000x128xf32, #tpu.memory_space<vmem>>) attributes {dimension_semantics = [#tpu.dimension_semantics<arbitrary>], iteration_bounds = array<i64: 5>, scalar_prefetch = 0 : i64, scratch_operands = 0 : i64, tpu.core_type = #tpu.core_type<tc>, window_params = [{transform_indices = @transform_0, window_bounds = array<i64: 2000, 64>}, {transform_indices = @transform_1, window_bounds = array<i64: 2, 2000, 128>}, {transform_indices = @transform_2, window_bounds = array<i64: 2000, 128>}]} {
    %get3A = arith.constant 0 : index
    %get3A_0 = arith.constant 0 : index
    %get3A_1 = arith.constant 0 : index
    %get3A_2 = vector.load %arg2[%get3A, %get3A_0, %get3A_1] : memref<2x2000x128xf32, #tpu.memory_space<vmem>>, vector<1x2000x1xf32>
    %get3A_3 = vector.shape_cast %get3A_2 : vector<1x2000x1xf32> to vector<2000x1xf32>
    %get3A_4 = arith.constant 1 : index
    %get3A_5 = arith.constant 0 : index
    %get3A_6 = arith.constant 0 : index
    %get3A_7 = vector.load %arg2[%get3A_4, %get3A_5, %get3A_6] : memref<2x2000x128xf32, #tpu.memory_space<vmem>>, vector<1x2000x1xf32>
    %get3A_8 = vector.shape_cast %get3A_7 : vector<1x2000x1xf32> to vector<2000x1xf32>
    %add3A = arith.addf %get3A_3, %get3A_8 : vector<2000x1xf32>
    %add3A_9 = arith.constant 1.000000e+00 : f32
    %add3A_10 = vector.broadcast %add3A_9 : f32 to vector<2000x1xf32>
    %add3A_11 = arith.addf %add3A, %add3A_10 : vector<2000x1xf32>
    %rsqrt3A = math.rsqrt %add3A_11 : vector<2000x1xf32>
    %get3A_12 = arith.constant 0 : index
    %get3A_13 = arith.constant 0 : index
    %get3A_14 = vector.load %arg1[%get3A_12, %get3A_13] : memref<2000x64xf32, #tpu.memory_space<vmem>>, vector<2000x64xf32>
    %mul3A = vector.broadcast %rsqrt3A : vector<2000x1xf32> to vector<2000x64xf32>
    %mul3A_15 = arith.mulf %get3A_14, %mul3A : vector<2000x64xf32>
    %broadcast_in_dim3A = vector.shape_cast %rsqrt3A : vector<2000x1xf32> to vector<2000x1xf32>
    %broadcast_in_dim3A_16 = vector.broadcast %broadcast_in_dim3A : vector<2000x1xf32> to vector<2000x64xf32>
    %concatenate3A = tpu.concatenate %mul3A_15, %broadcast_in_dim3A_16 in 1 : vector<2000x64xf32>, vector<2000x64xf32> -> vector<2000x128xf32>
    %swap3A = arith.constant 0 : index
    %swap3A_17 = arith.constant 0 : index
    %swap3A_18 = vector.load %arg3[%swap3A, %swap3A_17] : memref<2000x128xf32, #tpu.memory_space<vmem>>, vector<2000x128xf32>
    tpu.vector_store %arg3[%swap3A, %swap3A_17], %concatenate3A {strides = array<i32>} : memref<2000x128xf32, #tpu.memory_space<vmem>>, vector<2000x128xf32>,
    return
  }
  func.func @transform_0(%arg0: i32) -> (i32, i32) {
    %c0_i32 = arith.constant 0 : i32
    %c0_i32_0 = arith.constant 0 : i32
    return %arg0, %c0_i32 : i32, i32
  }
  func.func @transform_1(%arg0: i32) -> (i32, i32, i32) {
    %c0_i32 = arith.constant 0 : i32
    %c0_i32_0 = arith.constant 0 : i32
    %c0_i32_1 = arith.constant 0 : i32
    return %c0_i32, %arg0, %c0_i32_0 : i32, i32, i32
  }
  func.func @transform_2(%arg0: i32) -> (i32, i32) {
    %c0_i32 = arith.constant 0 : i32
    %c0_i32_0 = arith.constant 0 : i32
    return %arg0, %c0_i32 : i32, i32
  }
}

module attributes {stable_mosaic.version = 14 : i64} {
  func.func @_tc2_body(%arg0: i32, %arg1: memref<2x2000x128xf32, #tpu.memory_space<vmem>>, %arg2: memref<2000x128xf32, #tpu.memory_space<vmem>>, %arg3: memref<64x64xf32, #tpu.memory_space<vmem>>, %arg4: memref<1x64xf32, #tpu.memory_space<vmem>>, %arg5: memref<2000x128xf32, #tpu.memory_space<vmem>>) attributes {dimension_semantics = [#tpu.dimension_semantics<arbitrary>], iteration_bounds = array<i64: 5>, scalar_prefetch = 0 : i64, scratch_operands = 0 : i64, tpu.core_type = #tpu.core_type<tc>, window_params = [{transform_indices = @transform_0, window_bounds = array<i64: 2, 2000, 128>}, {transform_indices = @transform_1, window_bounds = array<i64: 2000, 128>}, {pipeline_mode = #tpu.pipeline_mode<synchronous>, transform_indices = @transform_2, window_bounds = array<i64: 64, 64>}, {pipeline_mode = #tpu.pipeline_mode<synchronous>, transform_indices = @transform_3, window_bounds = array<i64: 1, 64>}, {transform_indices = @transform_4, window_bounds = array<i64: 2000, 128>}]} {
    %get3A = arith.constant 0 : index
    %get3A_0 = arith.constant 0 : index
    %get3A_1 = vector.load %arg2[%get3A, %get3A_0] : memref<2000x128xf32, #tpu.memory_space<vmem>>, vector<2000x128xf32>
    %slice3A = vector.extract_strided_slice %get3A_1 {offsets = [0, 0], sizes = [2000, 64], strides = [1, 1]} : vector<2000x128xf32> to vector<2000x64xf32>
    %slice3A_2 = vector.extract_strided_slice %get3A_1 {offsets = [0, 64], sizes = [2000, 1], strides = [1, 1]} : vector<2000x128xf32> to vector<2000x1xf32>
    %get3A_3 = arith.constant 0 : index
    %get3A_4 = arith.constant 0 : index
    %get3A_5 = arith.constant 0 : index
    %get3A_6 = vector.load %arg1[%get3A_3, %get3A_4, %get3A_5] : memref<2x2000x128xf32, #tpu.memory_space<vmem>>, vector<1x2000x64xf32>
    %get3A_7 = vector.shape_cast %get3A_6 : vector<1x2000x64xf32> to vector<2000x64xf32>
    %get3A_8 = arith.constant 1 : index
    %get3A_9 = arith.constant 0 : index
    %get3A_10 = arith.constant 0 : index
    %get3A_11 = vector.load %arg1[%get3A_8, %get3A_9, %get3A_10] : memref<2x2000x128xf32, #tpu.memory_space<vmem>>, vector<1x2000x64xf32>
    %get3A_12 = vector.shape_cast %get3A_11 : vector<1x2000x64xf32> to vector<2000x64xf32>
    %add3A = arith.addf %get3A_7, %get3A_12 : vector<2000x64xf32>
    %add3A_13 = arith.addf %add3A, %slice3A : vector<2000x64xf32>
    %mul3A = vector.broadcast %slice3A_2 : vector<2000x1xf32> to vector<2000x64xf32>
    %mul3A_14 = arith.mulf %mul3A, %add3A_13 : vector<2000x64xf32>
    %get3A_15 = arith.constant 0 : index
    %get3A_16 = arith.constant 0 : index
    %get3A_17 = vector.load %arg4[%get3A_15, %get3A_16] : memref<1x64xf32, #tpu.memory_space<vmem>>, vector<1x64xf32>
    %add3A_18 = vector.broadcast %get3A_17 : vector<1x64xf32> to vector<2000x64xf32>
    %add3A_19 = arith.addf %mul3A_14, %add3A_18 : vector<2000x64xf32>
    %get3A_20 = arith.constant 0 : index
    %get3A_21 = arith.constant 0 : index
    %get3A_22 = vector.load %arg3[%get3A_20, %get3A_21] : memref<64x64xf32, #tpu.memory_space<vmem>>, vector<64x64xf32>
    %dot_general3A = arith.constant dense<0.000000e+00> : vector<2000x64xf32>
    %dot_general3A_23 = tpu.matmul %add3A_19, %get3A_22, %dot_general3A {dimension_numbers = #tpu.dot_dimension_numbers<[1], [0], [0], [1], [0, 0, 1, 1], [], []>, transpose_lhs_hint = false} : vector<2000x64xf32>, vector<64x64xf32>, vector<2000x64xf32> -> vector<2000x64xf32>
    %mul3A_24 = vector.broadcast %slice3A_2 : vector<2000x1xf32> to vector<2000x64xf32>
    %mul3A_25 = arith.mulf %dot_general3A_23, %mul3A_24 : vector<2000x64xf32>
    %broadcast_in_dim3A = vector.shape_cast %slice3A_2 : vector<2000x1xf32> to vector<2000x1xf32>
    %broadcast_in_dim3A_26 = vector.broadcast %broadcast_in_dim3A : vector<2000x1xf32> to vector<2000x64xf32>
    %concatenate3A = tpu.concatenate %mul3A_25, %broadcast_in_dim3A_26 in 1 : vector<2000x64xf32>, vector<2000x64xf32> -> vector<2000x128xf32>
    %swap3A = arith.constant 0 : index
    %swap3A_27 = arith.constant 0 : index
    %swap3A_28 = vector.load %arg5[%swap3A, %swap3A_27] : memref<2000x128xf32, #tpu.memory_space<vmem>>, vector<2000x128xf32>
    tpu.vector_store %arg5[%swap3A, %swap3A_27], %concatenate3A {strides = array<i32>} : memref<2000x128xf32, #tpu.memory_space<vmem>>, vector<2000x128xf32>,
    return
  }
  func.func @transform_0(%arg0: i32) -> (i32, i32, i32) {
    %c0_i32 = arith.constant 0 : i32
    %c0_i32_0 = arith.constant 0 : i32
    %c0_i32_1 = arith.constant 0 : i32
    return %c0_i32, %arg0, %c0_i32_0 : i32, i32, i32
  }
  func.func @transform_1(%arg0: i32) -> (i32, i32) {
    %c0_i32 = arith.constant 0 : i32
    %c0_i32_0 = arith.constant 0 : i32
    return %arg0, %c0_i32 : i32, i32
  }
  func.func @transform_2(%arg0: i32) -> (i32, i32) {
    %c0_i32 = arith.constant 0 : i32
    %c0_i32_0 = arith.constant 0 : i32
    %c0_i32_1 = arith.constant 0 : i32
    return %c0_i32, %c0_i32_0 : i32, i32
  }
  func.func @transform_3(%arg0: i32) -> (i32, i32) {
    %c0_i32 = arith.constant 0 : i32
    %c0_i32_0 = arith.constant 0 : i32
    %c0_i32_1 = arith.constant 0 : i32
    return %c0_i32, %c0_i32_0 : i32, i32
  }
  func.func @transform_4(%arg0: i32) -> (i32, i32) {
    %c0_i32 = arith.constant 0 : i32
    %c0_i32_0 = arith.constant 0 : i32
    return %arg0, %c0_i32 : i32, i32
  }
}

module attributes {stable_mosaic.version = 14 : i64} {
  func.func @_tc3_body(%arg0: i32, %arg1: memref<2x2000x128xf32, #tpu.memory_space<vmem>>, %arg2: memref<2000x128xf32, #tpu.memory_space<vmem>>, %arg3: memref<1x64xf32, #tpu.memory_space<vmem>>, %arg4: memref<64x64xf32, #tpu.memory_space<vmem>>, %arg5: memref<1x64xf32, #tpu.memory_space<vmem>>, %arg6: memref<64x32xf32, #tpu.memory_space<vmem>>, %arg7: memref<1x32xf32, #tpu.memory_space<vmem>>, %arg8: memref<32x1xf32, #tpu.memory_space<vmem>>, %arg9: memref<1x1xf32, #tpu.memory_space<vmem>>, %arg10: memref<2000x1xf32, #tpu.memory_space<vmem>>) attributes {dimension_semantics = [#tpu.dimension_semantics<arbitrary>], iteration_bounds = array<i64: 5>, scalar_prefetch = 0 : i64, scratch_operands = 0 : i64, tpu.core_type = #tpu.core_type<tc>, window_params = [{transform_indices = @transform_0, window_bounds = array<i64: 2, 2000, 128>}, {transform_indices = @transform_1, window_bounds = array<i64: 2000, 128>}, {pipeline_mode = #tpu.pipeline_mode<synchronous>, transform_indices = @transform_2, window_bounds = array<i64: 1, 64>}, {pipeline_mode = #tpu.pipeline_mode<synchronous>, transform_indices = @transform_3, window_bounds = array<i64: 64, 64>}, {pipeline_mode = #tpu.pipeline_mode<synchronous>, transform_indices = @transform_4, window_bounds = array<i64: 1, 64>}, {pipeline_mode = #tpu.pipeline_mode<synchronous>, transform_indices = @transform_5, window_bounds = array<i64: 64, 32>}, {pipeline_mode = #tpu.pipeline_mode<synchronous>, transform_indices = @transform_6, window_bounds = array<i64: 1, 32>}, {pipeline_mode = #tpu.pipeline_mode<synchronous>, transform_indices = @transform_7, window_bounds = array<i64: 32, 1>}, {pipeline_mode = #tpu.pipeline_mode<synchronous>, transform_indices = @transform_8, window_bounds = array<i64: 1, 1>}, {transform_indices = @transform_9, window_bounds = array<i64: 2000, 1>}]} {
    %get3A = arith.constant 0 : index
    %get3A_0 = arith.constant 0 : index
    %get3A_1 = vector.load %arg2[%get3A, %get3A_0] : memref<2000x128xf32, #tpu.memory_space<vmem>>, vector<2000x128xf32>
    %slice3A = vector.extract_strided_slice %get3A_1 {offsets = [0, 64], sizes = [2000, 1], strides = [1, 1]} : vector<2000x128xf32> to vector<2000x1xf32>
    %get3A_2 = arith.constant 0 : index
    %get3A_3 = arith.constant 0 : index
    %get3A_4 = arith.constant 0 : index
    %get3A_5 = vector.load %arg1[%get3A_2, %get3A_3, %get3A_4] : memref<2x2000x128xf32, #tpu.memory_space<vmem>>, vector<1x2000x64xf32>
    %get3A_6 = vector.shape_cast %get3A_5 : vector<1x2000x64xf32> to vector<2000x64xf32>
    %get3A_7 = arith.constant 1 : index
    %get3A_8 = arith.constant 0 : index
    %get3A_9 = arith.constant 0 : index
    %get3A_10 = vector.load %arg1[%get3A_7, %get3A_8, %get3A_9] : memref<2x2000x128xf32, #tpu.memory_space<vmem>>, vector<1x2000x64xf32>
    %get3A_11 = vector.shape_cast %get3A_10 : vector<1x2000x64xf32> to vector<2000x64xf32>
    %add3A = arith.addf %get3A_6, %get3A_11 : vector<2000x64xf32>
    %slice3A_12 = vector.extract_strided_slice %get3A_1 {offsets = [0, 0], sizes = [2000, 64], strides = [1, 1]} : vector<2000x128xf32> to vector<2000x64xf32>
    %add3A_13 = arith.addf %add3A, %slice3A_12 : vector<2000x64xf32>
    %mul3A = vector.broadcast %slice3A : vector<2000x1xf32> to vector<2000x64xf32>
    %mul3A_14 = arith.mulf %mul3A, %add3A_13 : vector<2000x64xf32>
    %get3A_15 = arith.constant 0 : index
    %get3A_16 = arith.constant 0 : index
    %get3A_17 = vector.load %arg3[%get3A_15, %get3A_16] : memref<1x64xf32, #tpu.memory_space<vmem>>, vector<1x64xf32>
    %add3A_18 = vector.broadcast %get3A_17 : vector<1x64xf32> to vector<2000x64xf32>
    %add3A_19 = arith.addf %mul3A_14, %add3A_18 : vector<2000x64xf32>
    %get3A_20 = arith.constant 0 : index
    %get3A_21 = arith.constant 0 : index
    %get3A_22 = vector.load %arg4[%get3A_20, %get3A_21] : memref<64x64xf32, #tpu.memory_space<vmem>>, vector<64x64xf32>
    %dot_general3A = arith.constant dense<0.000000e+00> : vector<2000x64xf32>
    %dot_general3A_23 = tpu.matmul %add3A_19, %get3A_22, %dot_general3A {dimension_numbers = #tpu.dot_dimension_numbers<[1], [0], [0], [1], [0, 0, 1, 1], [], []>, transpose_lhs_hint = false} : vector<2000x64xf32>, vector<64x64xf32>, vector<2000x64xf32> -> vector<2000x64xf32>
    %get3A_24 = arith.constant 0 : index
    %get3A_25 = arith.constant 0 : index
    %get3A_26 = vector.load %arg5[%get3A_24, %get3A_25] : memref<1x64xf32, #tpu.memory_space<vmem>>, vector<1x64xf32>
    %add3A_27 = vector.broadcast %get3A_26 : vector<1x64xf32> to vector<2000x64xf32>
    %add3A_28 = arith.addf %dot_general3A_23, %add3A_27 : vector<2000x64xf32>
    %max3A = arith.constant 0.000000e+00 : f32
    %max3A_29 = vector.broadcast %max3A : f32 to vector<2000x64xf32>
    %max3A_30 = arith.maximumf %add3A_28, %max3A_29 : vector<2000x64xf32>
    %get3A_31 = arith.constant 0 : index
    %get3A_32 = arith.constant 0 : index
    %get3A_33 = vector.load %arg6[%get3A_31, %get3A_32] : memref<64x32xf32, #tpu.memory_space<vmem>>, vector<64x32xf32>
    %dot_general3A_34 = arith.constant dense<0.000000e+00> : vector<2000x32xf32>
    %dot_general3A_35 = tpu.matmul %max3A_30, %get3A_33, %dot_general3A_34 {dimension_numbers = #tpu.dot_dimension_numbers<[1], [0], [0], [1], [0, 0, 1, 1], [], []>, transpose_lhs_hint = false} : vector<2000x64xf32>, vector<64x32xf32>, vector<2000x32xf32> -> vector<2000x32xf32>
    %get3A_36 = arith.constant 0 : index
    %get3A_37 = arith.constant 0 : index
    %get3A_38 = vector.load %arg7[%get3A_36, %get3A_37] : memref<1x32xf32, #tpu.memory_space<vmem>>, vector<1x32xf32>
    %add3A_39 = vector.broadcast %get3A_38 : vector<1x32xf32> to vector<2000x32xf32>
    %add3A_40 = arith.addf %dot_general3A_35, %add3A_39 : vector<2000x32xf32>
    %max3A_41 = arith.constant 0.000000e+00 : f32
    %max3A_42 = vector.broadcast %max3A_41 : f32 to vector<2000x32xf32>
    %max3A_43 = arith.maximumf %add3A_40, %max3A_42 : vector<2000x32xf32>
    %get3A_44 = arith.constant 0 : index
    %get3A_45 = arith.constant 0 : index
    %get3A_46 = vector.load %arg8[%get3A_44, %get3A_45] : memref<32x1xf32, #tpu.memory_space<vmem>>, vector<32x1xf32>
    %dot_general3A_47 = arith.constant dense<0.000000e+00> : vector<2000x1xf32>
    %dot_general3A_48 = tpu.matmul %max3A_43, %get3A_46, %dot_general3A_47 {dimension_numbers = #tpu.dot_dimension_numbers<[1], [0], [0], [1], [0, 0, 1, 1], [], []>, transpose_lhs_hint = false} : vector<2000x32xf32>, vector<32x1xf32>, vector<2000x1xf32> -> vector<2000x1xf32>
    %get3A_49 = arith.constant 0 : index
    %get3A_50 = arith.constant 0 : index
    %get3A_51 = vector.load %arg9[%get3A_49, %get3A_50] : memref<1x1xf32, #tpu.memory_space<vmem>>, vector<1x1xf32>
    %add3A_52 = vector.broadcast %get3A_51 : vector<1x1xf32> to vector<2000x1xf32>
    %add3A_53 = arith.addf %dot_general3A_48, %add3A_52 : vector<2000x1xf32>
    %swap3A = arith.constant 0 : index
    %swap3A_54 = arith.constant 0 : index
    %swap3A_55 = vector.load %arg10[%swap3A, %swap3A_54] : memref<2000x1xf32, #tpu.memory_space<vmem>>, vector<2000x1xf32>
    tpu.vector_store %arg10[%swap3A, %swap3A_54], %add3A_53 {strides = array<i32>} : memref<2000x1xf32, #tpu.memory_space<vmem>>, vector<2000x1xf32>,
    return
  }
  func.func @transform_0(%arg0: i32) -> (i32, i32, i32) {
    %c0_i32 = arith.constant 0 : i32
    %c0_i32_0 = arith.constant 0 : i32
    %c0_i32_1 = arith.constant 0 : i32
    return %c0_i32, %arg0, %c0_i32_0 : i32, i32, i32
  }
  func.func @transform_1(%arg0: i32) -> (i32, i32) {
    %c0_i32 = arith.constant 0 : i32
    %c0_i32_0 = arith.constant 0 : i32
    return %arg0, %c0_i32 : i32, i32
  }
  func.func @transform_2(%arg0: i32) -> (i32, i32) {
    %c0_i32 = arith.constant 0 : i32
    %c0_i32_0 = arith.constant 0 : i32
    %c0_i32_1 = arith.constant 0 : i32
    return %c0_i32, %c0_i32_0 : i32, i32
  }
  func.func @transform_3(%arg0: i32) -> (i32, i32) {
    %c0_i32 = arith.constant 0 : i32
    %c0_i32_0 = arith.constant 0 : i32
    %c0_i32_1 = arith.constant 0 : i32
    return %c0_i32, %c0_i32_0 : i32, i32
  }
  func.func @transform_4(%arg0: i32) -> (i32, i32) {
    %c0_i32 = arith.constant 0 : i32
    %c0_i32_0 = arith.constant 0 : i32
    %c0_i32_1 = arith.constant 0 : i32
    return %c0_i32, %c0_i32_0 : i32, i32
  }
  func.func @transform_5(%arg0: i32) -> (i32, i32) {
    %c0_i32 = arith.constant 0 : i32
    %c0_i32_0 = arith.constant 0 : i32
    %c0_i32_1 = arith.constant 0 : i32
    return %c0_i32, %c0_i32_0 : i32, i32
  }
  func.func @transform_6(%arg0: i32) -> (i32, i32) {
    %c0_i32 = arith.constant 0 : i32
    %c0_i32_0 = arith.constant 0 : i32
    %c0_i32_1 = arith.constant 0 : i32
    return %c0_i32, %c0_i32_0 : i32, i32
  }
  func.func @transform_7(%arg0: i32) -> (i32, i32) {
    %c0_i32 = arith.constant 0 : i32
    %c0_i32_0 = arith.constant 0 : i32
    %c0_i32_1 = arith.constant 0 : i32
    return %c0_i32, %c0_i32_0 : i32, i32
  }
  func.func @transform_8(%arg0: i32) -> (i32, i32) {
    %c0_i32 = arith.constant 0 : i32
    %c0_i32_0 = arith.constant 0 : i32
    %c0_i32_1 = arith.constant 0 : i32
    return %c0_i32, %c0_i32_0 : i32, i32
  }
  func.func @transform_9(%arg0: i32) -> (i32, i32) {
    %c0_i32 = arith.constant 0 : i32
    %c0_i32_0 = arith.constant 0 : i32
    return %arg0, %c0_i32 : i32, i32
  }
}

</mosaic_0001>

<sc_bundles>
// kernel: kernel.12.cloned.1.call-start
scs
__scs_entry_jumppad:
0x0: {  	(pc) =	sbr.rel $0x88, $3  }
0x1: {  	(tag) =	ssettag $0x0;
	lr =	simm.s32 $0x1  }
0x2: {  	[smem:$0x3F95] =	sst lr;
	_ =	strace $0xD0000000  }
0x3: {  	_ = 	snop  }
0x4: {  	_ = 	snop  }
0x5: {  	_ = 	snop  }
0x6: {  	_ = 	snop  }
0x7: {  	_ = 	snop  }
__scs_overlays_trampoline_lowered:
0x8: {  	[smem:$0x3FA4] =	sst s0  }
0x9: {  	[smem:$0x3FA5] =	sst s1  }
0xa: {  	[smem:$0x3FA6] =	sst s2  }
0xb: {  	[smem:$0x3FA7] =	sst s3  }
0xc: {  	[smem:$0x3FA8] =	sst s4  }
0xd: {  	[smem:$0x3FA9] =	sst s5  }
0xe: {  	[smem:$0x3FAA] =	sst s6  }
0xf: {  	[smem:$0x3FAB] =	sst s7  }
0x10: {  	[smem:$0x3FAC] =	sst s8  }
0x11: {  	[smem:$0x3FAD] =	sst s9;
	s0 =	simm.s32 @!p0 $0x0  }
0x12: {  	s1 =	sld [smem:$0x3F93];
	s0 =	simm.s32 @p0 $0x1  }
0x13: {  	[smem:$0x3FAE] =	sst s0;
	s0 =	simm.s32 @!p1 $0x0  }
0x14: {  	s2 =	sld [smem:$0x3F92];
	s0 =	simm.s32 @p1 $0x1  }
0x15: {  	[smem:$0x3FAF] =	sst s0;
	s0 =	simm.s32 @!p2 $0x0  }
0x16: {  	s3 =	sld [smem:$0x3FDB];
	s0 =	simm.s32 @p2 $0x1  }
0x17: {  	s4 =	simm.s32 $0x1BF5;
	[smem:$0x3FB1] =	sst s0  }
0x18: {  	s0 =	sld [smem:$0x3F94];
	_ =	swait.ge [sflag:s4], $0x0  }
0x19: {  	s7 =	sld [smem:$0x3F95]  }
0x1a: {  	s8 =	sadd.s32 $0xFFFFE003, lr  }
0x1b: {  	s9 =	sadd.s32 $0xFFFFFEF7, lr;
	s5 =	simm.s32 $0xFFFFFFFF;
	p2 =	slt.u32 s8, $0xFFFFF086  }
0x1c: {  	p1 =	slt.u32 s9, $0xF7A;
	s5 =	simm.s32 @!p2 $0x0  }
0x1d: {  	s5 =	simm.s32 @p1 $0x1;
	p0 =	seq.s32 s7, s2  }
0x1e: {  	s7 =	smul.u32 @!p0 $0xF7A, s2;
	p2 =	seq.s32 @!p0 s5, $0x0  }
0x1f: {  	s9 =	smul.u32 $0xF7A, s1;
	s8 =	simm.s32 @!p0 $0x1BF5;
	p2 =	por !p2, p0  }
0x20: {  	[sflag:s8] =	ssyncset.s32 @!p0 $0xFFFFF086;
	s6 =	sadd.s32 @!p0 s3, s7;
	s7 =	simm.s32 @!p0 $0x108  }
0x21: {  	s3 =	sadd.s32 s3, s9;
	s6 =	sadd.s32 @!p0 $0x88, s6;
	s7 =	simm.s32 @p2 $0x1082  }
0x22: {  	[simem:s7], [sflag:s8] =	dma.local @!p0 [hbm:s6], $0xF7A  }
0x23: {  	s9 =	sor.u32 $0xD0000000, s2;
	s6 =	simm.s32 $0x108;
	_ =	swait.ge @!p0 [sflag:s8], $0x0  }
0x24: {  	s3 =	sadd.s32 $0x88, s3;
	s6 =	simm.s32 @!p1 $0x1082;
	[sflag:s4] =	ssyncset.s32 $0xFFFFF086  }
0x25: {  	[simem:s6], [sflag:s4] =	dma.local [hbm:s3], $0xF7A  }
0x26: {  	[smem:$0x3F95] =	sst s1;
	(tag) =	ssettag s2;
	_ =	strace s9  }
0x27: {  	s1 =	sld [smem:$0x3FA5]  }
0x28: {  	s2 =	sld [smem:$0x3FA6]  }
0x29: {  	s4 =	sld [smem:$0x3FA8]  }
0x2a: {  	p0 =	seq.s32 s5, $0x0;
	s5 =	sld [smem:$0x3FA9]  }
0x2b: {  	s6 =	sld [smem:$0x3FAA]  }
0x2c: {  	s7 =	sld [smem:$0x3FAB]  }
0x2d: {  	s3 =	simm.s32 $0x108;
	s8 =	sld [smem:$0x3FAC]  }
0x2e: {  	s3 =	simm.s32 @!p0 $0x1082;
	s9 =	sld [smem:$0x3FAD]  }
0x2f: {  	lr =	sadd.s32 s0, s3;
	s0 =	sld [smem:$0x3FA4]  }
0x30: {  	s3 =	sld [smem:$0x3FA7]  }
0x31: {  	[smem:$0x3FB0] =	sst s10  }
0x32: {  	s10 =	sld [smem:$0x3FAE];
	_ =	sdelay $0x3  }
0x33: {  	p0 =	seq.s32 s10, $0x1;
	s10 =	sld [smem:$0x3FB0];
	_ =	sdelay $0x3  }
0x34: {  	[smem:$0x3FB0] =	sst s10  }
0x35: {  	s10 =	sld [smem:$0x3FAF];
	_ =	sdelay $0x3  }
0x36: {  	p1 =	seq.s32 s10, $0x1;
	s10 =	sld [smem:$0x3FB0];
	_ =	sdelay $0x3  }
0x37: {  	[smem:$0x3FB0] =	sst s10  }
0x38: {  	s10 =	sld [smem:$0x3FB1]  }
0x39: {  	_ = 	snop;
	(pc) =	sbr.ind lr, $3  }
0x3a: {  	_ = 	snop  }
0x3b: {  	_ = 	snop  }
0x3c: {  	p2 =	seq.s32 s10, $0x1;
	s10 =	sld [smem:$0x3FB0]  }
0x3d: {  	_ =	shalt  }
0x3e: {  	_ =	shalt  }
0x3f: {  	_ =	shalt  }
0x40: {  	_ =	shalt  }
0x41: {  	_ =	shalt  }
0x42: {  	_ =	shalt  }
0x43: {  	_ =	shalt  }
0x44: {  	_ =	shalt  }
0x45: {  	_ =	shalt  }
0x46: {  	_ =	shalt  }
0x47: {  	_ =	shalt  }
0x48: {  	_ =	shalt  }
0x49: {  	_ =	shalt  }
0x4a: {  	_ =	shalt  }
0x4b: {  	_ =	shalt  }
0x4c: {  	_ =	shalt  }
0x4d: {  	_ =	shalt  }
0x4e: {  	_ =	shalt  }
0x4f: {  	_ =	shalt  }
0x50: {  	_ =	shalt  }
0x51: {  	_ =	shalt  }
0x52: {  	_ =	shalt  }
0x53: {  	_ =	shalt  }
0x54: {  	_ =	shalt  }
0x55: {  	_ =	shalt  }
0x56: {  	_ =	shalt  }
0x57: {  	_ =	shalt  }
0x58: {  	_ =	shalt  }
0x59: {  	_ =	shalt  }
0x5a: {  	_ =	shalt  }
0x5b: {  	_ =	shalt  }
0x5c: {  	_ =	shalt  }
0x5d: {  	_ =	shalt  }
0x5e: {  	_ =	shalt  }
0x5f: {  	_ =	shalt  }
0x60: {  	_ =	shalt  }
0x61: {  	_ =	shalt  }
0x62: {  	_ =	shalt  }
0x63: {  	_ =	shalt  }
0x64: {  	_ =	shalt  }
0x65: {  	_ =	shalt  }
0x66: {  	_ =	shalt  }
0x67: {  	_ =	shalt  }
0x68: {  	_ =	shalt  }
0x69: {  	_ =	shalt  }
0x6a: {  	_ =	shalt  }
0x6b: {  	_ =	shalt  }
0x6c: {  	_ =	shalt  }
0x6d: {  	_ =	shalt  }
0x6e: {  	_ =	shalt  }
0x6f: {  	_ =	shalt  }
0x70: {  	_ =	shalt  }
0x71: {  	_ =	shalt  }
0x72: {  	_ =	shalt  }
0x73: {  	_ =	shalt  }
0x74: {  	_ =	shalt  }
0x75: {  	_ =	shalt  }
0x76: {  	_ =	shalt  }
0x77: {  	_ =	shalt  }
0x78: {  	_ =	shalt  }
0x79: {  	_ =	shalt  }
0x7a: {  	_ =	shalt  }
0x7b: {  	_ =	shalt  }
0x7c: {  	_ =	shalt  }
0x7d: {  	_ =	shalt  }
0x7e: {  	_ =	shalt  }
0x7f: {  	_ =	shalt  }
0x80: {  	_ =	shalt  }
0x81: {  	_ =	shalt  }
0x82: {  	_ =	shalt  }
0x83: {  	_ =	shalt  }
0x84: {  	_ =	shalt  }
0x85: {  	_ =	shalt  }
0x86: {  	_ =	shalt  }
0x87: {  	_ =	shalt  }
.Lfunc_end0:
.L_simem_size_0:
called_computation.1_lowered:
.L_overlay_start_0:
0x88: {  	s2 =	sld [smem:$0x3FD9]  }
0x89: {  	s3 =	sld [smem:$0x3FFE];
	_ =	sdelay $0x1  }
0x8a: {  	s1 =	srdreg.scid  }
0x8b: {  	s0 =	sand.u32 $0x1, s1  }
0x8c: {  	s16 =	sshll.u32 s0, $0xA;
	s2 =	sadd.s32 s3, s2  }
0x8d: {  	s2 =	sadd.s32 s2, s16  }
0x8e: {  	[smem:$0x3FBC] =	sst s2  }
0x8f: {  	_ = 	snop  }
0x90: {  	(tm) =	ssettm $0x1  }
0x91: {  	s17 =	sld [smem:$0x3FFB];
	_ =	sdelay $0x3  }
0x92: {  	_ =	strace s17  }
0x93: {  	s2 =	sld [smem:$0x3FFC];
	_ =	sdelay $0x3  }
0x94: {  	_ =	strace s2  }
0x95: {  	s2 =	sld [smem:$0x3FFD];
	_ =	sdelay $0x3  }
0x96: {  	_ =	strace s2  }
0x97: {  	_ =	strace $0x8FFFFFFF  }
0x98: {  	s18 =	sld [smem:$0x3FDB];
	_ =	sdelay $0x1  }
0x99: {  	s19 =	simm.s32 $_scs_section_size  }
0x9a: {  	s4 =	simm.s32 $_size__tile_overlayer_lowered;
	s5 =	simm.s32 $_tile_overlayer_lowered  }
0x9b: {  	s22 =	simm.s32 $0x1BFF;
	s21 =	sshll.u32 s5, $0x1;
	s2 =	sadd.s32 s19, s18  }
0x9c: {  	s6 =	simm.s32 $0x0;
	s20 =	sshll.u32 s4, $0x1;
	s4 =	sadd.s32 s21, s2  }
0x9d: {  	[timem:s6], [sflag:s22] =	dma.local [hbm:s4], s20  }
0x9e: {  	_ =	swait.ge [sflag:s22], s20  }
0x9f: {  	s3 =	ssub.s32 $0x0, s20;
	[sflag:s22] =	ssyncset.done $0x0  }
0xa0: {  	[sflag:s22] =	ssyncadd.s32 s3;
	_ =	sdelay $0x1  }
0xa1: {  	s23 =	simm.s32 $0x1B8B  }
0xa2: {  	_ =	swait.ge [sflag:s23], $0x1  }
0xa3: {  	[sflag:s23] =	ssyncset.done $0x0  }
0xa4: {  	s25 =	simm.s32 $0x1B8E;
	s24 =	sld [smem:$0x3FFE];
	[sflag:s23] =	ssyncadd.s32 $0xFFFFFFFF  }
0xa5: {  	s26 =	simm.s32 $execute0_lowered;
	[smem:$0x3FD2] =	sst s25  }
0xa6: {  	s4 =	sshll.u32 s26, $0x1;
	_ =	strace $0x80000049;
	[dreg:$0x1] =	wrdreg $0xFFFFFFFF  }
0xa7: {  	s28 =	simm.s32 $_size_execute0_lowered;
	s2 =	sadd.s32 s2, s4;
	[dreg:$0x0] =	wrdreg $0x0  }
0xa8: {  	s4 =	sshll.u32 s28, $0x1;
	[dreg:$0x2] =	wrdreg s2  }
0xa9: {  	[dreg:$0x3] =	wrdreg s4  }
0xaa: {  	[dreg:$0x4] =	wrdreg $0xC0  }
0xab: {  	_ =	task [dreg:s6], $0x5FFFF  }
0xac: {  	[dreg:$0x1] =	wrdreg $0xFFFFFFFF  }
0xad: {  	[dreg:$0x0] =	wrdreg $0x60  }
0xae: {  	[dreg:$0x2] =	wrdreg s24  }
0xaf: {  	[dreg:$0x3] =	wrdreg $0x0  }
0xb0: {  	[dreg:$0x4] =	wrdreg $0x9  }
0xb1: {  	_ =	task.clear_ibuf [dreg:s6], $0x5FFFF;
	_ =	strace $0x90000049  }
0xb2: {  	s29 =	simm.s32 $0x9;
	_ =	strace $0x8000004B  }
0xb3: {  	_ =	swait.ge [sflag:s29], $0x1  }
0xb4: {  	[sflag:s29] =	ssyncadd.s32 $0xFFFFFFFF  }
0xb5: {  	_ =	strace $0x9000004B  }
0xb6: {  	_ =	sfence  }
0xb7: {  	s30 =	sld [smem:$0x0];
	_ =	sdelay $0x2  }
0xb8: {  	s31 =	sshll.u32 s1, $0xD;
	s1 =	sshrl.u32 s1, $0x2  }
0xb9: {  	s3 =	sand.u32 $0x4000, s31;
	s1 =	sadd.s32 s1, s30  }
0xba: {  	s0 =	sor.u32 s3, s0;
	s1 =	sshll.u32 s1, $0x11  }
0xbb: {  	s0 =	sor.u32 s1, s0  }
0xbc: {  	s0 =	sadd.s32 $0x8F2B, s0  }
0xbd: {  	[sflag:s0] =	ssyncadd.remote.s32 $0x1  }
0xbe: {  	_ =	sfence.sel $0xFFFF  }
0xbf: {  	[dreg:$0x0] =	wrdreg $0xFFFFFFFF;
	(pc) =	sbr.abs _section_cstart, $3  }
0xc0: {  	[dreg:$0x1] =	wrdreg $0xFFFFFFFF  }
0xc1: {  	_ =	task.clear_ibuf [dreg:s6], $0x2FFFF;
	_ =	strace $0x9FFFFFFF  }
0xc2: {  	(tm) =	ssettm $0x7FFFFFFF  }
0xc3: {  	_ =	shalt  }
tec
execute0_lowered:
.L_overlay_start_1:
0x0: {  	(tag) =	ssettag $0x1  }
0x1: {  	s0 =	srdreg.scid;
	s1 =	rddreg [dreg:$0x0]  }
0x2: {  	s8 =	stileid.u32;
	s2 =	rddreg [dreg:$0x1]  }
0x3: {  	s14 =	simm.s32 $0x16940;
	s15 =	simm.s32 $0x5;
	s16 =	simm.s32 $0x9C40  }
0x4: {  	s18 =	simm.s32 $0x7D;
	s19 =	simm.s32 $0xEC40;
	s21 =	simm.s32 $0x10B80  }
0x5: {  	s23 =	simm.s32 $0x12AC0;
	s24 =	simm.s32 $0x1;
	s28 =	simm.s32 $0x3  }
0x6: {  	s29 =	simm.s32 $0x4;
	s30 =	simm.s32 $0xC3C0;
	s17 =	simm.s32 $0xEBC0  }
0x7: {  	s20 =	simm.s32 $0x10;
	s22 =	simm.s32 $0x8;
	s7 =	smul.u32 $0x13880, s8  }
0x8: {  	s0 =	sand.u32 $0x1, s0;
	s3 =	sshll.u32 s8, $0x1;
	s8 =	smul.u32 $0x27100, s8  }
0x9: {  	s4 =	sor.u32 s0, s3;
	s3 =	simm.s32 $0x0;
	s6 =	smul.u32 $0x138800, s0  }
0xa: {  	s0 =	ssub.s32 $0x2, s0;
	s5 =	smul.u32 $0x2800, s4;
	[smem:$0x7FF] =	sst s3  }
0xb: {  	s4 =	sadd.s32 $0x18200, s1;
	s26 =	sshrl.u32 s0, $0x1;
	s31 =	sshrl.u32 s8, $0x2  }
0xc: {  	_ =	strace $0x8000004A;
	s25 =	sadd.s32 s7, s6;
	s0 =	ssub.s32 s0, s26  }
0xd: {  	s26 =	simm.s32 $0x2;
	s5 =	sshrl.u32 s5, $0x3;
	s13 =	smax.u32 s0, $0x1  }
0xe: {  	s11 =	sadd.s32 s5, s1;
	s5 =	sshrl.u32 s25, $0x3;
	s25 =	simm.s32 $0x14A00  }
0xf: {  	s1 =	sadd.s32 s5, s1;
	s5 =	sadd.s32 s31, s2;
	s10 =	sadd.s32 $0x4200, s11  }
0x10: {  	s11 =	sadd.s32 $0xE200, s11;
	s6 =	sadd.s32 $0x1F40, s5;
	s7 =	sadd.s32 $0x3E80, s5  }
0x11: {  	v0 =	vimm.f32 $0.0e+00;
	s8 =	sadd.s32 $0x5DC0, s5;
	s9 =	sadd.s32 $0x7D00, s5;
	s12 =	sadd.s32 $0x3F400, s1  }
.LBB2_1:
0x12: {  	s31 =	simm.s32 $0x100;
	s1 =	simm.s32 $0x0  }
.LBB2_2:
0x13: {  	p0 =	sne.s32 s31, $0x7C00;
	[tilespmem:s1+$0x16970] =	vst v0;
	s0 =	smov.u32 s31;
	s31 =	sadd.s32 $0x100, s31  }
.Ltmp0:
0x14: {  	[tilespmem:s1+$0x16960] =	vst v0;
	(pc) =	sbr.rel @p0 .LBB2_2-.Ltmp0, $3  }
0x15: {  	[tilespmem:s1+$0x16940] =	vst v0  }
0x16: {  	[tilespmem:s1+$0x16950] =	vst v0;
	_ =	sdelay $0x1  }
0x17: {  	s1 =	sshra.s32 s0, $0x2  }
0x18: {  	[tilespmem:s1+$0x16970] =	vst v0  }
0x19: {  	[tilespmem:s1+$0x16960] =	vst v0  }
0x1a: {  	[tilespmem:s1+$0x16940] =	vst v0  }
0x1b: {  	[tilespmem:s1+$0x16950] =	vst v0  }
0x1c: {  	[spmem:s5] =	stream.linear.scatter [tilespmem:s14], [sflag:$0x5], $0x1F40, $0x38;
	[tilespmem:$0x18880] =	vst v63  }
0x1d: {  	_ =	swait.ge [sflag:s15], $0x1F40  }
0x1e: {  	[sflag:s15] =	ssyncset.done $0x0  }
0x1f: {  	[sflag:s15] =	ssyncadd.s32 $0xFFFFE0C0  }
0x20: {  	[spmem:s6] =	stream.linear.scatter [tilespmem:s14], [sflag:$0x5], $0x1F40, $0x38;
	[tilespmem:$0x18880] =	vst v63  }
0x21: {  	_ =	swait.ge [sflag:s15], $0x1F40  }
0x22: {  	[sflag:s15] =	ssyncset.done $0x0  }
0x23: {  	[sflag:s15] =	ssyncadd.s32 $0xFFFFE0C0  }
0x24: {  	[spmem:s7] =	stream.linear.scatter [tilespmem:s14], [sflag:$0x5], $0x1F40, $0x38;
	[tilespmem:$0x18880] =	vst v63  }
0x25: {  	_ =	swait.ge [sflag:s15], $0x1F40  }
0x26: {  	[sflag:s15] =	ssyncset.done $0x0  }
0x27: {  	[sflag:s15] =	ssyncadd.s32 $0xFFFFE0C0  }
0x28: {  	[spmem:s8] =	stream.linear.scatter [tilespmem:s14], [sflag:$0x5], $0x1F40, $0x38;
	[tilespmem:$0x18880] =	vst v63  }
0x29: {  	_ =	swait.ge [sflag:s15], $0x1F40  }
0x2a: {  	[sflag:s15] =	ssyncset.done $0x0  }
0x2b: {  	[sflag:s15] =	ssyncadd.s32 $0xFFFFE0C0  }
0x2c: {  	[spmem:s9] =	stream.linear.scatter [tilespmem:s14], [sflag:$0x5], $0x1F40, $0x38;
	[tilespmem:$0x18880] =	vst v63  }
0x2d: {  	_ =	swait.ge [sflag:s15], $0x1F40  }
0x2e: {  	[sflag:s15] =	ssyncset.done $0x0  }
0x2f: {  	[sflag:s15] =	ssyncadd.s32 $0xFFFFE0C0  }
0x30: {  	s0 =	simm.s32 $0x0;
	[bflag:$0x0] =	sbarrier.arrive $0xFFFF  }
0x31: {  	[tilespmem:s16], [sflag:$0x5] =	stream.linear.gather [hbm4b:s10+s0], $0x2800, $0x38;
	[tilespmem:$0x18880] =	vst v63  }
0x32: {  	_ =	swait.ge [sflag:s15], $0x2800  }
0x33: {  	[sflag:s15] =	ssyncset.done $0x0  }
0x34: {  	s1 =	simm.s32 $0xC440;
	[sflag:s15] =	ssyncadd.s32 $0xFFFFD800  }
0x35: {  	[tilespmem:s1], [sflag:$0x5] =	stream.linear.gather [hbm4b:s11+s0], $0x2800, $0x38;
	[tilespmem:$0x18880] =	vst v63  }
0x36: {  	_ =	swait.ge [sflag:s15], $0x2800  }
0x37: {  	[sflag:s15] =	ssyncset.done $0x0  }
0x38: {  	[sflag:s15] =	ssyncadd.s32 $0xFFFFD800  }
0x39: {  	[tilespmem:s19], [sflag:$0x1] =	stream.indirect.gather [hbm4b:s4+s18], $0x40, s16, s18, $0xb8;
	[tilespmem:$0x18880] =	vst v63  }
0x3a: {  	s1 =	simm.s32 $0x9CC0  }
0x3b: {  	[tilespmem:s21], [sflag:$0x2] =	stream.indirect.gather [hbm4b:s4+s18], $0x40, s1, s18, $0xb8;
	[tilespmem:$0x18880] =	vst v63  }
0x3c: {  	s1 =	simm.s32 $0x9D40  }
0x3d: {  	[tilespmem:s23], [sflag:$0x3] =	stream.indirect.gather [hbm4b:s4+s18], $0x40, s1, s18, $0xb8;
	[tilespmem:$0x18880] =	vst v63  }
0x3e: {  	_ =	swait.ge [sflag:s24], $0x1F40  }
0x3f: {  	[sflag:s24] =	ssyncset.done $0x0  }
0x40: {  	s1 =	simm.s32 $0x9DC0;
	[sflag:s24] =	ssyncadd.s32 $0xFFFFE0C0  }
0x41: {  	[tilespmem:s25], [sflag:$0x4] =	stream.indirect.gather [hbm4b:s4+s18], $0x40, s1, s18, $0xb8;
	[tilespmem:$0x18880] =	vst v63  }
0x42: {  	s1 =	simm.s32 $0xC440  }
0x43: {  	[spmem:s2] =	stream.indirect.scatter.add.f32 [tilespmem:s19], [sflag:$0x5], $0x40, s1, s18, $0xb8;
	[tilespmem:$0x18880] =	vst v63  }
0x44: {  	_ =	swait.ge [sflag:s15], $0x1F40  }
0x45: {  	[sflag:s15] =	ssyncset.done $0x0  }
0x46: {  	[sflag:s15] =	ssyncadd.s32 $0xFFFFE0C0  }
0x47: {  	_ =	swait.ge [sflag:s26], $0x1F40  }
0x48: {  	[sflag:s26] =	ssyncset.done $0x0  }
0x49: {  	s1 =	simm.s32 $0x9E40;
	[sflag:s26] =	ssyncadd.s32 $0xFFFFE0C0  }
0x4a: {  	[tilespmem:s19], [sflag:$0x1] =	stream.indirect.gather [hbm4b:s4+s18], $0x40, s1, s18, $0xb8;
	[tilespmem:$0x18880] =	vst v63  }
0x4b: {  	s1 =	simm.s32 $0xC4C0  }
0x4c: {  	[spmem:s2] =	stream.indirect.scatter.add.f32 [tilespmem:s21], [sflag:$0x5], $0x40, s1, s18, $0xb8;
	[tilespmem:$0x18880] =	vst v63  }
0x4d: {  	_ =	swait.ge [sflag:s15], $0x1F40  }
0x4e: {  	[sflag:s15] =	ssyncset.done $0x0  }
0x4f: {  	[sflag:s15] =	ssyncadd.s32 $0xFFFFE0C0  }
0x50: {  	_ =	swait.ge [sflag:s28], $0x1F40  }
0x51: {  	[sflag:s28] =	ssyncset.done $0x0  }
0x52: {  	s1 =	simm.s32 $0x9EC0;
	[sflag:s28] =	ssyncadd.s32 $0xFFFFE0C0  }
0x53: {  	[tilespmem:s21], [sflag:$0x2] =	stream.indirect.gather [hbm4b:s4+s18], $0x40, s1, s18, $0xb8;
	[tilespmem:$0x18880] =	vst v63  }
0x54: {  	s1 =	simm.s32 $0xC540  }
0x55: {  	[spmem:s2] =	stream.indirect.scatter.add.f32 [tilespmem:s23], [sflag:$0x5], $0x40, s1, s18, $0xb8;
	[tilespmem:$0x18880] =	vst v63  }
0x56: {  	_ =	swait.ge [sflag:s15], $0x1F40  }
0x57: {  	[sflag:s15] =	ssyncset.done $0x0  }
0x58: {  	[sflag:s15] =	ssyncadd.s32 $0xFFFFE0C0  }
0x59: {  	_ =	swait.ge [sflag:s29], $0x1F40  }
0x5a: {  	[sflag:s29] =	ssyncset.done $0x0  }
0x5b: {  	s1 =	simm.s32 $0x9F40;
	[sflag:s29] =	ssyncadd.s32 $0xFFFFE0C0  }
0x5c: {  	[tilespmem:s23], [sflag:$0x3] =	stream.indirect.gather [hbm4b:s4+s18], $0x40, s1, s18, $0xb8;
	[tilespmem:$0x18880] =	vst v63  }
0x5d: {  	s1 =	simm.s32 $0xC5C0  }
0x5e: {  	[spmem:s2] =	stream.indirect.scatter.add.f32 [tilespmem:s25], [sflag:$0x5], $0x40, s1, s18, $0xb8;
	[tilespmem:$0x18880] =	vst v63  }
0x5f: {  	_ =	swait.ge [sflag:s15], $0x1F40  }
0x60: {  	s31 =	simm.s32 $0x800;
	[sflag:s15] =	ssyncset.done $0x0  }
.LBB2_4:
0x61: {  	p0 =	sne.s32 s31, $0x9000  }
0x62: {  	[sflag:s15] =	ssyncadd.s32 $0xFFFFE0C0;
	s0 =	smov.u32 s31;
	s31 =	sadd.s32 $0x800, s31  }
0x63: {  	_ = 	snop  }
0x64: {  	_ =	swait.ge [sflag:s24], $0x1F40  }
0x65: {  	s1 =	sshra.s32 s0, $0x2;
	[sflag:s24] =	ssyncset.done $0x0  }
0x66: {  	s0 =	sadd.s32 $0x9DC0, s1;
	[sflag:s24] =	ssyncadd.s32 $0xFFFFE0C0  }
0x67: {  	[tilespmem:s25], [sflag:$0x4] =	stream.indirect.gather [hbm4b:s4+s18], $0x40, s0, s18, $0xb8;
	[tilespmem:$0x18880] =	vst v63  }
0x68: {  	s0 =	sadd.s32 $0xC440, s1  }
0x69: {  	[spmem:s2] =	stream.indirect.scatter.add.f32 [tilespmem:s19], [sflag:$0x5], $0x40, s0, s18, $0xb8;
	[tilespmem:$0x18880] =	vst v63  }
0x6a: {  	_ =	swait.ge [sflag:s15], $0x1F40  }
0x6b: {  	[sflag:s15] =	ssyncset.done $0x0  }
0x6c: {  	[sflag:s15] =	ssyncadd.s32 $0xFFFFE0C0  }
0x6d: {  	_ =	swait.ge [sflag:s26], $0x1F40  }
0x6e: {  	[sflag:s26] =	ssyncset.done $0x0  }
0x6f: {  	s0 =	sadd.s32 $0x9E40, s1;
	[sflag:s26] =	ssyncadd.s32 $0xFFFFE0C0  }
0x70: {  	[tilespmem:s19], [sflag:$0x1] =	stream.indirect.gather [hbm4b:s4+s18], $0x40, s0, s18, $0xb8;
	[tilespmem:$0x18880] =	vst v63  }
0x71: {  	s0 =	sadd.s32 $0xC4C0, s1  }
0x72: {  	[spmem:s2] =	stream.indirect.scatter.add.f32 [tilespmem:s21], [sflag:$0x5], $0x40, s0, s18, $0xb8;
	[tilespmem:$0x18880] =	vst v63  }
0x73: {  	_ =	swait.ge [sflag:s15], $0x1F40  }
0x74: {  	[sflag:s15] =	ssyncset.done $0x0  }
0x75: {  	[sflag:s15] =	ssyncadd.s32 $0xFFFFE0C0  }
0x76: {  	_ =	swait.ge [sflag:s28], $0x1F40  }
0x77: {  	[sflag:s28] =	ssyncset.done $0x0  }
0x78: {  	s0 =	sadd.s32 $0x9EC0, s1;
	[sflag:s28] =	ssyncadd.s32 $0xFFFFE0C0  }
0x79: {  	[tilespmem:s21], [sflag:$0x2] =	stream.indirect.gather [hbm4b:s4+s18], $0x40, s0, s18, $0xb8;
	[tilespmem:$0x18880] =	vst v63  }
0x7a: {  	s0 =	sadd.s32 $0xC540, s1  }
0x7b: {  	[spmem:s2] =	stream.indirect.scatter.add.f32 [tilespmem:s23], [sflag:$0x5], $0x40, s0, s18, $0xb8;
	[tilespmem:$0x18880] =	vst v63  }
0x7c: {  	_ =	swait.ge [sflag:s15], $0x1F40  }
0x7d: {  	[sflag:s15] =	ssyncset.done $0x0  }
0x7e: {  	[sflag:s15] =	ssyncadd.s32 $0xFFFFE0C0  }
0x7f: {  	_ =	swait.ge [sflag:s29], $0x1F40  }
0x80: {  	[sflag:s29] =	ssyncset.done $0x0  }
0x81: {  	s0 =	sadd.s32 $0x9F40, s1;
	[sflag:s29] =	ssyncadd.s32 $0xFFFFE0C0  }
0x82: {  	[tilespmem:s23], [sflag:$0x3] =	stream.indirect.gather [hbm4b:s4+s18], $0x40, s0, s18, $0xb8;
	[tilespmem:$0x18880] =	vst v63  }
.Ltmp1:
0x83: {  	_ = 	snop;
	(pc) =	sbr.rel @p0 .LBB2_4-.Ltmp1, $4  }
0x84: {  	s0 =	sadd.s32 $0xC5C0, s1  }
0x85: {  	[spmem:s2] =	stream.indirect.scatter.add.f32 [tilespmem:s25], [sflag:$0x5], $0x40, s0, s18, $0xb8;
	[tilespmem:$0x18880] =	vst v63  }
0x86: {  	_ =	swait.ge [sflag:s15], $0x1F40  }
0x87: {  	[sflag:s15] =	ssyncset.done $0x0  }
0x88: {  	[sflag:s15] =	ssyncadd.s32 $0xFFFFE0C0  }
0x89: {  	_ =	swait.ge [sflag:s24], $0x1F40  }
0x8a: {  	[sflag:s24] =	ssyncset.done $0x0  }
0x8b: {  	[sflag:s24] =	ssyncadd.s32 $0xFFFFE0C0  }
0x8c: {  	[tilespmem:s25], [sflag:$0x4] =	stream.indirect.gather [hbm4b:s4+s18], $0x40, s30, s18, $0xb8;
	[tilespmem:$0x18880] =	vst v63  }
0x8d: {  	s0 =	simm.s32 $0xEA40  }
0x8e: {  	[spmem:s2] =	stream.indirect.scatter.add.f32 [tilespmem:s19], [sflag:$0x5], $0x40, s0, s18, $0xb8;
	[tilespmem:$0x18880] =	vst v63  }
0x8f: {  	_ =	swait.ge [sflag:s15], $0x1F40  }
0x90: {  	[sflag:s15] =	ssyncset.done $0x0  }
0x91: {  	[sflag:s15] =	ssyncadd.s32 $0xFFFFE0C0  }
0x92: {  	_ =	swait.ge [sflag:s26], $0x1F40  }
0x93: {  	[sflag:s26] =	ssyncset.done $0x0  }
0x94: {  	[sflag:s26] =	ssyncadd.s32 $0xFFFFE0C0  }
0x95: {  	[tilespmem:s19], [sflag:$0x1] =	stream.indirect.gather [hbm4b:s4+s18], $0x40, s30, s18, $0xb8;
	[tilespmem:$0x18880] =	vst v63  }
0x96: {  	s31 =	simm.s32 $0xEAC0  }
0x97: {  	[spmem:s2] =	stream.indirect.scatter.add.f32 [tilespmem:s21], [sflag:$0x5], $0x40, s31, s18, $0xb8;
	[tilespmem:$0x18880] =	vst v63  }
0x98: {  	_ =	swait.ge [sflag:s15], $0x1F40  }
0x99: {  	[sflag:s15] =	ssyncset.done $0x0  }
0x9a: {  	[sflag:s15] =	ssyncadd.s32 $0xFFFFE0C0  }
0x9b: {  	_ =	swait.ge [sflag:s28], $0x1F40  }
0x9c: {  	[sflag:s28] =	ssyncset.done $0x0  }
0x9d: {  	[sflag:s28] =	ssyncadd.s32 $0xFFFFE0C0  }
0x9e: {  	[tilespmem:s21], [sflag:$0x2] =	stream.indirect.gather [hbm4b:s4+s18], $0x40, s30, s18, $0xb8;
	[tilespmem:$0x18880] =	vst v63  }
0x9f: {  	s1 =	simm.s32 $0xEB40  }
0xa0: {  	[spmem:s2] =	stream.indirect.scatter.add.f32 [tilespmem:s23], [sflag:$0x5], $0x40, s1, s18, $0xb8;
	[tilespmem:$0x18880] =	vst v63  }
0xa1: {  	_ =	swait.ge [sflag:s15], $0x1F40  }
0xa2: {  	[sflag:s15] =	ssyncset.done $0x0  }
0xa3: {  	[sflag:s15] =	ssyncadd.s32 $0xFFFFE0C0  }
0xa4: {  	_ =	swait.ge [sflag:s29], $0x1F40  }
0xa5: {  	[sflag:s29] =	ssyncset.done $0x0  }
0xa6: {  	[sflag:s29] =	ssyncadd.s32 $0xFFFFE0C0  }
0xa7: {  	[tilespmem:s23], [sflag:$0x3] =	stream.indirect.gather [hbm4b:s4+s18], $0x40, s30, s18, $0xb8;
	[tilespmem:$0x18880] =	vst v63  }
0xa8: {  	_ = 	snop  }
0xa9: {  	[spmem:s2] =	stream.indirect.scatter.add.f32 [tilespmem:s25], [sflag:$0x5], $0x40, s17, s18, $0xb8;
	[tilespmem:$0x18880] =	vst v63  }
0xaa: {  	_ =	swait.ge [sflag:s15], $0x1F40  }
0xab: {  	[sflag:s15] =	ssyncset.done $0x0  }
0xac: {  	[sflag:s15] =	ssyncadd.s32 $0xFFFFE0C0  }
0xad: {  	_ =	swait.ge [sflag:s24], $0x1F40  }
0xae: {  	[sflag:s24] =	ssyncset.done $0x0  }
0xaf: {  	[sflag:s24] =	ssyncadd.s32 $0xFFFFE0C0  }
0xb0: {  	_ =	swait.ge [sflag:s26], $0x1F40  }
0xb1: {  	[sflag:s26] =	ssyncset.done $0x0  }
0xb2: {  	[sflag:s26] =	ssyncadd.s32 $0xFFFFE0C0  }
0xb3: {  	s31 =	stileid.u32;
	_ =	swait.ge [sflag:s28], $0x1F40  }
0xb4: {  	s3 =	sadd.s32 $0x1, s3;
	s0 =	sshll.u32 s31, $0x6;
	[sflag:s28] =	ssyncset.done $0x0  }
0xb5: {  	p0 =	sne.s32 s3, s13;
	s0 =	sor.u32 $0x1C05, s0;
	[sflag:s28] =	ssyncadd.s32 $0xFFFFE0C0  }
.Ltmp2:
0xb6: {  	s1 =	sshrl.u32 s5, $0x3;
	[bflag:$0x0] =	sbarrier.arrive $0xFFFF;
	(pc) =	sbr.rel @p0 .LBB2_1-.Ltmp2, $4  }
0xb7: {  	[hbm:s12@s20], [sflag:s0] =	dma.strided [spmem:s1@s22], $0x1388, s24, $0x8   }
0xb8: {  	_ =	swait.ge [sflag:s15], $0x1388  }
0xb9: {  	[sflag:s15] =	ssyncset.done $0x0  }
0xba: {  	[sflag:s15] =	ssyncadd.s32 $0xFFFFEC78  }
0xbb: {  	_ =	sfence.sel $0x180000  }
0xbc: {  	[bflag:$0x0] =	sbarrier.arrive $0xFFFF  }
0xbd: {  	_ =	strace $0x9000004A  }
0xbe: {  	s0 =	stileid.u32;
	[bflag:$0x2] =	sbarrier.arrive $0xFFFF  }
0xbf: {  	p0 =	sne.s32 s0, $0x0;
	s0 =	rddreg [dreg:$0x2]  }
0xc0: {  	s0 =	sadd.s32 @!p0 $0x100000, s0  }
0xc1: {  	[sflag:s0] =	ssyncadd.tile.s32 @!p0 $0x1;
	_ =	shalt  }
.Lfunc_end2:
_tile_overlayer_lowered:
.L_overlay_start_2:
0xc2: {  	(tag) =	ssettag $0x2  }
0xc3: {  	s0 =	rddreg [dreg:$0x0];
	s2 =	stileid.u32  }
0xc4: {  	s1 =	rddreg [dreg:$0x1];
	p0 =	sne.s32 s2, $0x0  }
0xc5: {  	s3 =	rddreg [dreg:$0x2];
	[bflag:$0x3] =	sbarrier.arrive $0xFFFF;
	s2 =	simm.s32 @!p0 $0x1C05  }
0xc6: {  	[timem:s3], [sflag:s2] =	dma.local @!p0 [hbm:s0], s1  }
0xc7: {  	s0 =	simm.s32 @!p0 $0x5  }
0xc8: {  	_ =	swait.ge @!p0 [sflag:s0], s1  }
0xc9: {  	s1 =	ssub.s32 @!p0 $0x0, s1;
	[sflag:s0] =	ssyncset.done @!p0 $0x0  }
0xca: {  	[sflag:s0] =	ssyncadd.s32 @!p0 s1  }
0xcb: {  	[bflag:$0x3] =	sbarrier.arrive $0xFFFF  }
0xcc: {  	_ =	shalt  }

// kernel: kernel.15.cloned.1.call-start
scs
__scs_entry_jumppad:
0x0: {  	(pc) =	sbr.rel $0x88, $3  }
0x1: {  	(tag) =	ssettag $0x0;
	lr =	simm.s32 $0x1  }
0x2: {  	[smem:$0x3F95] =	sst lr;
	_ =	strace $0xD0000000  }
0x3: {  	_ = 	snop  }
0x4: {  	_ = 	snop  }
0x5: {  	_ = 	snop  }
0x6: {  	_ = 	snop  }
0x7: {  	_ = 	snop  }
__scs_overlays_trampoline_lowered:
0x8: {  	[smem:$0x3FA4] =	sst s0  }
0x9: {  	[smem:$0x3FA5] =	sst s1  }
0xa: {  	[smem:$0x3FA6] =	sst s2  }
0xb: {  	[smem:$0x3FA7] =	sst s3  }
0xc: {  	[smem:$0x3FA8] =	sst s4  }
0xd: {  	[smem:$0x3FA9] =	sst s5  }
0xe: {  	[smem:$0x3FAA] =	sst s6  }
0xf: {  	[smem:$0x3FAB] =	sst s7  }
0x10: {  	[smem:$0x3FAC] =	sst s8  }
0x11: {  	[smem:$0x3FAD] =	sst s9;
	s0 =	simm.s32 @!p0 $0x0  }
0x12: {  	s1 =	sld [smem:$0x3F93];
	s0 =	simm.s32 @p0 $0x1  }
0x13: {  	[smem:$0x3FAE] =	sst s0;
	s0 =	simm.s32 @!p1 $0x0  }
0x14: {  	s2 =	sld [smem:$0x3F92];
	s0 =	simm.s32 @p1 $0x1  }
0x15: {  	[smem:$0x3FAF] =	sst s0;
	s0 =	simm.s32 @!p2 $0x0  }
0x16: {  	s3 =	sld [smem:$0x3FDB];
	s0 =	simm.s32 @p2 $0x1  }
0x17: {  	s4 =	simm.s32 $0x1BF5;
	[smem:$0x3FB1] =	sst s0  }
0x18: {  	s0 =	sld [smem:$0x3F94];
	_ =	swait.ge [sflag:s4], $0x0  }
0x19: {  	s7 =	sld [smem:$0x3F95]  }
0x1a: {  	s8 =	sadd.s32 $0xFFFFE003, lr  }
0x1b: {  	s9 =	sadd.s32 $0xFFFFFEF7, lr;
	s5 =	simm.s32 $0xFFFFFFFF;
	p2 =	slt.u32 s8, $0xFFFFF086  }
0x1c: {  	p1 =	slt.u32 s9, $0xF7A;
	s5 =	simm.s32 @!p2 $0x0  }
0x1d: {  	s5 =	simm.s32 @p1 $0x1;
	p0 =	seq.s32 s7, s2  }
0x1e: {  	s7 =	smul.u32 @!p0 $0xF7A, s2;
	p2 =	seq.s32 @!p0 s5, $0x0  }
0x1f: {  	s9 =	smul.u32 $0xF7A, s1;
	s8 =	simm.s32 @!p0 $0x1BF5;
	p2 =	por !p2, p0  }
0x20: {  	[sflag:s8] =	ssyncset.s32 @!p0 $0xFFFFF086;
	s6 =	sadd.s32 @!p0 s3, s7;
	s7 =	simm.s32 @!p0 $0x108  }
0x21: {  	s3 =	sadd.s32 s3, s9;
	s6 =	sadd.s32 @!p0 $0x88, s6;
	s7 =	simm.s32 @p2 $0x1082  }
0x22: {  	[simem:s7], [sflag:s8] =	dma.local @!p0 [hbm:s6], $0xF7A  }
0x23: {  	s9 =	sor.u32 $0xD0000000, s2;
	s6 =	simm.s32 $0x108;
	_ =	swait.ge @!p0 [sflag:s8], $0x0  }
0x24: {  	s3 =	sadd.s32 $0x88, s3;
	s6 =	simm.s32 @!p1 $0x1082;
	[sflag:s4] =	ssyncset.s32 $0xFFFFF086  }
0x25: {  	[simem:s6], [sflag:s4] =	dma.local [hbm:s3], $0xF7A  }
0x26: {  	[smem:$0x3F95] =	sst s1;
	(tag) =	ssettag s2;
	_ =	strace s9  }
0x27: {  	s1 =	sld [smem:$0x3FA5]  }
0x28: {  	s2 =	sld [smem:$0x3FA6]  }
0x29: {  	s4 =	sld [smem:$0x3FA8]  }
0x2a: {  	p0 =	seq.s32 s5, $0x0;
	s5 =	sld [smem:$0x3FA9]  }
0x2b: {  	s6 =	sld [smem:$0x3FAA]  }
0x2c: {  	s7 =	sld [smem:$0x3FAB]  }
0x2d: {  	s3 =	simm.s32 $0x108;
	s8 =	sld [smem:$0x3FAC]  }
0x2e: {  	s3 =	simm.s32 @!p0 $0x1082;
	s9 =	sld [smem:$0x3FAD]  }
0x2f: {  	lr =	sadd.s32 s0, s3;
	s0 =	sld [smem:$0x3FA4]  }
0x30: {  	s3 =	sld [smem:$0x3FA7]  }
0x31: {  	[smem:$0x3FB0] =	sst s10  }
0x32: {  	s10 =	sld [smem:$0x3FAE];
	_ =	sdelay $0x3  }
0x33: {  	p0 =	seq.s32 s10, $0x1;
	s10 =	sld [smem:$0x3FB0];
	_ =	sdelay $0x3  }
0x34: {  	[smem:$0x3FB0] =	sst s10  }
0x35: {  	s10 =	sld [smem:$0x3FAF];
	_ =	sdelay $0x3  }
0x36: {  	p1 =	seq.s32 s10, $0x1;
	s10 =	sld [smem:$0x3FB0];
	_ =	sdelay $0x3  }
0x37: {  	[smem:$0x3FB0] =	sst s10  }
0x38: {  	s10 =	sld [smem:$0x3FB1]  }
0x39: {  	_ = 	snop;
	(pc) =	sbr.ind lr, $3  }
0x3a: {  	_ = 	snop  }
0x3b: {  	_ = 	snop  }
0x3c: {  	p2 =	seq.s32 s10, $0x1;
	s10 =	sld [smem:$0x3FB0]  }
0x3d: {  	_ =	shalt  }
0x3e: {  	_ =	shalt  }
0x3f: {  	_ =	shalt  }
0x40: {  	_ =	shalt  }
0x41: {  	_ =	shalt  }
0x42: {  	_ =	shalt  }
0x43: {  	_ =	shalt  }
0x44: {  	_ =	shalt  }
0x45: {  	_ =	shalt  }
0x46: {  	_ =	shalt  }
0x47: {  	_ =	shalt  }
0x48: {  	_ =	shalt  }
0x49: {  	_ =	shalt  }
0x4a: {  	_ =	shalt  }
0x4b: {  	_ =	shalt  }
0x4c: {  	_ =	shalt  }
0x4d: {  	_ =	shalt  }
0x4e: {  	_ =	shalt  }
0x4f: {  	_ =	shalt  }
0x50: {  	_ =	shalt  }
0x51: {  	_ =	shalt  }
0x52: {  	_ =	shalt  }
0x53: {  	_ =	shalt  }
0x54: {  	_ =	shalt  }
0x55: {  	_ =	shalt  }
0x56: {  	_ =	shalt  }
0x57: {  	_ =	shalt  }
0x58: {  	_ =	shalt  }
0x59: {  	_ =	shalt  }
0x5a: {  	_ =	shalt  }
0x5b: {  	_ =	shalt  }
0x5c: {  	_ =	shalt  }
0x5d: {  	_ =	shalt  }
0x5e: {  	_ =	shalt  }
0x5f: {  	_ =	shalt  }
0x60: {  	_ =	shalt  }
0x61: {  	_ =	shalt  }
0x62: {  	_ =	shalt  }
0x63: {  	_ =	shalt  }
0x64: {  	_ =	shalt  }
0x65: {  	_ =	shalt  }
0x66: {  	_ =	shalt  }
0x67: {  	_ =	shalt  }
0x68: {  	_ =	shalt  }
0x69: {  	_ =	shalt  }
0x6a: {  	_ =	shalt  }
0x6b: {  	_ =	shalt  }
0x6c: {  	_ =	shalt  }
0x6d: {  	_ =	shalt  }
0x6e: {  	_ =	shalt  }
0x6f: {  	_ =	shalt  }
0x70: {  	_ =	shalt  }
0x71: {  	_ =	shalt  }
0x72: {  	_ =	shalt  }
0x73: {  	_ =	shalt  }
0x74: {  	_ =	shalt  }
0x75: {  	_ =	shalt  }
0x76: {  	_ =	shalt  }
0x77: {  	_ =	shalt  }
0x78: {  	_ =	shalt  }
0x79: {  	_ =	shalt  }
0x7a: {  	_ =	shalt  }
0x7b: {  	_ =	shalt  }
0x7c: {  	_ =	shalt  }
0x7d: {  	_ =	shalt  }
0x7e: {  	_ =	shalt  }
0x7f: {  	_ =	shalt  }
0x80: {  	_ =	shalt  }
0x81: {  	_ =	shalt  }
0x82: {  	_ =	shalt  }
0x83: {  	_ =	shalt  }
0x84: {  	_ =	shalt  }
0x85: {  	_ =	shalt  }
0x86: {  	_ =	shalt  }
0x87: {  	_ =	shalt  }
.Lfunc_end0:
.L_simem_size_0:
called_computation.2_lowered:
.L_overlay_start_0:
0x88: {  	s2 =	sld [smem:$0x3FD9]  }
0x89: {  	s3 =	sld [smem:$0x3FFE];
	_ =	sdelay $0x1  }
0x8a: {  	s1 =	srdreg.scid  }
0x8b: {  	s0 =	sand.u32 $0x1, s1  }
0x8c: {  	s16 =	sshll.u32 s0, $0xA;
	s2 =	sadd.s32 s3, s2  }
0x8d: {  	s2 =	sadd.s32 s2, s16  }
0x8e: {  	[smem:$0x3FBC] =	sst s2  }
0x8f: {  	_ = 	snop  }
0x90: {  	(tm) =	ssettm $0x1  }
0x91: {  	s17 =	sld [smem:$0x3FFB];
	_ =	sdelay $0x3  }
0x92: {  	_ =	strace s17  }
0x93: {  	s2 =	sld [smem:$0x3FFC];
	_ =	sdelay $0x3  }
0x94: {  	_ =	strace s2  }
0x95: {  	s2 =	sld [smem:$0x3FFD];
	_ =	sdelay $0x3  }
0x96: {  	_ =	strace s2  }
0x97: {  	_ =	strace $0x8FFFFFFF  }
0x98: {  	s18 =	sld [smem:$0x3FDB];
	_ =	sdelay $0x1  }
0x99: {  	s19 =	simm.s32 $_scs_section_size  }
0x9a: {  	s4 =	simm.s32 $_size__tile_overlayer_lowered;
	s5 =	simm.s32 $_tile_overlayer_lowered  }
0x9b: {  	s22 =	simm.s32 $0x1BFF;
	s21 =	sshll.u32 s5, $0x1;
	s2 =	sadd.s32 s19, s18  }
0x9c: {  	s6 =	simm.s32 $0x0;
	s20 =	sshll.u32 s4, $0x1;
	s4 =	sadd.s32 s21, s2  }
0x9d: {  	[timem:s6], [sflag:s22] =	dma.local [hbm:s4], s20  }
0x9e: {  	_ =	swait.ge [sflag:s22], s20  }
0x9f: {  	s3 =	ssub.s32 $0x0, s20;
	[sflag:s22] =	ssyncset.done $0x0  }
0xa0: {  	[sflag:s22] =	ssyncadd.s32 s3;
	_ =	sdelay $0x1  }
0xa1: {  	s23 =	simm.s32 $0x1B8B  }
0xa2: {  	_ =	swait.ge [sflag:s23], $0x1  }
0xa3: {  	[sflag:s23] =	ssyncset.done $0x0  }
0xa4: {  	s25 =	simm.s32 $0x1B8E;
	s24 =	sld [smem:$0x3FFE];
	[sflag:s23] =	ssyncadd.s32 $0xFFFFFFFF  }
0xa5: {  	s26 =	simm.s32 $execute0_lowered;
	[smem:$0x3FD2] =	sst s25  }
0xa6: {  	s4 =	sshll.u32 s26, $0x1;
	_ =	strace $0x8000004C;
	[dreg:$0x1] =	wrdreg $0xFFFFFFFF  }
0xa7: {  	s28 =	simm.s32 $_size_execute0_lowered;
	s2 =	sadd.s32 s2, s4;
	[dreg:$0x0] =	wrdreg $0x0  }
0xa8: {  	s4 =	sshll.u32 s28, $0x1;
	[dreg:$0x2] =	wrdreg s2  }
0xa9: {  	[dreg:$0x3] =	wrdreg s4  }
0xaa: {  	[dreg:$0x4] =	wrdreg $0xC0  }
0xab: {  	_ =	task [dreg:s6], $0x5FFFF  }
0xac: {  	[dreg:$0x1] =	wrdreg $0xFFFFFFFF  }
0xad: {  	[dreg:$0x0] =	wrdreg $0x60  }
0xae: {  	[dreg:$0x2] =	wrdreg s24  }
0xaf: {  	[dreg:$0x3] =	wrdreg $0x0  }
0xb0: {  	[dreg:$0x4] =	wrdreg $0x9  }
0xb1: {  	_ =	task.clear_ibuf [dreg:s6], $0x5FFFF;
	_ =	strace $0x9000004C  }
0xb2: {  	s29 =	simm.s32 $0x9;
	_ =	strace $0x8000004E  }
0xb3: {  	_ =	swait.ge [sflag:s29], $0x1  }
0xb4: {  	[sflag:s29] =	ssyncadd.s32 $0xFFFFFFFF  }
0xb5: {  	_ =	strace $0x9000004E  }
0xb6: {  	_ =	sfence  }
0xb7: {  	s30 =	sld [smem:$0x0];
	_ =	sdelay $0x2  }
0xb8: {  	s31 =	sshll.u32 s1, $0xD;
	s1 =	sshrl.u32 s1, $0x2  }
0xb9: {  	s3 =	sand.u32 $0x4000, s31;
	s1 =	sadd.s32 s1, s30  }
0xba: {  	s0 =	sor.u32 s3, s0;
	s1 =	sshll.u32 s1, $0x11  }
0xbb: {  	s0 =	sor.u32 s1, s0  }
0xbc: {  	s0 =	sadd.s32 $0x8F2B, s0  }
0xbd: {  	[sflag:s0] =	ssyncadd.remote.s32 $0x1  }
0xbe: {  	_ =	sfence.sel $0xFFFF  }
0xbf: {  	[dreg:$0x0] =	wrdreg $0xFFFFFFFF;
	(pc) =	sbr.abs _section_cstart, $3  }
0xc0: {  	[dreg:$0x1] =	wrdreg $0xFFFFFFFF  }
0xc1: {  	_ =	task.clear_ibuf [dreg:s6], $0x2FFFF;
	_ =	strace $0x9FFFFFFF  }
0xc2: {  	(tm) =	ssettm $0x7FFFFFFF  }
0xc3: {  	_ =	shalt  }
tec
execute0_lowered:
.L_overlay_start_1:
0x0: {  	(tag) =	ssettag $0x1  }
0x1: {  	s0 =	srdreg.scid;
	s1 =	rddreg [dreg:$0x0]  }
0x2: {  	s8 =	stileid.u32;
	s2 =	rddreg [dreg:$0x1]  }
0x3: {  	s14 =	simm.s32 $0x16940;
	s15 =	simm.s32 $0x5;
	s16 =	simm.s32 $0x9C40  }
0x4: {  	s18 =	simm.s32 $0x7D;
	s19 =	simm.s32 $0xEC40;
	s21 =	simm.s32 $0x10B80  }
0x5: {  	s23 =	simm.s32 $0x12AC0;
	s24 =	simm.s32 $0x1;
	s28 =	simm.s32 $0x3  }
0x6: {  	s29 =	simm.s32 $0x4;
	s30 =	simm.s32 $0xC3C0;
	s17 =	simm.s32 $0xEBC0  }
0x7: {  	s20 =	simm.s32 $0x10;
	s22 =	simm.s32 $0x8;
	s7 =	smul.u32 $0x13880, s8  }
0x8: {  	s0 =	sand.u32 $0x1, s0;
	s3 =	sshll.u32 s8, $0x1;
	s8 =	smul.u32 $0x27100, s8  }
0x9: {  	s4 =	sor.u32 s0, s3;
	s3 =	simm.s32 $0x0;
	s6 =	smul.u32 $0x138800, s0  }
0xa: {  	s0 =	ssub.s32 $0x2, s0;
	s5 =	smul.u32 $0x2800, s4;
	[smem:$0x7FF] =	sst s3  }
0xb: {  	s4 =	sadd.s32 $0x18200, s1;
	s26 =	sshrl.u32 s0, $0x1;
	s31 =	sshrl.u32 s8, $0x2  }
0xc: {  	_ =	strace $0x8000004D;
	s25 =	sadd.s32 s7, s6;
	s0 =	ssub.s32 s0, s26  }
0xd: {  	s26 =	simm.s32 $0x2;
	s5 =	sshrl.u32 s5, $0x3;
	s13 =	smax.u32 s0, $0x1  }
0xe: {  	s11 =	sadd.s32 s5, s1;
	s5 =	sshrl.u32 s25, $0x3;
	s25 =	simm.s32 $0x14A00  }
0xf: {  	s1 =	sadd.s32 s5, s1;
	s5 =	sadd.s32 s31, s2;
	s10 =	sadd.s32 $0x4200, s11  }
0x10: {  	s11 =	sadd.s32 $0xE200, s11;
	s6 =	sadd.s32 $0x1F40, s5;
	s7 =	sadd.s32 $0x3E80, s5  }
0x11: {  	v0 =	vimm.f32 $0.0e+00;
	s8 =	sadd.s32 $0x5DC0, s5;
	s9 =	sadd.s32 $0x7D00, s5;
	s12 =	sadd.s32 $0x3F400, s1  }
.LBB2_1:
0x12: {  	s31 =	simm.s32 $0x100;
	s1 =	simm.s32 $0x0  }
.LBB2_2:
0x13: {  	p0 =	sne.s32 s31, $0x7C00;
	[tilespmem:s1+$0x16970] =	vst v0;
	s0 =	smov.u32 s31;
	s31 =	sadd.s32 $0x100, s31  }
.Ltmp0:
0x14: {  	[tilespmem:s1+$0x16960] =	vst v0;
	(pc) =	sbr.rel @p0 .LBB2_2-.Ltmp0, $3  }
0x15: {  	[tilespmem:s1+$0x16940] =	vst v0  }
0x16: {  	[tilespmem:s1+$0x16950] =	vst v0;
	_ =	sdelay $0x1  }
0x17: {  	s1 =	sshra.s32 s0, $0x2  }
0x18: {  	[tilespmem:s1+$0x16970] =	vst v0  }
0x19: {  	[tilespmem:s1+$0x16960] =	vst v0  }
0x1a: {  	[tilespmem:s1+$0x16940] =	vst v0  }
0x1b: {  	[tilespmem:s1+$0x16950] =	vst v0  }
0x1c: {  	[spmem:s5] =	stream.linear.scatter [tilespmem:s14], [sflag:$0x5], $0x1F40, $0x38;
	[tilespmem:$0x18880] =	vst v63  }
0x1d: {  	_ =	swait.ge [sflag:s15], $0x1F40  }
0x1e: {  	[sflag:s15] =	ssyncset.done $0x0  }
0x1f: {  	[sflag:s15] =	ssyncadd.s32 $0xFFFFE0C0  }
0x20: {  	[spmem:s6] =	stream.linear.scatter [tilespmem:s14], [sflag:$0x5], $0x1F40, $0x38;
	[tilespmem:$0x18880] =	vst v63  }
0x21: {  	_ =	swait.ge [sflag:s15], $0x1F40  }
0x22: {  	[sflag:s15] =	ssyncset.done $0x0  }
0x23: {  	[sflag:s15] =	ssyncadd.s32 $0xFFFFE0C0  }
0x24: {  	[spmem:s7] =	stream.linear.scatter [tilespmem:s14], [sflag:$0x5], $0x1F40, $0x38;
	[tilespmem:$0x18880] =	vst v63  }
0x25: {  	_ =	swait.ge [sflag:s15], $0x1F40  }
0x26: {  	[sflag:s15] =	ssyncset.done $0x0  }
0x27: {  	[sflag:s15] =	ssyncadd.s32 $0xFFFFE0C0  }
0x28: {  	[spmem:s8] =	stream.linear.scatter [tilespmem:s14], [sflag:$0x5], $0x1F40, $0x38;
	[tilespmem:$0x18880] =	vst v63  }
0x29: {  	_ =	swait.ge [sflag:s15], $0x1F40  }
0x2a: {  	[sflag:s15] =	ssyncset.done $0x0  }
0x2b: {  	[sflag:s15] =	ssyncadd.s32 $0xFFFFE0C0  }
0x2c: {  	[spmem:s9] =	stream.linear.scatter [tilespmem:s14], [sflag:$0x5], $0x1F40, $0x38;
	[tilespmem:$0x18880] =	vst v63  }
0x2d: {  	_ =	swait.ge [sflag:s15], $0x1F40  }
0x2e: {  	[sflag:s15] =	ssyncset.done $0x0  }
0x2f: {  	[sflag:s15] =	ssyncadd.s32 $0xFFFFE0C0  }
0x30: {  	s0 =	simm.s32 $0x0;
	[bflag:$0x0] =	sbarrier.arrive $0xFFFF  }
0x31: {  	[tilespmem:s16], [sflag:$0x5] =	stream.linear.gather [hbm4b:s10+s0], $0x2800, $0x38;
	[tilespmem:$0x18880] =	vst v63  }
0x32: {  	_ =	swait.ge [sflag:s15], $0x2800  }
0x33: {  	[sflag:s15] =	ssyncset.done $0x0  }
0x34: {  	s1 =	simm.s32 $0xC440;
	[sflag:s15] =	ssyncadd.s32 $0xFFFFD800  }
0x35: {  	[tilespmem:s1], [sflag:$0x5] =	stream.linear.gather [hbm4b:s11+s0], $0x2800, $0x38;
	[tilespmem:$0x18880] =	vst v63  }
0x36: {  	_ =	swait.ge [sflag:s15], $0x2800  }
0x37: {  	[sflag:s15] =	ssyncset.done $0x0  }
0x38: {  	[sflag:s15] =	ssyncadd.s32 $0xFFFFD800  }
0x39: {  	[tilespmem:s19], [sflag:$0x1] =	stream.indirect.gather [hbm4b:s4+s18], $0x40, s16, s18, $0xb8;
	[tilespmem:$0x18880] =	vst v63  }
0x3a: {  	s1 =	simm.s32 $0x9CC0  }
0x3b: {  	[tilespmem:s21], [sflag:$0x2] =	stream.indirect.gather [hbm4b:s4+s18], $0x40, s1, s18, $0xb8;
	[tilespmem:$0x18880] =	vst v63  }
0x3c: {  	s1 =	simm.s32 $0x9D40  }
0x3d: {  	[tilespmem:s23], [sflag:$0x3] =	stream.indirect.gather [hbm4b:s4+s18], $0x40, s1, s18, $0xb8;
	[tilespmem:$0x18880] =	vst v63  }
0x3e: {  	_ =	swait.ge [sflag:s24], $0x1F40  }
0x3f: {  	[sflag:s24] =	ssyncset.done $0x0  }
0x40: {  	s1 =	simm.s32 $0x9DC0;
	[sflag:s24] =	ssyncadd.s32 $0xFFFFE0C0  }
0x41: {  	[tilespmem:s25], [sflag:$0x4] =	stream.indirect.gather [hbm4b:s4+s18], $0x40, s1, s18, $0xb8;
	[tilespmem:$0x18880] =	vst v63  }
0x42: {  	s1 =	simm.s32 $0xC440  }
0x43: {  	[spmem:s2] =	stream.indirect.scatter.add.f32 [tilespmem:s19], [sflag:$0x5], $0x40, s1, s18, $0xb8;
	[tilespmem:$0x18880] =	vst v63  }
0x44: {  	_ =	swait.ge [sflag:s15], $0x1F40  }
0x45: {  	[sflag:s15] =	ssyncset.done $0x0  }
0x46: {  	[sflag:s15] =	ssyncadd.s32 $0xFFFFE0C0  }
0x47: {  	_ =	swait.ge [sflag:s26], $0x1F40  }
0x48: {  	[sflag:s26] =	ssyncset.done $0x0  }
0x49: {  	s1 =	simm.s32 $0x9E40;
	[sflag:s26] =	ssyncadd.s32 $0xFFFFE0C0  }
0x4a: {  	[tilespmem:s19], [sflag:$0x1] =	stream.indirect.gather [hbm4b:s4+s18], $0x40, s1, s18, $0xb8;
	[tilespmem:$0x18880] =	vst v63  }
0x4b: {  	s1 =	simm.s32 $0xC4C0  }
0x4c: {  	[spmem:s2] =	stream.indirect.scatter.add.f32 [tilespmem:s21], [sflag:$0x5], $0x40, s1, s18, $0xb8;
	[tilespmem:$0x18880] =	vst v63  }
0x4d: {  	_ =	swait.ge [sflag:s15], $0x1F40  }
0x4e: {  	[sflag:s15] =	ssyncset.done $0x0  }
0x4f: {  	[sflag:s15] =	ssyncadd.s32 $0xFFFFE0C0  }
0x50: {  	_ =	swait.ge [sflag:s28], $0x1F40  }
0x51: {  	[sflag:s28] =	ssyncset.done $0x0  }
0x52: {  	s1 =	simm.s32 $0x9EC0;
	[sflag:s28] =	ssyncadd.s32 $0xFFFFE0C0  }
0x53: {  	[tilespmem:s21], [sflag:$0x2] =	stream.indirect.gather [hbm4b:s4+s18], $0x40, s1, s18, $0xb8;
	[tilespmem:$0x18880] =	vst v63  }
0x54: {  	s1 =	simm.s32 $0xC540  }
0x55: {  	[spmem:s2] =	stream.indirect.scatter.add.f32 [tilespmem:s23], [sflag:$0x5], $0x40, s1, s18, $0xb8;
	[tilespmem:$0x18880] =	vst v63  }
0x56: {  	_ =	swait.ge [sflag:s15], $0x1F40  }
0x57: {  	[sflag:s15] =	ssyncset.done $0x0  }
0x58: {  	[sflag:s15] =	ssyncadd.s32 $0xFFFFE0C0  }
0x59: {  	_ =	swait.ge [sflag:s29], $0x1F40  }
0x5a: {  	[sflag:s29] =	ssyncset.done $0x0  }
0x5b: {  	s1 =	simm.s32 $0x9F40;
	[sflag:s29] =	ssyncadd.s32 $0xFFFFE0C0  }
0x5c: {  	[tilespmem:s23], [sflag:$0x3] =	stream.indirect.gather [hbm4b:s4+s18], $0x40, s1, s18, $0xb8;
	[tilespmem:$0x18880] =	vst v63  }
0x5d: {  	s1 =	simm.s32 $0xC5C0  }
0x5e: {  	[spmem:s2] =	stream.indirect.scatter.add.f32 [tilespmem:s25], [sflag:$0x5], $0x40, s1, s18, $0xb8;
	[tilespmem:$0x18880] =	vst v63  }
0x5f: {  	_ =	swait.ge [sflag:s15], $0x1F40  }
0x60: {  	s31 =	simm.s32 $0x800;
	[sflag:s15] =	ssyncset.done $0x0  }
.LBB2_4:
0x61: {  	p0 =	sne.s32 s31, $0x9000  }
0x62: {  	[sflag:s15] =	ssyncadd.s32 $0xFFFFE0C0;
	s0 =	smov.u32 s31;
	s31 =	sadd.s32 $0x800, s31  }
0x63: {  	_ = 	snop  }
0x64: {  	_ =	swait.ge [sflag:s24], $0x1F40  }
0x65: {  	s1 =	sshra.s32 s0, $0x2;
	[sflag:s24] =	ssyncset.done $0x0  }
0x66: {  	s0 =	sadd.s32 $0x9DC0, s1;
	[sflag:s24] =	ssyncadd.s32 $0xFFFFE0C0  }
0x67: {  	[tilespmem:s25], [sflag:$0x4] =	stream.indirect.gather [hbm4b:s4+s18], $0x40, s0, s18, $0xb8;
	[tilespmem:$0x18880] =	vst v63  }
0x68: {  	s0 =	sadd.s32 $0xC440, s1  }
0x69: {  	[spmem:s2] =	stream.indirect.scatter.add.f32 [tilespmem:s19], [sflag:$0x5], $0x40, s0, s18, $0xb8;
	[tilespmem:$0x18880] =	vst v63  }
0x6a: {  	_ =	swait.ge [sflag:s15], $0x1F40  }
0x6b: {  	[sflag:s15] =	ssyncset.done $0x0  }
0x6c: {  	[sflag:s15] =	ssyncadd.s32 $0xFFFFE0C0  }
0x6d: {  	_ =	swait.ge [sflag:s26], $0x1F40  }
0x6e: {  	[sflag:s26] =	ssyncset.done $0x0  }
0x6f: {  	s0 =	sadd.s32 $0x9E40, s1;
	[sflag:s26] =	ssyncadd.s32 $0xFFFFE0C0  }
0x70: {  	[tilespmem:s19], [sflag:$0x1] =	stream.indirect.gather [hbm4b:s4+s18], $0x40, s0, s18, $0xb8;
	[tilespmem:$0x18880] =	vst v63  }
0x71: {  	s0 =	sadd.s32 $0xC4C0, s1  }
0x72: {  	[spmem:s2] =	stream.indirect.scatter.add.f32 [tilespmem:s21], [sflag:$0x5], $0x40, s0, s18, $0xb8;
	[tilespmem:$0x18880] =	vst v63  }
0x73: {  	_ =	swait.ge [sflag:s15], $0x1F40  }
0x74: {  	[sflag:s15] =	ssyncset.done $0x0  }
0x75: {  	[sflag:s15] =	ssyncadd.s32 $0xFFFFE0C0  }
0x76: {  	_ =	swait.ge [sflag:s28], $0x1F40  }
0x77: {  	[sflag:s28] =	ssyncset.done $0x0  }
0x78: {  	s0 =	sadd.s32 $0x9EC0, s1;
	[sflag:s28] =	ssyncadd.s32 $0xFFFFE0C0  }
0x79: {  	[tilespmem:s21], [sflag:$0x2] =	stream.indirect.gather [hbm4b:s4+s18], $0x40, s0, s18, $0xb8;
	[tilespmem:$0x18880] =	vst v63  }
0x7a: {  	s0 =	sadd.s32 $0xC540, s1  }
0x7b: {  	[spmem:s2] =	stream.indirect.scatter.add.f32 [tilespmem:s23], [sflag:$0x5], $0x40, s0, s18, $0xb8;
	[tilespmem:$0x18880] =	vst v63  }
0x7c: {  	_ =	swait.ge [sflag:s15], $0x1F40  }
0x7d: {  	[sflag:s15] =	ssyncset.done $0x0  }
0x7e: {  	[sflag:s15] =	ssyncadd.s32 $0xFFFFE0C0  }
0x7f: {  	_ =	swait.ge [sflag:s29], $0x1F40  }
0x80: {  	[sflag:s29] =	ssyncset.done $0x0  }
0x81: {  	s0 =	sadd.s32 $0x9F40, s1;
	[sflag:s29] =	ssyncadd.s32 $0xFFFFE0C0  }
0x82: {  	[tilespmem:s23], [sflag:$0x3] =	stream.indirect.gather [hbm4b:s4+s18], $0x40, s0, s18, $0xb8;
	[tilespmem:$0x18880] =	vst v63  }
.Ltmp1:
0x83: {  	_ = 	snop;
	(pc) =	sbr.rel @p0 .LBB2_4-.Ltmp1, $4  }
0x84: {  	s0 =	sadd.s32 $0xC5C0, s1  }
0x85: {  	[spmem:s2] =	stream.indirect.scatter.add.f32 [tilespmem:s25], [sflag:$0x5], $0x40, s0, s18, $0xb8;
	[tilespmem:$0x18880] =	vst v63  }
0x86: {  	_ =	swait.ge [sflag:s15], $0x1F40  }
0x87: {  	[sflag:s15] =	ssyncset.done $0x0  }
0x88: {  	[sflag:s15] =	ssyncadd.s32 $0xFFFFE0C0  }
0x89: {  	_ =	swait.ge [sflag:s24], $0x1F40  }
0x8a: {  	[sflag:s24] =	ssyncset.done $0x0  }
0x8b: {  	[sflag:s24] =	ssyncadd.s32 $0xFFFFE0C0  }
0x8c: {  	[tilespmem:s25], [sflag:$0x4] =	stream.indirect.gather [hbm4b:s4+s18], $0x40, s30, s18, $0xb8;
	[tilespmem:$0x18880] =	vst v63  }
0x8d: {  	s0 =	simm.s32 $0xEA40  }
0x8e: {  	[spmem:s2] =	stream.indirect.scatter.add.f32 [tilespmem:s19], [sflag:$0x5], $0x40, s0, s18, $0xb8;
	[tilespmem:$0x18880] =	vst v63  }
0x8f: {  	_ =	swait.ge [sflag:s15], $0x1F40  }
0x90: {  	[sflag:s15] =	ssyncset.done $0x0  }
0x91: {  	[sflag:s15] =	ssyncadd.s32 $0xFFFFE0C0  }
0x92: {  	_ =	swait.ge [sflag:s26], $0x1F40  }
0x93: {  	[sflag:s26] =	ssyncset.done $0x0  }
0x94: {  	[sflag:s26] =	ssyncadd.s32 $0xFFFFE0C0  }
0x95: {  	[tilespmem:s19], [sflag:$0x1] =	stream.indirect.gather [hbm4b:s4+s18], $0x40, s30, s18, $0xb8;
	[tilespmem:$0x18880] =	vst v63  }
0x96: {  	s31 =	simm.s32 $0xEAC0  }
0x97: {  	[spmem:s2] =	stream.indirect.scatter.add.f32 [tilespmem:s21], [sflag:$0x5], $0x40, s31, s18, $0xb8;
	[tilespmem:$0x18880] =	vst v63  }
0x98: {  	_ =	swait.ge [sflag:s15], $0x1F40  }
0x99: {  	[sflag:s15] =	ssyncset.done $0x0  }
0x9a: {  	[sflag:s15] =	ssyncadd.s32 $0xFFFFE0C0  }
0x9b: {  	_ =	swait.ge [sflag:s28], $0x1F40  }
0x9c: {  	[sflag:s28] =	ssyncset.done $0x0  }
0x9d: {  	[sflag:s28] =	ssyncadd.s32 $0xFFFFE0C0  }
0x9e: {  	[tilespmem:s21], [sflag:$0x2] =	stream.indirect.gather [hbm4b:s4+s18], $0x40, s30, s18, $0xb8;
	[tilespmem:$0x18880] =	vst v63  }
0x9f: {  	s1 =	simm.s32 $0xEB40  }
0xa0: {  	[spmem:s2] =	stream.indirect.scatter.add.f32 [tilespmem:s23], [sflag:$0x5], $0x40, s1, s18, $0xb8;
	[tilespmem:$0x18880] =	vst v63  }
0xa1: {  	_ =	swait.ge [sflag:s15], $0x1F40  }
0xa2: {  	[sflag:s15] =	ssyncset.done $0x0  }
0xa3: {  	[sflag:s15] =	ssyncadd.s32 $0xFFFFE0C0  }
0xa4: {  	_ =	swait.ge [sflag:s29], $0x1F40  }
0xa5: {  	[sflag:s29] =	ssyncset.done $0x0  }
0xa6: {  	[sflag:s29] =	ssyncadd.s32 $0xFFFFE0C0  }
0xa7: {  	[tilespmem:s23], [sflag:$0x3] =	stream.indirect.gather [hbm4b:s4+s18], $0x40, s30, s18, $0xb8;
	[tilespmem:$0x18880] =	vst v63  }
0xa8: {  	_ = 	snop  }
0xa9: {  	[spmem:s2] =	stream.indirect.scatter.add.f32 [tilespmem:s25], [sflag:$0x5], $0x40, s17, s18, $0xb8;
	[tilespmem:$0x18880] =	vst v63  }
0xaa: {  	_ =	swait.ge [sflag:s15], $0x1F40  }
0xab: {  	[sflag:s15] =	ssyncset.done $0x0  }
0xac: {  	[sflag:s15] =	ssyncadd.s32 $0xFFFFE0C0  }
0xad: {  	_ =	swait.ge [sflag:s24], $0x1F40  }
0xae: {  	[sflag:s24] =	ssyncset.done $0x0  }
0xaf: {  	[sflag:s24] =	ssyncadd.s32 $0xFFFFE0C0  }
0xb0: {  	_ =	swait.ge [sflag:s26], $0x1F40  }
0xb1: {  	[sflag:s26] =	ssyncset.done $0x0  }
0xb2: {  	[sflag:s26] =	ssyncadd.s32 $0xFFFFE0C0  }
0xb3: {  	s31 =	stileid.u32;
	_ =	swait.ge [sflag:s28], $0x1F40  }
0xb4: {  	s3 =	sadd.s32 $0x1, s3;
	s0 =	sshll.u32 s31, $0x6;
	[sflag:s28] =	ssyncset.done $0x0  }
0xb5: {  	p0 =	sne.s32 s3, s13;
	s0 =	sor.u32 $0x1C05, s0;
	[sflag:s28] =	ssyncadd.s32 $0xFFFFE0C0  }
.Ltmp2:
0xb6: {  	s1 =	sshrl.u32 s5, $0x3;
	[bflag:$0x0] =	sbarrier.arrive $0xFFFF;
	(pc) =	sbr.rel @p0 .LBB2_1-.Ltmp2, $4  }
0xb7: {  	[hbm:s12@s20], [sflag:s0] =	dma.strided [spmem:s1@s22], $0x1388, s24, $0x8   }
0xb8: {  	_ =	swait.ge [sflag:s15], $0x1388  }
0xb9: {  	[sflag:s15] =	ssyncset.done $0x0  }
0xba: {  	[sflag:s15] =	ssyncadd.s32 $0xFFFFEC78  }
0xbb: {  	_ =	sfence.sel $0x180000  }
0xbc: {  	[bflag:$0x0] =	sbarrier.arrive $0xFFFF  }
0xbd: {  	_ =	strace $0x9000004D  }
0xbe: {  	s0 =	stileid.u32;
	[bflag:$0x2] =	sbarrier.arrive $0xFFFF  }
0xbf: {  	p0 =	sne.s32 s0, $0x0;
	s0 =	rddreg [dreg:$0x2]  }
0xc0: {  	s0 =	sadd.s32 @!p0 $0x100000, s0  }
0xc1: {  	[sflag:s0] =	ssyncadd.tile.s32 @!p0 $0x1;
	_ =	shalt  }
.Lfunc_end2:
_tile_overlayer_lowered:
.L_overlay_start_2:
0xc2: {  	(tag) =	ssettag $0x2  }
0xc3: {  	s0 =	rddreg [dreg:$0x0];
	s2 =	stileid.u32  }
0xc4: {  	s1 =	rddreg [dreg:$0x1];
	p0 =	sne.s32 s2, $0x0  }
0xc5: {  	s3 =	rddreg [dreg:$0x2];
	[bflag:$0x3] =	sbarrier.arrive $0xFFFF;
	s2 =	simm.s32 @!p0 $0x1C05  }
0xc6: {  	[timem:s3], [sflag:s2] =	dma.local @!p0 [hbm:s0], s1  }
0xc7: {  	s0 =	simm.s32 @!p0 $0x5  }
0xc8: {  	_ =	swait.ge @!p0 [sflag:s0], s1  }
0xc9: {  	s1 =	ssub.s32 @!p0 $0x0, s1;
	[sflag:s0] =	ssyncset.done @!p0 $0x0  }
0xca: {  	[sflag:s0] =	ssyncadd.s32 @!p0 s1  }
0xcb: {  	[bflag:$0x3] =	sbarrier.arrive $0xFFFF  }
0xcc: {  	_ =	shalt  }

// kernel: kernel.9.cloned.1.call-start
scs
__scs_entry_jumppad:
0x0: {  	(pc) =	sbr.rel $0x88, $3  }
0x1: {  	(tag) =	ssettag $0x0;
	lr =	simm.s32 $0x1  }
0x2: {  	[smem:$0x3F95] =	sst lr;
	_ =	strace $0xD0000000  }
0x3: {  	_ = 	snop  }
0x4: {  	_ = 	snop  }
0x5: {  	_ = 	snop  }
0x6: {  	_ = 	snop  }
0x7: {  	_ = 	snop  }
__scs_overlays_trampoline_lowered:
0x8: {  	[smem:$0x3FA4] =	sst s0  }
0x9: {  	[smem:$0x3FA5] =	sst s1  }
0xa: {  	[smem:$0x3FA6] =	sst s2  }
0xb: {  	[smem:$0x3FA7] =	sst s3  }
0xc: {  	[smem:$0x3FA8] =	sst s4  }
0xd: {  	[smem:$0x3FA9] =	sst s5  }
0xe: {  	[smem:$0x3FAA] =	sst s6  }
0xf: {  	[smem:$0x3FAB] =	sst s7  }
0x10: {  	[smem:$0x3FAC] =	sst s8  }
0x11: {  	[smem:$0x3FAD] =	sst s9;
	s0 =	simm.s32 @!p0 $0x0  }
0x12: {  	s1 =	sld [smem:$0x3F93];
	s0 =	simm.s32 @p0 $0x1  }
0x13: {  	[smem:$0x3FAE] =	sst s0;
	s0 =	simm.s32 @!p1 $0x0  }
0x14: {  	s2 =	sld [smem:$0x3F92];
	s0 =	simm.s32 @p1 $0x1  }
0x15: {  	[smem:$0x3FAF] =	sst s0;
	s0 =	simm.s32 @!p2 $0x0  }
0x16: {  	s3 =	sld [smem:$0x3FDB];
	s0 =	simm.s32 @p2 $0x1  }
0x17: {  	s4 =	simm.s32 $0x1BF5;
	[smem:$0x3FB1] =	sst s0  }
0x18: {  	s0 =	sld [smem:$0x3F94];
	_ =	swait.ge [sflag:s4], $0x0  }
0x19: {  	s7 =	sld [smem:$0x3F95]  }
0x1a: {  	s8 =	sadd.s32 $0xFFFFE003, lr  }
0x1b: {  	s9 =	sadd.s32 $0xFFFFFEF7, lr;
	s5 =	simm.s32 $0xFFFFFFFF;
	p2 =	slt.u32 s8, $0xFFFFF086  }
0x1c: {  	p1 =	slt.u32 s9, $0xF7A;
	s5 =	simm.s32 @!p2 $0x0  }
0x1d: {  	s5 =	simm.s32 @p1 $0x1;
	p0 =	seq.s32 s7, s2  }
0x1e: {  	s7 =	smul.u32 @!p0 $0xF7A, s2;
	p2 =	seq.s32 @!p0 s5, $0x0  }
0x1f: {  	s9 =	smul.u32 $0xF7A, s1;
	s8 =	simm.s32 @!p0 $0x1BF5;
	p2 =	por !p2, p0  }
0x20: {  	[sflag:s8] =	ssyncset.s32 @!p0 $0xFFFFF086;
	s6 =	sadd.s32 @!p0 s3, s7;
	s7 =	simm.s32 @!p0 $0x108  }
0x21: {  	s3 =	sadd.s32 s3, s9;
	s6 =	sadd.s32 @!p0 $0x88, s6;
	s7 =	simm.s32 @p2 $0x1082  }
0x22: {  	[simem:s7], [sflag:s8] =	dma.local @!p0 [hbm:s6], $0xF7A  }
0x23: {  	s9 =	sor.u32 $0xD0000000, s2;
	s6 =	simm.s32 $0x108;
	_ =	swait.ge @!p0 [sflag:s8], $0x0  }
0x24: {  	s3 =	sadd.s32 $0x88, s3;
	s6 =	simm.s32 @!p1 $0x1082;
	[sflag:s4] =	ssyncset.s32 $0xFFFFF086  }
0x25: {  	[simem:s6], [sflag:s4] =	dma.local [hbm:s3], $0xF7A  }
0x26: {  	[smem:$0x3F95] =	sst s1;
	(tag) =	ssettag s2;
	_ =	strace s9  }
0x27: {  	s1 =	sld [smem:$0x3FA5]  }
0x28: {  	s2 =	sld [smem:$0x3FA6]  }
0x29: {  	s4 =	sld [smem:$0x3FA8]  }
0x2a: {  	p0 =	seq.s32 s5, $0x0;
	s5 =	sld [smem:$0x3FA9]  }
0x2b: {  	s6 =	sld [smem:$0x3FAA]  }
0x2c: {  	s7 =	sld [smem:$0x3FAB]  }
0x2d: {  	s3 =	simm.s32 $0x108;
	s8 =	sld [smem:$0x3FAC]  }
0x2e: {  	s3 =	simm.s32 @!p0 $0x1082;
	s9 =	sld [smem:$0x3FAD]  }
0x2f: {  	lr =	sadd.s32 s0, s3;
	s0 =	sld [smem:$0x3FA4]  }
0x30: {  	s3 =	sld [smem:$0x3FA7]  }
0x31: {  	[smem:$0x3FB0] =	sst s10  }
0x32: {  	s10 =	sld [smem:$0x3FAE];
	_ =	sdelay $0x3  }
0x33: {  	p0 =	seq.s32 s10, $0x1;
	s10 =	sld [smem:$0x3FB0];
	_ =	sdelay $0x3  }
0x34: {  	[smem:$0x3FB0] =	sst s10  }
0x35: {  	s10 =	sld [smem:$0x3FAF];
	_ =	sdelay $0x3  }
0x36: {  	p1 =	seq.s32 s10, $0x1;
	s10 =	sld [smem:$0x3FB0];
	_ =	sdelay $0x3  }
0x37: {  	[smem:$0x3FB0] =	sst s10  }
0x38: {  	s10 =	sld [smem:$0x3FB1]  }
0x39: {  	_ = 	snop;
	(pc) =	sbr.ind lr, $3  }
0x3a: {  	_ = 	snop  }
0x3b: {  	_ = 	snop  }
0x3c: {  	p2 =	seq.s32 s10, $0x1;
	s10 =	sld [smem:$0x3FB0]  }
0x3d: {  	_ =	shalt  }
0x3e: {  	_ =	shalt  }
0x3f: {  	_ =	shalt  }
0x40: {  	_ =	shalt  }
0x41: {  	_ =	shalt  }
0x42: {  	_ =	shalt  }
0x43: {  	_ =	shalt  }
0x44: {  	_ =	shalt  }
0x45: {  	_ =	shalt  }
0x46: {  	_ =	shalt  }
0x47: {  	_ =	shalt  }
0x48: {  	_ =	shalt  }
0x49: {  	_ =	shalt  }
0x4a: {  	_ =	shalt  }
0x4b: {  	_ =	shalt  }
0x4c: {  	_ =	shalt  }
0x4d: {  	_ =	shalt  }
0x4e: {  	_ =	shalt  }
0x4f: {  	_ =	shalt  }
0x50: {  	_ =	shalt  }
0x51: {  	_ =	shalt  }
0x52: {  	_ =	shalt  }
0x53: {  	_ =	shalt  }
0x54: {  	_ =	shalt  }
0x55: {  	_ =	shalt  }
0x56: {  	_ =	shalt  }
0x57: {  	_ =	shalt  }
0x58: {  	_ =	shalt  }
0x59: {  	_ =	shalt  }
0x5a: {  	_ =	shalt  }
0x5b: {  	_ =	shalt  }
0x5c: {  	_ =	shalt  }
0x5d: {  	_ =	shalt  }
0x5e: {  	_ =	shalt  }
0x5f: {  	_ =	shalt  }
0x60: {  	_ =	shalt  }
0x61: {  	_ =	shalt  }
0x62: {  	_ =	shalt  }
0x63: {  	_ =	shalt  }
0x64: {  	_ =	shalt  }
0x65: {  	_ =	shalt  }
0x66: {  	_ =	shalt  }
0x67: {  	_ =	shalt  }
0x68: {  	_ =	shalt  }
0x69: {  	_ =	shalt  }
0x6a: {  	_ =	shalt  }
0x6b: {  	_ =	shalt  }
0x6c: {  	_ =	shalt  }
0x6d: {  	_ =	shalt  }
0x6e: {  	_ =	shalt  }
0x6f: {  	_ =	shalt  }
0x70: {  	_ =	shalt  }
0x71: {  	_ =	shalt  }
0x72: {  	_ =	shalt  }
0x73: {  	_ =	shalt  }
0x74: {  	_ =	shalt  }
0x75: {  	_ =	shalt  }
0x76: {  	_ =	shalt  }
0x77: {  	_ =	shalt  }
0x78: {  	_ =	shalt  }
0x79: {  	_ =	shalt  }
0x7a: {  	_ =	shalt  }
0x7b: {  	_ =	shalt  }
0x7c: {  	_ =	shalt  }
0x7d: {  	_ =	shalt  }
0x7e: {  	_ =	shalt  }
0x7f: {  	_ =	shalt  }
0x80: {  	_ =	shalt  }
0x81: {  	_ =	shalt  }
0x82: {  	_ =	shalt  }
0x83: {  	_ =	shalt  }
0x84: {  	_ =	shalt  }
0x85: {  	_ =	shalt  }
0x86: {  	_ =	shalt  }
0x87: {  	_ =	shalt  }
.Lfunc_end0:
.L_simem_size_0:
called_computation_lowered:
.L_overlay_start_0:
0x88: {  	s2 =	sld [smem:$0x3FD9]  }
0x89: {  	s3 =	sld [smem:$0x3FFE];
	_ =	sdelay $0x1  }
0x8a: {  	s1 =	srdreg.scid  }
0x8b: {  	s0 =	sand.u32 $0x1, s1  }
0x8c: {  	s16 =	sshll.u32 s0, $0xA;
	s2 =	sadd.s32 s3, s2  }
0x8d: {  	s2 =	sadd.s32 s2, s16  }
0x8e: {  	[smem:$0x3FBC] =	sst s2  }
0x8f: {  	_ = 	snop  }
0x90: {  	(tm) =	ssettm $0x1  }
0x91: {  	s17 =	sld [smem:$0x3FFB];
	_ =	sdelay $0x3  }
0x92: {  	_ =	strace s17  }
0x93: {  	s2 =	sld [smem:$0x3FFC];
	_ =	sdelay $0x3  }
0x94: {  	_ =	strace s2  }
0x95: {  	s2 =	sld [smem:$0x3FFD];
	_ =	sdelay $0x3  }
0x96: {  	_ =	strace s2  }
0x97: {  	_ =	strace $0x8FFFFFFF  }
0x98: {  	s18 =	sld [smem:$0x3FDB];
	_ =	sdelay $0x1  }
0x99: {  	s19 =	simm.s32 $_scs_section_size  }
0x9a: {  	s4 =	simm.s32 $_size__tile_overlayer_lowered;
	s5 =	simm.s32 $_tile_overlayer_lowered  }
0x9b: {  	s22 =	simm.s32 $0x1BFF;
	s21 =	sshll.u32 s5, $0x1;
	s2 =	sadd.s32 s19, s18  }
0x9c: {  	s6 =	simm.s32 $0x0;
	s20 =	sshll.u32 s4, $0x1;
	s4 =	sadd.s32 s21, s2  }
0x9d: {  	[timem:s6], [sflag:s22] =	dma.local [hbm:s4], s20  }
0x9e: {  	_ =	swait.ge [sflag:s22], s20  }
0x9f: {  	s3 =	ssub.s32 $0x0, s20;
	[sflag:s22] =	ssyncset.done $0x0  }
0xa0: {  	[sflag:s22] =	ssyncadd.s32 s3;
	_ =	sdelay $0x1  }
0xa1: {  	s23 =	simm.s32 $0x1B8B  }
0xa2: {  	_ =	swait.ge [sflag:s23], $0x1  }
0xa3: {  	[sflag:s23] =	ssyncset.done $0x0  }
0xa4: {  	s25 =	simm.s32 $0x1B8E;
	s24 =	sld [smem:$0x3FFE];
	[sflag:s23] =	ssyncadd.s32 $0xFFFFFFFF  }
0xa5: {  	s26 =	simm.s32 $execute0_lowered;
	[smem:$0x3FD2] =	sst s25  }
0xa6: {  	s4 =	sshll.u32 s26, $0x1;
	_ =	strace $0x80000046;
	[dreg:$0x1] =	wrdreg $0xFFFFFFFF  }
0xa7: {  	s28 =	simm.s32 $_size_execute0_lowered;
	s2 =	sadd.s32 s2, s4;
	[dreg:$0x0] =	wrdreg $0x0  }
0xa8: {  	s4 =	sshll.u32 s28, $0x1;
	[dreg:$0x2] =	wrdreg s2  }
0xa9: {  	[dreg:$0x3] =	wrdreg s4  }
0xaa: {  	[dreg:$0x4] =	wrdreg $0xC0  }
0xab: {  	_ =	task [dreg:s6], $0x5FFFF  }
0xac: {  	[dreg:$0x1] =	wrdreg $0xFFFFFFFF  }
0xad: {  	[dreg:$0x0] =	wrdreg $0x60  }
0xae: {  	[dreg:$0x2] =	wrdreg s24  }
0xaf: {  	[dreg:$0x3] =	wrdreg $0x0  }
0xb0: {  	[dreg:$0x4] =	wrdreg $0x9  }
0xb1: {  	_ =	task.clear_ibuf [dreg:s6], $0x5FFFF;
	_ =	strace $0x90000046  }
0xb2: {  	s29 =	simm.s32 $0x9;
	_ =	strace $0x80000048  }
0xb3: {  	_ =	swait.ge [sflag:s29], $0x1  }
0xb4: {  	[sflag:s29] =	ssyncadd.s32 $0xFFFFFFFF  }
0xb5: {  	_ =	strace $0x90000048  }
0xb6: {  	_ =	sfence  }
0xb7: {  	s30 =	sld [smem:$0x0];
	_ =	sdelay $0x2  }
0xb8: {  	s31 =	sshll.u32 s1, $0xD;
	s1 =	sshrl.u32 s1, $0x2  }
0xb9: {  	s3 =	sand.u32 $0x4000, s31;
	s1 =	sadd.s32 s1, s30  }
0xba: {  	s0 =	sor.u32 s3, s0;
	s1 =	sshll.u32 s1, $0x11  }
0xbb: {  	s0 =	sor.u32 s1, s0  }
0xbc: {  	s0 =	sadd.s32 $0x8F2B, s0  }
0xbd: {  	[sflag:s0] =	ssyncadd.remote.s32 $0x1  }
0xbe: {  	_ =	sfence.sel $0xFFFF  }
0xbf: {  	[dreg:$0x0] =	wrdreg $0xFFFFFFFF;
	(pc) =	sbr.abs _section_cstart, $3  }
0xc0: {  	[dreg:$0x1] =	wrdreg $0xFFFFFFFF  }
0xc1: {  	_ =	task.clear_ibuf [dreg:s6], $0x2FFFF;
	_ =	strace $0x9FFFFFFF  }
0xc2: {  	(tm) =	ssettm $0x7FFFFFFF  }
0xc3: {  	_ =	shalt  }
tec
execute0_lowered:
.L_overlay_start_1:
0x0: {  	(tag) =	ssettag $0x1  }
0x1: {  	s9 =	rddreg [dreg:$0x0]  }
0x2: {  	s1 =	rddreg [dreg:$0x1]  }
0x3: {  	s2 =	srdreg.scid;
	s0 =	rddreg [dreg:$0x2];
	s3 =	simm.s32 $0x0  }
0x4: {  	s13 =	simm.s32 $0x1;
	s14 =	simm.s32 $0x2710;
	s15 =	simm.s32 $0x7D  }
0x5: {  	s18 =	simm.s32 $0x10;
	s4 =	sand.u32 $0x1, s2;
	s2 =	stileid.u32  }
0x6: {  	s19 =	simm.s32 $0x2;
	[smem:$0x7FF] =	sst s3;
	s5 =	smul.u32 $0x138800, s4  }
0x7: {  	s6 =	smul.u32 $0x13880, s2;
	_ =	strace $0x80000047;
	s30 =	sshll.u32 s2, $0x1  }
0x8: {  	s7 =	smul.u32 $0x9C40, s2;
	s8 =	ssub.s32 $0x2, s4;
	s16 =	sshll.u32 s2, $0x6  }
0x9: {  	s4 =	sor.u32 s4, s30;
	s31 =	sshrl.u32 s8, $0x1;
	s16 =	sor.u32 $0x1C01, s16  }
0xa: {  	s5 =	sadd.s32 s6, s5;
	s7 =	sshrl.u32 s7, $0x2;
	s10 =	smul.u32 $0x2800, s4  }
0xb: {  	s12 =	ssub.s32 s8, s31;
	s5 =	sshrl.u32 s5, $0x3;
	s4 =	sadd.s32 s7, s1  }
0xc: {  	s11 =	sadd.s32 s5, s9;
	s5 =	sadd.s32 $0x7D0, s4;
	s6 =	sadd.s32 $0xFA0, s4  }
0xd: {  	s10 =	sshrl.u32 s10, $0x3;
	s7 =	sadd.s32 $0x1770, s4;
	s8 =	sadd.s32 $0x1F40, s4  }
0xe: {  	s17 =	sshrl.u32 s4, $0x3;
	s9 =	sadd.s32 s9, s10;
	s10 =	sadd.s32 $0x18200, s11  }
0xf: {  	v0 =	vimm.f32 $0.0e+00;
	v1 =	vimm.f32 $1.000000000e+00;
	s11 =	smax.u32 s12, $0x1;
	s12 =	simm.s32 $0x4F10;
	s9 =	sadd.s32 $0xE200, s9  }
.LBB2_1:
0x10: {  	s20 =	simm.s32 $0x40;
	s21 =	simm.s32 $0x0  }
.LBB2_2:
0x11: {  	p0 =	sne.s32 s20, $0x1F00;
	[tilespmem:s21+$0x4F10] =	vst v0;
	s21 =	smov.u32 s20;
	s20 =	sadd.s32 $0x40, s20  }
.Ltmp0:
0x12: {  	(pc) =	sbr.rel @p0 .LBB2_2-.Ltmp0, $2  }
0x13: {  	_ =	sdelay $0x2  }
0x14: {  	s21 =	sshra.s32 s21, $0x2  }
0x15: {  	[tilespmem:s21+$0x4F10] =	vst v0  }
0x16: {  	[spmem:s4] =	stream.linear.scatter [tilespmem:s12], [sflag:$0x1], $0x7D0, $0x38;
	[tilespmem:$0x56E0] =	vst v63  }
0x17: {  	_ =	swait.ge [sflag:s13], $0x7D0  }
0x18: {  	[sflag:s13] =	ssyncset.done $0x0  }
0x19: {  	[sflag:s13] =	ssyncadd.s32 $0xFFFFF830  }
0x1a: {  	[spmem:s5] =	stream.linear.scatter [tilespmem:s12], [sflag:$0x1], $0x7D0, $0x38;
	[tilespmem:$0x56E0] =	vst v63  }
0x1b: {  	_ =	swait.ge [sflag:s13], $0x7D0  }
0x1c: {  	[sflag:s13] =	ssyncset.done $0x0  }
0x1d: {  	[sflag:s13] =	ssyncadd.s32 $0xFFFFF830  }
0x1e: {  	[spmem:s6] =	stream.linear.scatter [tilespmem:s12], [sflag:$0x1], $0x7D0, $0x38;
	[tilespmem:$0x56E0] =	vst v63  }
0x1f: {  	_ =	swait.ge [sflag:s13], $0x7D0  }
0x20: {  	[sflag:s13] =	ssyncset.done $0x0  }
0x21: {  	[sflag:s13] =	ssyncadd.s32 $0xFFFFF830  }
0x22: {  	[spmem:s7] =	stream.linear.scatter [tilespmem:s12], [sflag:$0x1], $0x7D0, $0x38;
	[tilespmem:$0x56E0] =	vst v63  }
0x23: {  	_ =	swait.ge [sflag:s13], $0x7D0  }
0x24: {  	[sflag:s13] =	ssyncset.done $0x0  }
0x25: {  	[sflag:s13] =	ssyncadd.s32 $0xFFFFF830  }
0x26: {  	[spmem:s8] =	stream.linear.scatter [tilespmem:s12], [sflag:$0x1], $0x7D0, $0x38;
	[tilespmem:$0x56E0] =	vst v63  }
0x27: {  	_ =	swait.ge [sflag:s13], $0x7D0  }
0x28: {  	[sflag:s13] =	ssyncset.done $0x0  }
0x29: {  	[sflag:s13] =	ssyncadd.s32 $0xFFFFF830  }
0x2a: {  	s20 =	simm.s32 $0x0;
	[bflag:$0x0] =	sbarrier.arrive $0xFFFF  }
0x2b: {  	[tilespmem:s14], [sflag:$0x1] =	stream.linear.gather [hbm4b:s9+s20], $0x2800, $0x38;
	[tilespmem:$0x56E0] =	vst v63  }
0x2c: {  	_ =	swait.ge [sflag:s13], $0x2800  }
0x2d: {  	[sflag:s13] =	ssyncset.done $0x0  }
0x2e: {  	s21 =	simm.s32 $0x0;
	s20 =	simm.s32 $0x40;
	[sflag:s13] =	ssyncadd.s32 $0xFFFFD800  }
.LBB2_4:
0x2f: {  	p0 =	sne.s32 s20, $0x1F00;
	[tilespmem:s21+$0x4F10] =	vst v1;
	s21 =	smov.u32 s20;
	s20 =	sadd.s32 $0x40, s20  }
.Ltmp1:
0x30: {  	(pc) =	sbr.rel @p0 .LBB2_4-.Ltmp1, $2  }
0x31: {  	_ =	sdelay $0x2  }
0x32: {  	s21 =	sshra.s32 s21, $0x2  }
0x33: {  	[tilespmem:s21+$0x4F10] =	vst v1;
	s20 =	simm.s32 $0x2710  }
0x34: {  	[spmem:s1] =	stream.indirect.scatter.add.f32 [tilespmem:s12], [sflag:$0x1], $0x10, s20, s15, $0xb8;
	[tilespmem:$0x56E0] =	vst v63  }
0x35: {  	s20 =	simm.s32 $0x200;
	_ =	swait.ge [sflag:s13], $0x7D0  }
.LBB2_6:
0x36: {  	s21 =	sshra.s32 s20, $0x2;
	[sflag:s13] =	ssyncset.done $0x0;
	p0 =	sne.s32 s20, $0x9E00  }
.Ltmp2:
0x37: {  	s21 =	sadd.s32 $0x2710, s21;
	[sflag:s13] =	ssyncadd.s32 $0xFFFFF830;
	(pc) =	sbr.rel @p0 .LBB2_6-.Ltmp2, $3  }
0x38: {  	[spmem:s1] =	stream.indirect.scatter.add.f32 [tilespmem:s12], [sflag:$0x1], $0x10, s21, s15, $0xb8;
	[tilespmem:$0x56E0] =	vst v63  }
0x39: {  	s20 =	sadd.s32 $0x200, s20;
	_ =	sdelay $0x1  }
0x3a: {  	_ =	swait.ge [sflag:s13], $0x7D0  }
0x3b: {  	[sflag:s13] =	ssyncset.done $0x0;
	s3 =	sadd.s32 $0x1, s3  }
0x3c: {  	[sflag:s13] =	ssyncadd.s32 $0xFFFFF830;
	p0 =	sne.s32 s3, s11  }
.Ltmp3:
0x3d: {  	[bflag:$0x0] =	sbarrier.arrive $0xFFFF;
	(pc) =	sbr.rel @p0 .LBB2_1-.Ltmp3, $4  }
0x3e: {  	[hbm:s10@s18], [sflag:s16] =	dma.strided [spmem:s17@s19], $0x4E2, s13, $0x2   }
0x3f: {  	_ =	swait.ge [sflag:s13], $0x4E2  }
0x40: {  	[sflag:s13] =	ssyncset.done $0x0  }
0x41: {  	[sflag:s13] =	ssyncadd.s32 $0xFFFFFB1E  }
0x42: {  	_ =	sfence.sel $0x180000  }
0x43: {  	[bflag:$0x0] =	sbarrier.arrive $0xFFFF  }
0x44: {  	p0 =	sne.s32 s2, $0x0;
	_ =	strace $0x90000047  }
0x45: {  	s0 =	sadd.s32 @!p0 $0x100000, s0;
	[bflag:$0x2] =	sbarrier.arrive $0xFFFF  }
0x46: {  	[sflag:s0] =	ssyncadd.tile.s32 @!p0 $0x1;
	_ =	shalt  }
.Lfunc_end2:
_tile_overlayer_lowered:
.L_overlay_start_2:
0x47: {  	(tag) =	ssettag $0x2  }
0x48: {  	s0 =	rddreg [dreg:$0x0];
	s2 =	stileid.u32  }
0x49: {  	s1 =	rddreg [dreg:$0x1];
	p0 =	sne.s32 s2, $0x0  }
0x4a: {  	s3 =	rddreg [dreg:$0x2];
	[bflag:$0x3] =	sbarrier.arrive $0xFFFF;
	s2 =	simm.s32 @!p0 $0x1C01  }
0x4b: {  	[timem:s3], [sflag:s2] =	dma.local @!p0 [hbm:s0], s1  }
0x4c: {  	s0 =	simm.s32 @!p0 $0x1  }
0x4d: {  	_ =	swait.ge @!p0 [sflag:s0], s1  }
0x4e: {  	s1 =	ssub.s32 @!p0 $0x0, s1;
	[sflag:s0] =	ssyncset.done @!p0 $0x0  }
0x4f: {  	[sflag:s0] =	ssyncadd.s32 @!p0 s1  }
0x50: {  	[bflag:$0x3] =	sbarrier.arrive $0xFFFF  }
0x51: {  	_ =	shalt  }

</sc_bundles>
